<compile_context>
chip_gen: v7x
topology: tpu7x:2x2x1
jax: 0.10.2.dev20260603
libtpu: 0.0.44.dev20260713+nightly
codegen_flags: <defaults>
</compile_context>

<pallas_src>
import functools

import jax
import jax.numpy as jnp
from jax import lax
from jax.experimental import pallas as pl
from jax.experimental.pallas import tpu as pltpu
from jax.experimental.pallas import tpu_sc as plsc

N = 10000
E = 320000
D = 128
NC = 2
NS = 16
NW = NC * NS
EPW = E // NW
B = 100
SEC = 10
NSEC = 10
CHUNKS = SEC * NSEC
NACC = 10240
RPT = NACC // NS
DR = 80

_SC_PARAMS = dict(
    mesh=plsc.VectorSubcoreMesh(core_axis_name="c", subcore_axis_name="s"),
    compiler_params=pltpu.CompilerParams(needs_layout_passes=False),
)



def _sc_agg_body(y_hbm, src_hbm, dst_hbm, z_hbm,
                 agg_out,
                 src_v, dst_v, rows_v, acc, semg, sems):
    c = lax.axis_index("c")
    s = lax.axis_index("s")
    wid = c * NS + s
    row0 = s * RPT
    pltpu.sync_copy(z_hbm, rows_v.at[0])

    def z_body(k, carry):
        pltpu.async_copy(rows_v.at[0, pl.ds(0, DR)],
                         acc.at[pl.ds(row0 + k * DR, DR)], sems)
        return carry

    lax.fori_loop(0, RPT // DR, z_body, 0)

    def zw_body(k, carry):
        pltpu.make_async_copy(rows_v.at[0, pl.ds(0, DR)],
                              acc.at[pl.ds(row0 + k * DR, DR)], sems).wait()
        return carry

    lax.fori_loop(0, RPT // DR, zw_body, 0)
    plsc.subcore_barrier()

    pltpu.sync_copy(src_hbm.at[wid, 0], src_v.at[0])
    pltpu.sync_copy(dst_hbm.at[wid, 0], dst_v.at[0])
    pltpu.async_copy(y_hbm.at[src_v.at[0, 0]], rows_v.at[0], semg)
    pltpu.async_copy(y_hbm.at[src_v.at[0, 1]], rows_v.at[1], semg)

    def body(j, carry):
        sec = j // SEC
        off = j % SEC
        par = sec % 2
        buf = j % 3
        jn = j + 2
        jp = j - 1

        @pl.when(jp >= 0)
        def _drain_prev():
            parp = (jp // SEC) % 2
            offp = jp % SEC
            pltpu.make_async_copy(
                rows_v.at[jp % 3], acc.at[dst_v.at[parp, offp]],
                sems).wait()

        @pl.when(jn < CHUNKS)
        def _prefetch():
            secn = jn // SEC
            offn = jn % SEC
            parn = secn % 2

            @pl.when(offn == 0)
            def _refill():
                pltpu.sync_copy(src_hbm.at[wid, secn], src_v.at[parn])
                pltpu.sync_copy(dst_hbm.at[wid, secn], dst_v.at[parn])

            pltpu.async_copy(
                y_hbm.at[src_v.at[parn, offn]], rows_v.at[jn % 3], semg)

        pltpu.make_async_copy(
            y_hbm.at[src_v.at[par, off]], rows_v.at[buf], semg).wait()
        pltpu.async_copy(rows_v.at[buf], acc.at[dst_v.at[par, off]], sems,
                         add=True)
        return carry

    lax.fori_loop(0, CHUNKS, body, 0)
    jl = CHUNKS - 1
    pltpu.make_async_copy(
        rows_v.at[jl % 3],
        acc.at[dst_v.at[(jl // SEC) % 2, jl % SEC]], sems).wait()
    plsc.subcore_barrier()

    pltpu.async_copy(acc.at[pl.ds(row0, DR)], rows_v.at[0, pl.ds(0, DR)],
                     semg)

    def d_body(k, carry):
        pltpu.make_async_copy(acc.at[pl.ds(row0 + k * DR, DR)],
                              rows_v.at[k % 2, pl.ds(0, DR)], semg).wait()

        @pl.when(k + 1 < RPT // DR)
        def _next():
            pltpu.async_copy(acc.at[pl.ds(row0 + (k + 1) * DR, DR)],
                             rows_v.at[(k + 1) % 2, pl.ds(0, DR)], semg)

        pltpu.sync_copy(rows_v.at[k % 2, pl.ds(0, DR)],
                        agg_out.at[c, s, pl.ds(k * DR, DR)])
        return carry

    lax.fori_loop(0, RPT // DR, d_body, 0)


_sc_agg = functools.partial(
    pl.kernel,
    out_type=jax.ShapeDtypeStruct((NC, NS, RPT, D), jnp.float32),
    scratch_types=[
        pltpu.VMEM((2, SEC, B), jnp.int32),
        pltpu.VMEM((2, SEC, B), jnp.int32),
        pltpu.VMEM((3, B, D), jnp.float32),
        pltpu.VMEM_SHARED((NACC, D), jnp.float32),
        pltpu.SemaphoreType.DMA,
        pltpu.SemaphoreType.DMA,
    ],
    **_SC_PARAMS,
)(_sc_agg_body)


DSEC = 125
DNSEC = 5


def _sc_deg_body(dst_hbm, zd_hbm, deg_out, dst_v, deg_v):
    c = lax.axis_index("c")
    s = lax.axis_index("s")
    wid = c * NS + s
    pltpu.sync_copy(zd_hbm, deg_v)
    ones16 = jnp.full((16,), 1.0, jnp.float32)

    def sec_body(g, carry):
        pltpu.sync_copy(dst_hbm.at[wid, g], dst_v)

        def body(j, carry2):
            plsc.addupdate_scatter(deg_v, [dst_v[j]], ones16)
            return carry2

        return lax.fori_loop(0, DSEC, body, carry)

    lax.fori_loop(0, DNSEC, sec_body, 0)
    pltpu.sync_copy(deg_v, deg_out.at[wid])


_sc_deg = functools.partial(
    pl.kernel,
    out_type=jax.ShapeDtypeStruct((NW, NACC), jnp.float32),
    scratch_types=[
        pltpu.VMEM((DSEC, 16), jnp.int32),
        pltpu.VMEM((NACC,), jnp.float32),
    ],
    **_SC_PARAMS,
)(_sc_deg_body)



BLK = 2000


def _tc_pre_body(x_ref, wl_ref, wr_ref, b_ref, y_ref, z_ref):
    xb = x_ref[...]
    y_ref[...] = jnp.dot(xb, wl_ref[...], precision=lax.Precision.HIGHEST)
    z_ref[...] = jnp.dot(xb, wr_ref[...], precision=lax.Precision.HIGHEST) + b_ref[...]


def _tc_pre(x, wlT, wrT, b):
    return pl.pallas_call(
        _tc_pre_body,
        grid=(N // BLK,),
        in_specs=[
            pl.BlockSpec((BLK, D), lambda i: (i, 0)),
            pl.BlockSpec((D, D), lambda i: (0, 0)),
            pl.BlockSpec((D, D), lambda i: (0, 0)),
            pl.BlockSpec((1, D), lambda i: (0, 0)),
        ],
        out_specs=[
            pl.BlockSpec((BLK, D), lambda i: (i, 0)),
            pl.BlockSpec((BLK, D), lambda i: (i, 0)),
        ],
        out_shape=[
            jax.ShapeDtypeStruct((N, D), jnp.float32),
            jax.ShapeDtypeStruct((N, D), jnp.float32),
        ],
    )(x, wlT, wrT, b)


def _tc_mid_body(p_ref, dg_ref, z1_ref, wl_ref, wr_ref, b_ref, y_ref, z_ref):
    deg = jnp.sum(dg_ref[...], axis=1, keepdims=True)
    inv = 1.0 / jnp.maximum(deg, 1.0)
    h = (p_ref[0] + p_ref[1]) * inv + z1_ref[...]
    h = jnp.maximum(h, 0.0)
    y_ref[...] = jnp.dot(h, wl_ref[...], precision=lax.Precision.HIGHEST)
    z_ref[...] = jnp.dot(h, wr_ref[...], precision=lax.Precision.HIGHEST) + b_ref[...]


def _tc_mid(p, dg, z1, wlT, wrT, b):
    return pl.pallas_call(
        _tc_mid_body,
        grid=(N // BLK,),
        in_specs=[
            pl.BlockSpec((NC, BLK, D), lambda i: (0, i, 0)),
            pl.BlockSpec((BLK, NW), lambda i: (i, 0)),
            pl.BlockSpec((BLK, D), lambda i: (i, 0)),
            pl.BlockSpec((D, D), lambda i: (0, 0)),
            pl.BlockSpec((D, D), lambda i: (0, 0)),
            pl.BlockSpec((1, D), lambda i: (0, 0)),
        ],
        out_specs=[
            pl.BlockSpec((BLK, D), lambda i: (i, 0)),
            pl.BlockSpec((BLK, D), lambda i: (i, 0)),
        ],
        out_shape=[
            jax.ShapeDtypeStruct((N, D), jnp.float32),
            jax.ShapeDtypeStruct((N, D), jnp.float32),
        ],
    )(p, dg, z1, wlT, wrT, b)


def _tc_post_body(p_ref, dg_ref, z2_ref, o_ref):
    deg = jnp.sum(dg_ref[...], axis=1, keepdims=True)
    inv = 1.0 / jnp.maximum(deg, 1.0)
    o_ref[...] = (p_ref[0] + p_ref[1]) * inv + z2_ref[...]


def _tc_post(p, dg, z2):
    return pl.pallas_call(
        _tc_post_body,
        grid=(N // BLK,),
        in_specs=[
            pl.BlockSpec((NC, BLK, D), lambda i: (0, i, 0)),
            pl.BlockSpec((BLK, NW), lambda i: (i, 0)),
            pl.BlockSpec((BLK, D), lambda i: (i, 0)),
        ],
        out_specs=pl.BlockSpec((BLK, D), lambda i: (i, 0)),
        out_shape=jax.ShapeDtypeStruct((N, D), jnp.float32),
    )(p, dg, z2)


def kernel(x, edge_index, W_l1, b_l1, W_r1, W_l2, b_l2, W_r2):
    src = edge_index[0].astype(jnp.int32).reshape(NW, NSEC, SEC, B)
    dst = edge_index[1].astype(jnp.int32).reshape(NW, NSEC, SEC, B)
    dstd = edge_index[1].astype(jnp.int32).reshape(NW, DNSEC, DSEC, 16)
    z = jnp.zeros((B, D), jnp.float32)
    zd = jnp.zeros((NACC,), jnp.float32)

    dgT = _sc_deg(dstd, zd).T
    y1, z1 = _tc_pre(x, W_l1.T, W_r1.T, b_l1.reshape(1, D))
    p1 = _sc_agg(y1, src, dst, z).reshape(NC, NACC, D)
    y2, z2 = _tc_mid(p1, dgT, z1, W_l2.T, W_r2.T, b_l2.reshape(1, D))
    p2 = _sc_agg(y2, src, dst, z).reshape(NC, NACC, D)
    return _tc_post(p2, dgT, z2)

# --- scband reference (transcript-rebuilt; emitter-appended) ---
"""Pipeline reference for scband-sage-simple-5342939316793 (READ-ONLY COPY).

The authoritative reference and input builder live on the scoring server;
editing this copy changes nothing except your own understanding.
"""

import jax, jax.numpy as jnp
import numpy as np

N_NODES = 10000
N_EDGES = 320000
D_IN = 128
D_HID = 128
D_OUT = 128


def setup_inputs(seed: int = 0) -> dict:
    key = jax.random.key(seed)
    ks = jax.random.split(key, 8)
    x = jax.random.normal(ks[0], (N_NODES, D_IN), dtype=jnp.float32)
    edge_index = jax.random.randint(ks[1], (2, N_EDGES), 0, N_NODES, dtype=jnp.int64)
    s = 1.0 / np.sqrt(D_IN)
    W_l1 = jax.random.normal(ks[2], (D_HID, D_IN), dtype=jnp.float32) * s
    b_l1 = jnp.zeros((D_HID,), dtype=jnp.float32)
    W_r1 = jax.random.normal(ks[3], (D_HID, D_IN), dtype=jnp.float32) * s
    s2 = 1.0 / np.sqrt(D_HID)
    W_l2 = jax.random.normal(ks[4], (D_OUT, D_HID), dtype=jnp.float32) * s2
    b_l2 = jnp.zeros((D_OUT,), dtype=jnp.float32)
    W_r2 = jax.random.normal(ks[5], (D_OUT, D_HID), dtype=jnp.float32) * s2
    return {"x": x, "edge_index": edge_index, "W_l1": W_l1, "b_l1": b_l1, "W_r1": W_r1, "W_l2": W_l2, "b_l2": b_l2, "W_r2": W_r2}


def _sage_conv(x, edge_index, W_l, b_l, W_r):
    # GraphSAGE conv: mean aggregation of neighbor (source) features onto dst,
    # then out = lin_l(mean_agg) + lin_r(x_self); bias on the aggregated branch.
    src = edge_index[0]
    dst = edge_index[1]
    n = x.shape[0]
    msg = jnp.take(x, src, axis=0)                               # gather [E, d]
    agg = jax.ops.segment_sum(msg, dst, num_segments=n)          # scatter-add [N, d]
    deg = jax.ops.segment_sum(jnp.ones((msg.shape[0],), dtype=x.dtype), dst, num_segments=n)
    mean = agg / jnp.clip(deg, 1.0)[:, None]
    return mean @ W_l.T + b_l + x @ W_r.T


def reference(x, edge_index, W_l1, b_l1, W_r1, W_l2, b_l2, W_r2):
    # Layer 1 + ReLU (dropout is identity in eval mode)
    h = _sage_conv(x, edge_index, W_l1, b_l1, W_r1)
    h = jax.nn.relu(h)
    # Final layer (no activation)
    out = _sage_conv(h, edge_index, W_l2, b_l2, W_r2)
    return out

if __name__ == "__main__":
    import jax
    _d = setup_inputs()
    print(jax.jit(kernel)(*tuple(_d.values())))

</pallas_src>

<mosaic_0001>
#map = affine_map<(d0, d1) -> (0, 0)>
#map1 = affine_map<(d0, d1) -> (0, 0, 0, 0)>
module attributes {stable_mosaic.version = 14 : i64} {
  func.func @_sc_agg_body(%arg0: i32, %arg1: i32, %arg2: memref<10000x128xf32, #tpu.memory_space<hbm>>, %arg3: memref<32x10x10x100xi32, #tpu.memory_space<hbm>>, %arg4: memref<32x10x10x100xi32, #tpu.memory_space<hbm>>, %arg5: memref<100x128xf32, #tpu.memory_space<hbm>>, %arg6: memref<2x16x640x128xf32, #tpu.memory_space<hbm>>, %arg7: memref<2x10x100xi32, #tpu.memory_space<vmem>>, %arg8: memref<2x10x100xi32, #tpu.memory_space<vmem>>, %arg9: memref<3x100x128xf32, #tpu.memory_space<vmem>>, %arg10: memref<10240x128xf32, #tpu.memory_space<vmem_shared>>, %arg11: memref<!tpu.dma_semaphore, #tpu.memory_space<semaphore_mem>>, %arg12: memref<!tpu.dma_semaphore, #tpu.memory_space<semaphore_mem>>) attributes {dimension_semantics = [#tpu.dimension_semantics<core_parallel>, #tpu.dimension_semantics<subcore_parallel>], iteration_bounds = array<i64: 2, 16>, scalar_prefetch = 0 : i64, scratch_operands = 6 : i64, tpu.core_type = #tpu.core_type<sc_vector_subcore>, window_params = [{transform_indices = #map}, {transform_indices = #map1}, {transform_indices = #map1}, {transform_indices = #map}, {transform_indices = #map1}]} {
    %mul3A = arith.constant 16 : i32
    %mul3A_0 = arith.muli %arg0, %mul3A : i32
    %add3A = arith.addi %mul3A_0, %arg1 : i32
    %mul3A_1 = arith.constant 640 : i32
    %mul3A_2 = arith.muli %arg1, %mul3A_1 : i32
    %run_scoped3A = arith.constant 0 : i32
    "tpu.region"() ({
      %run_scoped3A_81 = tpu.sem_alloc : memref<!tpu.dma_semaphore, #tpu.memory_space<semaphore_mem>>
      %dma_start3A_82 = arith.constant 0 : i32
      %dma_start3A_83 = arith.constant 0 : i32
      %dma_start3A_84 = tpu.memref_slice %arg9[%run_scoped3A, %dma_start3A_82, %dma_start3A_83] : memref<3x100x128xf32, #tpu.memory_space<vmem>> -> memref<1x100x128xf32, #tpu.memory_space<vmem>>
      %dma_start3A_85 = tpu.memref_squeeze %dma_start3A_84 : memref<1x100x128xf32, #tpu.memory_space<vmem>> -> memref<100x128xf32, #tpu.memory_space<vmem>>
      %dma_start3A_86 = arith.constant 0 : i32
      %dma_start3A_87 = arith.constant 0 : i32
      %dma_start3A_88 = tpu.memref_slice %arg9[%run_scoped3A, %dma_start3A_86, %dma_start3A_87] : memref<3x100x128xf32, #tpu.memory_space<vmem>> -> memref<1x100x128xf32, #tpu.memory_space<vmem>>
      %dma_start3A_89 = tpu.memref_squeeze %dma_start3A_88 : memref<1x100x128xf32, #tpu.memory_space<vmem>> -> memref<100x128xf32, #tpu.memory_space<vmem>>
      tpu.enqueue_dma source(%arg5 : memref<100x128xf32, #tpu.memory_space<hbm>>) target(%dma_start3A_89 : memref<100x128xf32, #tpu.memory_space<vmem>>) target_semaphore(%run_scoped3A_81 : memref<!tpu.dma_semaphore, #tpu.memory_space<semaphore_mem>>)
      %dma_wait3A_90 = arith.constant 0 : i32
      %dma_wait3A_91 = arith.constant 0 : i32
      %dma_wait3A_92 = tpu.memref_slice %arg9[%run_scoped3A, %dma_wait3A_90, %dma_wait3A_91] : memref<3x100x128xf32, #tpu.memory_space<vmem>> -> memref<1x100x128xf32, #tpu.memory_space<vmem>>
      %dma_wait3A_93 = tpu.memref_squeeze %dma_wait3A_92 : memref<1x100x128xf32, #tpu.memory_space<vmem>> -> memref<100x128xf32, #tpu.memory_space<vmem>>
      %dma_wait3A_94 = arith.constant 0 : i32
      %dma_wait3A_95 = arith.constant 0 : i32
      %dma_wait3A_96 = tpu.memref_slice %arg9[%run_scoped3A, %dma_wait3A_94, %dma_wait3A_95] : memref<3x100x128xf32, #tpu.memory_space<vmem>> -> memref<1x100x128xf32, #tpu.memory_space<vmem>>
      %dma_wait3A_97 = tpu.memref_squeeze %dma_wait3A_96 : memref<1x100x128xf32, #tpu.memory_space<vmem>> -> memref<100x128xf32, #tpu.memory_space<vmem>>
      tpu.wait_dma2 semaphore(%run_scoped3A_81 : memref<!tpu.dma_semaphore, #tpu.memory_space<semaphore_mem>>) src(%arg5 : memref<100x128xf32, #tpu.memory_space<hbm>>) dst(%dma_wait3A_97 : memref<100x128xf32, #tpu.memory_space<vmem>>)
      tpu.yield
    }) : () -> ()
    %scan3A = arith.constant 0 : i32
    %scan3A_3 = arith.constant 0 : i32
    %scan3A_4 = arith.constant 8 : i32
    %scan3A_5 = arith.addi %scan3A_3, %scan3A_4 : i32
    %scan3A_6 = arith.constant 1 : i32
    scf.for %scan3A_81 = %scan3A_3 to %scan3A_5 step %scan3A_6  : i32 {
      %mul3A_82 = arith.constant 80 : i32
      %mul3A_83 = arith.muli %scan3A_81, %mul3A_82 : i32
      %add3A_84 = arith.addi %mul3A_2, %mul3A_83 : i32
      %dma_start3A_85 = arith.constant 0 : i32
      %dma_start3A_86 = arith.constant 0 : i32
      %dma_start3A_87 = arith.constant 0 : i32
      %dma_start3A_88 = tpu.memref_slice %arg9[%dma_start3A_85, %dma_start3A_86, %dma_start3A_87] : memref<3x100x128xf32, #tpu.memory_space<vmem>> -> memref<1x80x128xf32, #tpu.memory_space<vmem>>
      %dma_start3A_89 = tpu.memref_squeeze %dma_start3A_88 : memref<1x80x128xf32, #tpu.memory_space<vmem>> -> memref<80x128xf32, #tpu.memory_space<vmem>>
      %dma_start3A_90 = arith.constant 0 : i32
      %dma_start3A_91 = tpu.memref_slice %arg10[%add3A_84, %dma_start3A_90] : memref<10240x128xf32, #tpu.memory_space<vmem_shared>> -> memref<80x128xf32, #tpu.memory_space<vmem_shared>>
      %dma_start3A_92 = arith.constant 0 : i32
      %dma_start3A_93 = tpu.memref_slice %arg10[%add3A_84, %dma_start3A_92] : memref<10240x128xf32, #tpu.memory_space<vmem_shared>> -> memref<80x128xf32, #tpu.memory_space<vmem_shared>>
      %dma_start3A_94 = arith.constant 0 : i32
      %dma_start3A_95 = arith.constant 0 : i32
      %dma_start3A_96 = tpu.memref_slice %arg9[%dma_start3A_85, %dma_start3A_94, %dma_start3A_95] : memref<3x100x128xf32, #tpu.memory_space<vmem>> -> memref<1x80x128xf32, #tpu.memory_space<vmem>>
      %dma_start3A_97 = tpu.memref_squeeze %dma_start3A_96 : memref<1x80x128xf32, #tpu.memory_space<vmem>> -> memref<80x128xf32, #tpu.memory_space<vmem>>
      tpu.enqueue_dma source(%dma_start3A_97 : memref<80x128xf32, #tpu.memory_space<vmem>>) target(%dma_start3A_93 : memref<80x128xf32, #tpu.memory_space<vmem_shared>>) target_semaphore(%arg12 : memref<!tpu.dma_semaphore, #tpu.memory_space<semaphore_mem>>)
    }
    %scan3A_7 = arith.constant 8 : i32
    %scan3A_8 = arith.constant 0 : i32
    %scan3A_9 = arith.constant 0 : i32
    %scan3A_10 = arith.constant 8 : i32
    %scan3A_11 = arith.addi %scan3A_9, %scan3A_10 : i32
    %scan3A_12 = arith.constant 1 : i32
    scf.for %scan3A_81 = %scan3A_9 to %scan3A_11 step %scan3A_12  : i32 {
      %mul3A_82 = arith.constant 80 : i32
      %mul3A_83 = arith.muli %scan3A_81, %mul3A_82 : i32
      %add3A_84 = arith.addi %mul3A_2, %mul3A_83 : i32
      %dma_wait3A_85 = arith.constant 0 : i32
      %dma_wait3A_86 = arith.constant 0 : i32
      %dma_wait3A_87 = arith.constant 0 : i32
      %dma_wait3A_88 = tpu.memref_slice %arg9[%dma_wait3A_85, %dma_wait3A_86, %dma_wait3A_87] : memref<3x100x128xf32, #tpu.memory_space<vmem>> -> memref<1x80x128xf32, #tpu.memory_space<vmem>>
      %dma_wait3A_89 = tpu.memref_squeeze %dma_wait3A_88 : memref<1x80x128xf32, #tpu.memory_space<vmem>> -> memref<80x128xf32, #tpu.memory_space<vmem>>
      %dma_wait3A_90 = arith.constant 0 : i32
      %dma_wait3A_91 = tpu.memref_slice %arg10[%add3A_84, %dma_wait3A_90] : memref<10240x128xf32, #tpu.memory_space<vmem_shared>> -> memref<80x128xf32, #tpu.memory_space<vmem_shared>>
      %dma_wait3A_92 = arith.constant 0 : i32
      %dma_wait3A_93 = tpu.memref_slice %arg10[%add3A_84, %dma_wait3A_92] : memref<10240x128xf32, #tpu.memory_space<vmem_shared>> -> memref<80x128xf32, #tpu.memory_space<vmem_shared>>
      %dma_wait3A_94 = arith.constant 0 : i32
      %dma_wait3A_95 = arith.constant 0 : i32
      %dma_wait3A_96 = tpu.memref_slice %arg9[%dma_wait3A_85, %dma_wait3A_94, %dma_wait3A_95] : memref<3x100x128xf32, #tpu.memory_space<vmem>> -> memref<1x80x128xf32, #tpu.memory_space<vmem>>
      %dma_wait3A_97 = tpu.memref_squeeze %dma_wait3A_96 : memref<1x80x128xf32, #tpu.memory_space<vmem>> -> memref<80x128xf32, #tpu.memory_space<vmem>>
      tpu.wait_dma2 semaphore(%arg12 : memref<!tpu.dma_semaphore, #tpu.memory_space<semaphore_mem>>) src(%dma_wait3A_97 : memref<80x128xf32, #tpu.memory_space<vmem>>) dst(%dma_wait3A_93 : memref<80x128xf32, #tpu.memory_space<vmem_shared>>)
    }
    %scan3A_13 = arith.constant 8 : i32
    %barrier3A = arith.constant 0 : index
    tpu.barrier barrier_id(%barrier3A)
    %run_scoped3A_14 = arith.constant 0 : i32
    %run_scoped3A_15 = arith.constant 0 : i32
    "tpu.region"() ({
      %run_scoped3A_81 = tpu.sem_alloc : memref<!tpu.dma_semaphore, #tpu.memory_space<semaphore_mem>>
      %dma_start3A_82 = arith.constant 0 : i32
      %dma_start3A_83 = arith.constant 0 : i32
      %dma_start3A_84 = tpu.memref_slice %arg7[%run_scoped3A_15, %dma_start3A_82, %dma_start3A_83] : memref<2x10x100xi32, #tpu.memory_space<vmem>> -> memref<1x10x100xi32, #tpu.memory_space<vmem>>
      %dma_start3A_85 = tpu.memref_squeeze %dma_start3A_84 : memref<1x10x100xi32, #tpu.memory_space<vmem>> -> memref<10x100xi32, #tpu.memory_space<vmem>>
      %dma_start3A_86 = arith.constant 0 : i32
      %dma_start3A_87 = arith.constant 0 : i32
      %dma_start3A_88 = tpu.memref_slice %arg3[%add3A, %run_scoped3A_14, %dma_start3A_86, %dma_start3A_87] : memref<32x10x10x100xi32, #tpu.memory_space<hbm>> -> memref<1x1x10x100xi32, #tpu.memory_space<hbm>>
      %dma_start3A_89 = tpu.memref_squeeze %dma_start3A_88 : memref<1x1x10x100xi32, #tpu.memory_space<hbm>> -> memref<10x100xi32, #tpu.memory_space<hbm>>
      %dma_start3A_90 = arith.constant 0 : i32
      %dma_start3A_91 = arith.constant 0 : i32
      %dma_start3A_92 = tpu.memref_slice %arg7[%run_scoped3A_15, %dma_start3A_90, %dma_start3A_91] : memref<2x10x100xi32, #tpu.memory_space<vmem>> -> memref<1x10x100xi32, #tpu.memory_space<vmem>>
      %dma_start3A_93 = tpu.memref_squeeze %dma_start3A_92 : memref<1x10x100xi32, #tpu.memory_space<vmem>> -> memref<10x100xi32, #tpu.memory_space<vmem>>
      %dma_start3A_94 = arith.constant 0 : i32
      %dma_start3A_95 = arith.constant 0 : i32
      %dma_start3A_96 = tpu.memref_slice %arg3[%add3A, %run_scoped3A_14, %dma_start3A_94, %dma_start3A_95] : memref<32x10x10x100xi32, #tpu.memory_space<hbm>> -> memref<1x1x10x100xi32, #tpu.memory_space<hbm>>
      %dma_start3A_97 = tpu.memref_squeeze %dma_start3A_96 : memref<1x1x10x100xi32, #tpu.memory_space<hbm>> -> memref<10x100xi32, #tpu.memory_space<hbm>>
      tpu.enqueue_dma source(%dma_start3A_97 : memref<10x100xi32, #tpu.memory_space<hbm>>) target(%dma_start3A_93 : memref<10x100xi32, #tpu.memory_space<vmem>>) target_semaphore(%run_scoped3A_81 : memref<!tpu.dma_semaphore, #tpu.memory_space<semaphore_mem>>)
      %dma_wait3A_98 = arith.constant 0 : i32
      %dma_wait3A_99 = arith.constant 0 : i32
      %dma_wait3A_100 = tpu.memref_slice %arg7[%run_scoped3A_15, %dma_wait3A_98, %dma_wait3A_99] : memref<2x10x100xi32, #tpu.memory_space<vmem>> -> memref<1x10x100xi32, #tpu.memory_space<vmem>>
      %dma_wait3A_101 = tpu.memref_squeeze %dma_wait3A_100 : memref<1x10x100xi32, #tpu.memory_space<vmem>> -> memref<10x100xi32, #tpu.memory_space<vmem>>
      %dma_wait3A_102 = arith.constant 0 : i32
      %dma_wait3A_103 = arith.constant 0 : i32
      %dma_wait3A_104 = tpu.memref_slice %arg3[%add3A, %run_scoped3A_14, %dma_wait3A_102, %dma_wait3A_103] : memref<32x10x10x100xi32, #tpu.memory_space<hbm>> -> memref<1x1x10x100xi32, #tpu.memory_space<hbm>>
      %dma_wait3A_105 = tpu.memref_squeeze %dma_wait3A_104 : memref<1x1x10x100xi32, #tpu.memory_space<hbm>> -> memref<10x100xi32, #tpu.memory_space<hbm>>
      %dma_wait3A_106 = arith.constant 0 : i32
      %dma_wait3A_107 = arith.constant 0 : i32
      %dma_wait3A_108 = tpu.memref_slice %arg7[%run_scoped3A_15, %dma_wait3A_106, %dma_wait3A_107] : memref<2x10x100xi32, #tpu.memory_space<vmem>> -> memref<1x10x100xi32, #tpu.memory_space<vmem>>
      %dma_wait3A_109 = tpu.memref_squeeze %dma_wait3A_108 : memref<1x10x100xi32, #tpu.memory_space<vmem>> -> memref<10x100xi32, #tpu.memory_space<vmem>>
      %dma_wait3A_110 = arith.constant 0 : i32
      %dma_wait3A_111 = arith.constant 0 : i32
      %dma_wait3A_112 = tpu.memref_slice %arg3[%add3A, %run_scoped3A_14, %dma_wait3A_110, %dma_wait3A_111] : memref<32x10x10x100xi32, #tpu.memory_space<hbm>> -> memref<1x1x10x100xi32, #tpu.memory_space<hbm>>
      %dma_wait3A_113 = tpu.memref_squeeze %dma_wait3A_112 : memref<1x1x10x100xi32, #tpu.memory_space<hbm>> -> memref<10x100xi32, #tpu.memory_space<hbm>>
      tpu.wait_dma2 semaphore(%run_scoped3A_81 : memref<!tpu.dma_semaphore, #tpu.memory_space<semaphore_mem>>) src(%dma_wait3A_113 : memref<10x100xi32, #tpu.memory_space<hbm>>) dst(%dma_wait3A_109 : memref<10x100xi32, #tpu.memory_space<vmem>>)
      tpu.yield
    }) : () -> ()
    %run_scoped3A_16 = arith.constant 0 : i32
    %run_scoped3A_17 = arith.constant 0 : i32
    "tpu.region"() ({
      %run_scoped3A_81 = tpu.sem_alloc : memref<!tpu.dma_semaphore, #tpu.memory_space<semaphore_mem>>
      %dma_start3A_82 = arith.constant 0 : i32
      %dma_start3A_83 = arith.constant 0 : i32
      %dma_start3A_84 = tpu.memref_slice %arg8[%run_scoped3A_17, %dma_start3A_82, %dma_start3A_83] : memref<2x10x100xi32, #tpu.memory_space<vmem>> -> memref<1x10x100xi32, #tpu.memory_space<vmem>>
      %dma_start3A_85 = tpu.memref_squeeze %dma_start3A_84 : memref<1x10x100xi32, #tpu.memory_space<vmem>> -> memref<10x100xi32, #tpu.memory_space<vmem>>
      %dma_start3A_86 = arith.constant 0 : i32
      %dma_start3A_87 = arith.constant 0 : i32
      %dma_start3A_88 = tpu.memref_slice %arg4[%add3A, %run_scoped3A_16, %dma_start3A_86, %dma_start3A_87] : memref<32x10x10x100xi32, #tpu.memory_space<hbm>> -> memref<1x1x10x100xi32, #tpu.memory_space<hbm>>
      %dma_start3A_89 = tpu.memref_squeeze %dma_start3A_88 : memref<1x1x10x100xi32, #tpu.memory_space<hbm>> -> memref<10x100xi32, #tpu.memory_space<hbm>>
      %dma_start3A_90 = arith.constant 0 : i32
      %dma_start3A_91 = arith.constant 0 : i32
      %dma_start3A_92 = tpu.memref_slice %arg8[%run_scoped3A_17, %dma_start3A_90, %dma_start3A_91] : memref<2x10x100xi32, #tpu.memory_space<vmem>> -> memref<1x10x100xi32, #tpu.memory_space<vmem>>
      %dma_start3A_93 = tpu.memref_squeeze %dma_start3A_92 : memref<1x10x100xi32, #tpu.memory_space<vmem>> -> memref<10x100xi32, #tpu.memory_space<vmem>>
      %dma_start3A_94 = arith.constant 0 : i32
      %dma_start3A_95 = arith.constant 0 : i32
      %dma_start3A_96 = tpu.memref_slice %arg4[%add3A, %run_scoped3A_16, %dma_start3A_94, %dma_start3A_95] : memref<32x10x10x100xi32, #tpu.memory_space<hbm>> -> memref<1x1x10x100xi32, #tpu.memory_space<hbm>>
      %dma_start3A_97 = tpu.memref_squeeze %dma_start3A_96 : memref<1x1x10x100xi32, #tpu.memory_space<hbm>> -> memref<10x100xi32, #tpu.memory_space<hbm>>
      tpu.enqueue_dma source(%dma_start3A_97 : memref<10x100xi32, #tpu.memory_space<hbm>>) target(%dma_start3A_93 : memref<10x100xi32, #tpu.memory_space<vmem>>) target_semaphore(%run_scoped3A_81 : memref<!tpu.dma_semaphore, #tpu.memory_space<semaphore_mem>>)
      %dma_wait3A_98 = arith.constant 0 : i32
      %dma_wait3A_99 = arith.constant 0 : i32
      %dma_wait3A_100 = tpu.memref_slice %arg8[%run_scoped3A_17, %dma_wait3A_98, %dma_wait3A_99] : memref<2x10x100xi32, #tpu.memory_space<vmem>> -> memref<1x10x100xi32, #tpu.memory_space<vmem>>
      %dma_wait3A_101 = tpu.memref_squeeze %dma_wait3A_100 : memref<1x10x100xi32, #tpu.memory_space<vmem>> -> memref<10x100xi32, #tpu.memory_space<vmem>>
      %dma_wait3A_102 = arith.constant 0 : i32
      %dma_wait3A_103 = arith.constant 0 : i32
      %dma_wait3A_104 = tpu.memref_slice %arg4[%add3A, %run_scoped3A_16, %dma_wait3A_102, %dma_wait3A_103] : memref<32x10x10x100xi32, #tpu.memory_space<hbm>> -> memref<1x1x10x100xi32, #tpu.memory_space<hbm>>
      %dma_wait3A_105 = tpu.memref_squeeze %dma_wait3A_104 : memref<1x1x10x100xi32, #tpu.memory_space<hbm>> -> memref<10x100xi32, #tpu.memory_space<hbm>>
      %dma_wait3A_106 = arith.constant 0 : i32
      %dma_wait3A_107 = arith.constant 0 : i32
      %dma_wait3A_108 = tpu.memref_slice %arg8[%run_scoped3A_17, %dma_wait3A_106, %dma_wait3A_107] : memref<2x10x100xi32, #tpu.memory_space<vmem>> -> memref<1x10x100xi32, #tpu.memory_space<vmem>>
      %dma_wait3A_109 = tpu.memref_squeeze %dma_wait3A_108 : memref<1x10x100xi32, #tpu.memory_space<vmem>> -> memref<10x100xi32, #tpu.memory_space<vmem>>
      %dma_wait3A_110 = arith.constant 0 : i32
      %dma_wait3A_111 = arith.constant 0 : i32
      %dma_wait3A_112 = tpu.memref_slice %arg4[%add3A, %run_scoped3A_16, %dma_wait3A_110, %dma_wait3A_111] : memref<32x10x10x100xi32, #tpu.memory_space<hbm>> -> memref<1x1x10x100xi32, #tpu.memory_space<hbm>>
      %dma_wait3A_113 = tpu.memref_squeeze %dma_wait3A_112 : memref<1x1x10x100xi32, #tpu.memory_space<hbm>> -> memref<10x100xi32, #tpu.memory_space<hbm>>
      tpu.wait_dma2 semaphore(%run_scoped3A_81 : memref<!tpu.dma_semaphore, #tpu.memory_space<semaphore_mem>>) src(%dma_wait3A_113 : memref<10x100xi32, #tpu.memory_space<hbm>>) dst(%dma_wait3A_109 : memref<10x100xi32, #tpu.memory_space<vmem>>)
      tpu.yield
    }) : () -> ()
    %dma_start3A = arith.constant 0 : i32
    %dma_start3A_18 = arith.constant 0 : i32
    %dma_start3A_19 = arith.constant 0 : i32
    %dma_start3A_20 = arith.constant 0 : i32
    %dma_start3A_21 = arith.constant 0 : i32
    %dma_start3A_22 = tpu.memref_slice %arg9[%dma_start3A_19, %dma_start3A_20, %dma_start3A_21] : memref<3x100x128xf32, #tpu.memory_space<vmem>> -> memref<1x100x128xf32, #tpu.memory_space<vmem>>
    %dma_start3A_23 = tpu.memref_squeeze %dma_start3A_22 : memref<1x100x128xf32, #tpu.memory_space<vmem>> -> memref<100x128xf32, #tpu.memory_space<vmem>>
    %dma_start3A_24 = arith.constant 0 : i32
    %dma_start3A_25 = tpu.memref_slice %arg7[%dma_start3A, %dma_start3A_18, %dma_start3A_24] : memref<2x10x100xi32, #tpu.memory_space<vmem>> -> memref<1x1x100xi32, #tpu.memory_space<vmem>>
    %dma_start3A_26 = tpu.memref_squeeze %dma_start3A_25 : memref<1x1x100xi32, #tpu.memory_space<vmem>> -> memref<100xi32, #tpu.memory_space<vmem>>
    %dma_start3A_27 = arith.constant 0 : i32
    %dma_start3A_28 = arith.constant 0 : i32
    %dma_start3A_29 = tpu.memref_slice %arg2[%dma_start3A_27, %dma_start3A_28] : memref<10000x128xf32, #tpu.memory_space<hbm>> -> memref<10000x128xf32, #tpu.memory_space<hbm>>
    tpu.enqueue_indirect_dma source(%dma_start3A_29 : memref<10000x128xf32, #tpu.memory_space<hbm>>) target(%dma_start3A_23 : memref<100x128xf32, #tpu.memory_space<vmem>>) offsets(%dma_start3A_26 : memref<100xi32, #tpu.memory_space<vmem>>) semaphore(%arg11 : memref<!tpu.dma_semaphore, #tpu.memory_space<semaphore_mem>>)
    %dma_start3A_30 = arith.constant 0 : i32
    %dma_start3A_31 = arith.constant 1 : i32
    %dma_start3A_32 = arith.constant 1 : i32
    %dma_start3A_33 = arith.constant 0 : i32
    %dma_start3A_34 = arith.constant 0 : i32
    %dma_start3A_35 = tpu.memref_slice %arg9[%dma_start3A_32, %dma_start3A_33, %dma_start3A_34] : memref<3x100x128xf32, #tpu.memory_space<vmem>> -> memref<1x100x128xf32, #tpu.memory_space<vmem>>
    %dma_start3A_36 = tpu.memref_squeeze %dma_start3A_35 : memref<1x100x128xf32, #tpu.memory_space<vmem>> -> memref<100x128xf32, #tpu.memory_space<vmem>>
    %dma_start3A_37 = arith.constant 0 : i32
    %dma_start3A_38 = tpu.memref_slice %arg7[%dma_start3A_30, %dma_start3A_31, %dma_start3A_37] : memref<2x10x100xi32, #tpu.memory_space<vmem>> -> memref<1x1x100xi32, #tpu.memory_space<vmem>>
    %dma_start3A_39 = tpu.memref_squeeze %dma_start3A_38 : memref<1x1x100xi32, #tpu.memory_space<vmem>> -> memref<100xi32, #tpu.memory_space<vmem>>
    %dma_start3A_40 = arith.constant 0 : i32
    %dma_start3A_41 = arith.constant 0 : i32
    %dma_start3A_42 = tpu.memref_slice %arg2[%dma_start3A_40, %dma_start3A_41] : memref<10000x128xf32, #tpu.memory_space<hbm>> -> memref<10000x128xf32, #tpu.memory_space<hbm>>
    tpu.enqueue_indirect_dma source(%dma_start3A_42 : memref<10000x128xf32, #tpu.memory_space<hbm>>) target(%dma_start3A_36 : memref<100x128xf32, #tpu.memory_space<vmem>>) offsets(%dma_start3A_39 : memref<100xi32, #tpu.memory_space<vmem>>) semaphore(%arg11 : memref<!tpu.dma_semaphore, #tpu.memory_space<semaphore_mem>>)
    %scan3A_43 = arith.constant 0 : i32
    %scan3A_44 = arith.constant 0 : i32
    %scan3A_45 = arith.constant 100 : i32
    %scan3A_46 = arith.addi %scan3A_44, %scan3A_45 : i32
    %scan3A_47 = arith.constant 1 : i32
    scf.for %scan3A_81 = %scan3A_44 to %scan3A_46 step %scan3A_47  : i32 {
      %jit3A = arith.constant 10 : i32
      %div3A = arith.divsi %scan3A_81, %jit3A : i32
      %sign3A = arith.constant 0 : i32
      %sign3A_82 = arith.cmpi sgt, %scan3A_81, %sign3A : i32
      %sign3A_83 = arith.extui %sign3A_82 : i1 to i32
      %sign3A_84 = arith.constant 0 : i32
      %sign3A_85 = arith.cmpi slt, %scan3A_81, %sign3A_84 : i32
      %sign3A_86 = arith.extui %sign3A_85 : i1 to i32
      %sign3A_87 = arith.subi %sign3A_83, %sign3A_86 : i32
      %sign3A_88 = arith.constant 0 : i32
      %sign3A_89 = arith.cmpi sgt, %jit3A, %sign3A_88 : i32
      %sign3A_90 = arith.extui %sign3A_89 : i1 to i32
      %sign3A_91 = arith.constant 0 : i32
      %sign3A_92 = arith.cmpi slt, %jit3A, %sign3A_91 : i32
      %sign3A_93 = arith.extui %sign3A_92 : i1 to i32
      %sign3A_94 = arith.subi %sign3A_90, %sign3A_93 : i32
      %ne3A = arith.cmpi ne, %sign3A_87, %sign3A_94 : i32
      %rem3A = arith.remsi %scan3A_81, %jit3A : i32
      %ne3A_95 = arith.constant 0 : i32
      %ne3A_96 = arith.cmpi ne, %rem3A, %ne3A_95 : i32
      %and3A = arith.andi %ne3A, %ne3A_96 : i1
      %sub3A = arith.constant 1 : i32
      %sub3A_97 = arith.subi %div3A, %sub3A : i32
      %select_n3A = arith.select %and3A, %sub3A_97, %div3A : i32
      %jit3A_98 = arith.constant 10 : i32
      %eq3A = arith.constant 0 : i32
      %eq3A_99 = arith.cmpi eq, %jit3A_98, %eq3A : i32
      %jit3A_100 = arith.constant 1 : i32
      %select_n3A_101 = arith.select %eq3A_99, %jit3A_100, %jit3A_98 : i32
      %rem3A_102 = arith.remsi %scan3A_81, %select_n3A_101 : i32
      %ne3A_103 = arith.constant 0 : i32
      %ne3A_104 = arith.cmpi ne, %rem3A_102, %ne3A_103 : i32
      %lt3A = arith.constant 0 : i32
      %lt3A_105 = arith.cmpi slt, %rem3A_102, %lt3A : i32
      %lt3A_106 = arith.constant 0 : i32
      %lt3A_107 = arith.cmpi slt, %select_n3A_101, %lt3A_106 : i32
      %ne3A_108 = arith.xori %lt3A_105, %lt3A_107 : i1
      %and3A_109 = arith.andi %ne3A_108, %ne3A_104 : i1
      %add3A_110 = arith.addi %rem3A_102, %select_n3A_101 : i32
      %select_n3A_111 = arith.select %and3A_109, %add3A_110, %rem3A_102 : i32
      %jit3A_112 = arith.constant 2 : i32
      %eq3A_113 = arith.constant 0 : i32
      %eq3A_114 = arith.cmpi eq, %jit3A_112, %eq3A_113 : i32
      %jit3A_115 = arith.constant 1 : i32
      %select_n3A_116 = arith.select %eq3A_114, %jit3A_115, %jit3A_112 : i32
      %rem3A_117 = arith.remsi %select_n3A, %select_n3A_116 : i32
      %ne3A_118 = arith.constant 0 : i32
      %ne3A_119 = arith.cmpi ne, %rem3A_117, %ne3A_118 : i32
      %lt3A_120 = arith.constant 0 : i32
      %lt3A_121 = arith.cmpi slt, %rem3A_117, %lt3A_120 : i32
      %lt3A_122 = arith.constant 0 : i32
      %lt3A_123 = arith.cmpi slt, %select_n3A_116, %lt3A_122 : i32
      %ne3A_124 = arith.xori %lt3A_121, %lt3A_123 : i1
      %and3A_125 = arith.andi %ne3A_124, %ne3A_119 : i1
      %add3A_126 = arith.addi %rem3A_117, %select_n3A_116 : i32
      %select_n3A_127 = arith.select %and3A_125, %add3A_126, %rem3A_117 : i32
      %jit3A_128 = arith.constant 3 : i32
      %eq3A_129 = arith.constant 0 : i32
      %eq3A_130 = arith.cmpi eq, %jit3A_128, %eq3A_129 : i32
      %jit3A_131 = arith.constant 1 : i32
      %select_n3A_132 = arith.select %eq3A_130, %jit3A_131, %jit3A_128 : i32
      %rem3A_133 = arith.remsi %scan3A_81, %select_n3A_132 : i32
      %ne3A_134 = arith.constant 0 : i32
      %ne3A_135 = arith.cmpi ne, %rem3A_133, %ne3A_134 : i32
      %lt3A_136 = arith.constant 0 : i32
      %lt3A_137 = arith.cmpi slt, %rem3A_133, %lt3A_136 : i32
      %lt3A_138 = arith.constant 0 : i32
      %lt3A_139 = arith.cmpi slt, %select_n3A_132, %lt3A_138 : i32
      %ne3A_140 = arith.xori %lt3A_137, %lt3A_139 : i1
      %and3A_141 = arith.andi %ne3A_140, %ne3A_135 : i1
      %add3A_142 = arith.addi %rem3A_133, %select_n3A_132 : i32
      %select_n3A_143 = arith.select %and3A_141, %add3A_142, %rem3A_133 : i32
      %add3A_144 = arith.constant 2 : i32
      %add3A_145 = arith.addi %scan3A_81, %add3A_144 : i32
      %sub3A_146 = arith.constant 1 : i32
      %sub3A_147 = arith.subi %scan3A_81, %sub3A_146 : i32
      %ge3A = arith.constant 0 : i32
      %ge3A_148 = arith.cmpi sge, %sub3A_147, %ge3A : i32
      %convert_element_type3A = arith.extui %ge3A_148 : i1 to i32
      %cond3A = arith.constant 0 : i32
      %cond3A_149 = arith.cmpi ne, %convert_element_type3A, %cond3A : i32
      scf.if %cond3A_149 {
        %jit3A_175 = arith.constant 10 : i32
        %div3A_176 = arith.divsi %sub3A_147, %jit3A_175 : i32
        %sign3A_177 = arith.constant 0 : i32
        %sign3A_178 = arith.cmpi sgt, %sub3A_147, %sign3A_177 : i32
        %sign3A_179 = arith.extui %sign3A_178 : i1 to i32
        %sign3A_180 = arith.constant 0 : i32
        %sign3A_181 = arith.cmpi slt, %sub3A_147, %sign3A_180 : i32
        %sign3A_182 = arith.extui %sign3A_181 : i1 to i32
        %sign3A_183 = arith.subi %sign3A_179, %sign3A_182 : i32
        %sign3A_184 = arith.constant 0 : i32
        %sign3A_185 = arith.cmpi sgt, %jit3A_175, %sign3A_184 : i32
        %sign3A_186 = arith.extui %sign3A_185 : i1 to i32
        %sign3A_187 = arith.constant 0 : i32
        %sign3A_188 = arith.cmpi slt, %jit3A_175, %sign3A_187 : i32
        %sign3A_189 = arith.extui %sign3A_188 : i1 to i32
        %sign3A_190 = arith.subi %sign3A_186, %sign3A_189 : i32
        %ne3A_191 = arith.cmpi ne, %sign3A_183, %sign3A_190 : i32
        %rem3A_192 = arith.remsi %sub3A_147, %jit3A_175 : i32
        %ne3A_193 = arith.constant 0 : i32
        %ne3A_194 = arith.cmpi ne, %rem3A_192, %ne3A_193 : i32
        %and3A_195 = arith.andi %ne3A_191, %ne3A_194 : i1
        %sub3A_196 = arith.constant 1 : i32
        %sub3A_197 = arith.subi %div3A_176, %sub3A_196 : i32
        %select_n3A_198 = arith.select %and3A_195, %sub3A_197, %div3A_176 : i32
        %jit3A_199 = arith.constant 2 : i32
        %eq3A_200 = arith.constant 0 : i32
        %eq3A_201 = arith.cmpi eq, %jit3A_199, %eq3A_200 : i32
        %jit3A_202 = arith.constant 1 : i32
        %select_n3A_203 = arith.select %eq3A_201, %jit3A_202, %jit3A_199 : i32
        %rem3A_204 = arith.remsi %select_n3A_198, %select_n3A_203 : i32
        %ne3A_205 = arith.constant 0 : i32
        %ne3A_206 = arith.cmpi ne, %rem3A_204, %ne3A_205 : i32
        %lt3A_207 = arith.constant 0 : i32
        %lt3A_208 = arith.cmpi slt, %rem3A_204, %lt3A_207 : i32
        %lt3A_209 = arith.constant 0 : i32
        %lt3A_210 = arith.cmpi slt, %select_n3A_203, %lt3A_209 : i32
        %ne3A_211 = arith.xori %lt3A_208, %lt3A_210 : i1
        %and3A_212 = arith.andi %ne3A_211, %ne3A_206 : i1
        %add3A_213 = arith.addi %rem3A_204, %select_n3A_203 : i32
        %select_n3A_214 = arith.select %and3A_212, %add3A_213, %rem3A_204 : i32
        %jit3A_215 = arith.constant 10 : i32
        %eq3A_216 = arith.constant 0 : i32
        %eq3A_217 = arith.cmpi eq, %jit3A_215, %eq3A_216 : i32
        %jit3A_218 = arith.constant 1 : i32
        %select_n3A_219 = arith.select %eq3A_217, %jit3A_218, %jit3A_215 : i32
        %rem3A_220 = arith.remsi %sub3A_147, %select_n3A_219 : i32
        %ne3A_221 = arith.constant 0 : i32
        %ne3A_222 = arith.cmpi ne, %rem3A_220, %ne3A_221 : i32
        %lt3A_223 = arith.constant 0 : i32
        %lt3A_224 = arith.cmpi slt, %rem3A_220, %lt3A_223 : i32
        %lt3A_225 = arith.constant 0 : i32
        %lt3A_226 = arith.cmpi slt, %select_n3A_219, %lt3A_225 : i32
        %ne3A_227 = arith.xori %lt3A_224, %lt3A_226 : i1
        %and3A_228 = arith.andi %ne3A_227, %ne3A_222 : i1
        %add3A_229 = arith.addi %rem3A_220, %select_n3A_219 : i32
        %select_n3A_230 = arith.select %and3A_228, %add3A_229, %rem3A_220 : i32
        %jit3A_231 = arith.constant 3 : i32
        %eq3A_232 = arith.constant 0 : i32
        %eq3A_233 = arith.cmpi eq, %jit3A_231, %eq3A_232 : i32
        %jit3A_234 = arith.constant 1 : i32
        %select_n3A_235 = arith.select %eq3A_233, %jit3A_234, %jit3A_231 : i32
        %rem3A_236 = arith.remsi %sub3A_147, %select_n3A_235 : i32
        %ne3A_237 = arith.constant 0 : i32
        %ne3A_238 = arith.cmpi ne, %rem3A_236, %ne3A_237 : i32
        %lt3A_239 = arith.constant 0 : i32
        %lt3A_240 = arith.cmpi slt, %rem3A_236, %lt3A_239 : i32
        %lt3A_241 = arith.constant 0 : i32
        %lt3A_242 = arith.cmpi slt, %select_n3A_235, %lt3A_241 : i32
        %ne3A_243 = arith.xori %lt3A_240, %lt3A_242 : i1
        %and3A_244 = arith.andi %ne3A_243, %ne3A_238 : i1
        %add3A_245 = arith.addi %rem3A_236, %select_n3A_235 : i32
        %select_n3A_246 = arith.select %and3A_244, %add3A_245, %rem3A_236 : i32
        %dma_wait3A_247 = arith.constant 0 : i32
        %dma_wait3A_248 = arith.constant 0 : i32
        %dma_wait3A_249 = tpu.memref_slice %arg9[%select_n3A_246, %dma_wait3A_247, %dma_wait3A_248] : memref<3x100x128xf32, #tpu.memory_space<vmem>> -> memref<1x100x128xf32, #tpu.memory_space<vmem>>
        %dma_wait3A_250 = tpu.memref_squeeze %dma_wait3A_249 : memref<1x100x128xf32, #tpu.memory_space<vmem>> -> memref<100x128xf32, #tpu.memory_space<vmem>>
        %dma_wait3A_251 = arith.constant 0 : i32
        %dma_wait3A_252 = tpu.memref_slice %arg8[%select_n3A_214, %select_n3A_230, %dma_wait3A_251] : memref<2x10x100xi32, #tpu.memory_space<vmem>> -> memref<1x1x100xi32, #tpu.memory_space<vmem>>
        %dma_wait3A_253 = tpu.memref_squeeze %dma_wait3A_252 : memref<1x1x100xi32, #tpu.memory_space<vmem>> -> memref<100xi32, #tpu.memory_space<vmem>>
        %dma_wait3A_254 = arith.constant 0 : i32
        %dma_wait3A_255 = arith.constant 0 : i32
        %dma_wait3A_256 = tpu.memref_slice %arg10[%dma_wait3A_254, %dma_wait3A_255] : memref<10240x128xf32, #tpu.memory_space<vmem_shared>> -> memref<10240x128xf32, #tpu.memory_space<vmem_shared>>
        tpu.wait_indirect_dma semaphore(%arg12 : memref<!tpu.dma_semaphore, #tpu.memory_space<semaphore_mem>>) src(%dma_wait3A_250 : memref<100x128xf32, #tpu.memory_space<vmem>>) dst(%dma_wait3A_256 : memref<10240x128xf32, #tpu.memory_space<vmem_shared>>)
      } else {
      }
      %lt3A_150 = arith.constant 100 : i32
      %lt3A_151 = arith.cmpi slt, %add3A_145, %lt3A_150 : i32
      %convert_element_type3A_152 = arith.extui %lt3A_151 : i1 to i32
      %cond3A_153 = arith.constant 0 : i32
      %cond3A_154 = arith.cmpi ne, %convert_element_type3A_152, %cond3A_153 : i32
      scf.if %cond3A_154 {
        %jit3A_175 = arith.constant 10 : i32
        %div3A_176 = arith.divsi %add3A_145, %jit3A_175 : i32
        %sign3A_177 = arith.constant 0 : i32
        %sign3A_178 = arith.cmpi sgt, %add3A_145, %sign3A_177 : i32
        %sign3A_179 = arith.extui %sign3A_178 : i1 to i32
        %sign3A_180 = arith.constant 0 : i32
        %sign3A_181 = arith.cmpi slt, %add3A_145, %sign3A_180 : i32
        %sign3A_182 = arith.extui %sign3A_181 : i1 to i32
        %sign3A_183 = arith.subi %sign3A_179, %sign3A_182 : i32
        %sign3A_184 = arith.constant 0 : i32
        %sign3A_185 = arith.cmpi sgt, %jit3A_175, %sign3A_184 : i32
        %sign3A_186 = arith.extui %sign3A_185 : i1 to i32
        %sign3A_187 = arith.constant 0 : i32
        %sign3A_188 = arith.cmpi slt, %jit3A_175, %sign3A_187 : i32
        %sign3A_189 = arith.extui %sign3A_188 : i1 to i32
        %sign3A_190 = arith.subi %sign3A_186, %sign3A_189 : i32
        %ne3A_191 = arith.cmpi ne, %sign3A_183, %sign3A_190 : i32
        %rem3A_192 = arith.remsi %add3A_145, %jit3A_175 : i32
        %ne3A_193 = arith.constant 0 : i32
        %ne3A_194 = arith.cmpi ne, %rem3A_192, %ne3A_193 : i32
        %and3A_195 = arith.andi %ne3A_191, %ne3A_194 : i1
        %sub3A_196 = arith.constant 1 : i32
        %sub3A_197 = arith.subi %div3A_176, %sub3A_196 : i32
        %select_n3A_198 = arith.select %and3A_195, %sub3A_197, %div3A_176 : i32
        %jit3A_199 = arith.constant 10 : i32
        %eq3A_200 = arith.constant 0 : i32
        %eq3A_201 = arith.cmpi eq, %jit3A_199, %eq3A_200 : i32
        %jit3A_202 = arith.constant 1 : i32
        %select_n3A_203 = arith.select %eq3A_201, %jit3A_202, %jit3A_199 : i32
        %rem3A_204 = arith.remsi %add3A_145, %select_n3A_203 : i32
        %ne3A_205 = arith.constant 0 : i32
        %ne3A_206 = arith.cmpi ne, %rem3A_204, %ne3A_205 : i32
        %lt3A_207 = arith.constant 0 : i32
        %lt3A_208 = arith.cmpi slt, %rem3A_204, %lt3A_207 : i32
        %lt3A_209 = arith.constant 0 : i32
        %lt3A_210 = arith.cmpi slt, %select_n3A_203, %lt3A_209 : i32
        %ne3A_211 = arith.xori %lt3A_208, %lt3A_210 : i1
        %and3A_212 = arith.andi %ne3A_211, %ne3A_206 : i1
        %add3A_213 = arith.addi %rem3A_204, %select_n3A_203 : i32
        %select_n3A_214 = arith.select %and3A_212, %add3A_213, %rem3A_204 : i32
        %jit3A_215 = arith.constant 2 : i32
        %eq3A_216 = arith.constant 0 : i32
        %eq3A_217 = arith.cmpi eq, %jit3A_215, %eq3A_216 : i32
        %jit3A_218 = arith.constant 1 : i32
        %select_n3A_219 = arith.select %eq3A_217, %jit3A_218, %jit3A_215 : i32
        %rem3A_220 = arith.remsi %select_n3A_198, %select_n3A_219 : i32
        %ne3A_221 = arith.constant 0 : i32
        %ne3A_222 = arith.cmpi ne, %rem3A_220, %ne3A_221 : i32
        %lt3A_223 = arith.constant 0 : i32
        %lt3A_224 = arith.cmpi slt, %rem3A_220, %lt3A_223 : i32
        %lt3A_225 = arith.constant 0 : i32
        %lt3A_226 = arith.cmpi slt, %select_n3A_219, %lt3A_225 : i32
        %ne3A_227 = arith.xori %lt3A_224, %lt3A_226 : i1
        %and3A_228 = arith.andi %ne3A_227, %ne3A_222 : i1
        %add3A_229 = arith.addi %rem3A_220, %select_n3A_219 : i32
        %select_n3A_230 = arith.select %and3A_228, %add3A_229, %rem3A_220 : i32
        %eq3A_231 = arith.constant 0 : i32
        %eq3A_232 = arith.cmpi eq, %select_n3A_214, %eq3A_231 : i32
        %convert_element_type3A_233 = arith.extui %eq3A_232 : i1 to i32
        %cond3A_234 = arith.constant 0 : i32
        %cond3A_235 = arith.cmpi ne, %convert_element_type3A_233, %cond3A_234 : i32
        scf.if %cond3A_235 {
          "tpu.region"() ({
            %run_scoped3A_262 = tpu.sem_alloc : memref<!tpu.dma_semaphore, #tpu.memory_space<semaphore_mem>>
            %dma_start3A_263 = arith.constant 0 : i32
            %dma_start3A_264 = arith.constant 0 : i32
            %dma_start3A_265 = tpu.memref_slice %arg7[%select_n3A_230, %dma_start3A_263, %dma_start3A_264] : memref<2x10x100xi32, #tpu.memory_space<vmem>> -> memref<1x10x100xi32, #tpu.memory_space<vmem>>
            %dma_start3A_266 = tpu.memref_squeeze %dma_start3A_265 : memref<1x10x100xi32, #tpu.memory_space<vmem>> -> memref<10x100xi32, #tpu.memory_space<vmem>>
            %dma_start3A_267 = arith.constant 0 : i32
            %dma_start3A_268 = arith.constant 0 : i32
            %dma_start3A_269 = tpu.memref_slice %arg3[%add3A, %select_n3A_198, %dma_start3A_267, %dma_start3A_268] : memref<32x10x10x100xi32, #tpu.memory_space<hbm>> -> memref<1x1x10x100xi32, #tpu.memory_space<hbm>>
            %dma_start3A_270 = tpu.memref_squeeze %dma_start3A_269 : memref<1x1x10x100xi32, #tpu.memory_space<hbm>> -> memref<10x100xi32, #tpu.memory_space<hbm>>
            %dma_start3A_271 = arith.constant 0 : i32
            %dma_start3A_272 = arith.constant 0 : i32
            %dma_start3A_273 = tpu.memref_slice %arg7[%select_n3A_230, %dma_start3A_271, %dma_start3A_272] : memref<2x10x100xi32, #tpu.memory_space<vmem>> -> memref<1x10x100xi32, #tpu.memory_space<vmem>>
            %dma_start3A_274 = tpu.memref_squeeze %dma_start3A_273 : memref<1x10x100xi32, #tpu.memory_space<vmem>> -> memref<10x100xi32, #tpu.memory_space<vmem>>
            %dma_start3A_275 = arith.constant 0 : i32
            %dma_start3A_276 = arith.constant 0 : i32
            %dma_start3A_277 = tpu.memref_slice %arg3[%add3A, %select_n3A_198, %dma_start3A_275, %dma_start3A_276] : memref<32x10x10x100xi32, #tpu.memory_space<hbm>> -> memref<1x1x10x100xi32, #tpu.memory_space<hbm>>
            %dma_start3A_278 = tpu.memref_squeeze %dma_start3A_277 : memref<1x1x10x100xi32, #tpu.memory_space<hbm>> -> memref<10x100xi32, #tpu.memory_space<hbm>>
            tpu.enqueue_dma source(%dma_start3A_278 : memref<10x100xi32, #tpu.memory_space<hbm>>) target(%dma_start3A_274 : memref<10x100xi32, #tpu.memory_space<vmem>>) target_semaphore(%run_scoped3A_262 : memref<!tpu.dma_semaphore, #tpu.memory_space<semaphore_mem>>)
            %dma_wait3A_279 = arith.constant 0 : i32
            %dma_wait3A_280 = arith.constant 0 : i32
            %dma_wait3A_281 = tpu.memref_slice %arg7[%select_n3A_230, %dma_wait3A_279, %dma_wait3A_280] : memref<2x10x100xi32, #tpu.memory_space<vmem>> -> memref<1x10x100xi32, #tpu.memory_space<vmem>>
            %dma_wait3A_282 = tpu.memref_squeeze %dma_wait3A_281 : memref<1x10x100xi32, #tpu.memory_space<vmem>> -> memref<10x100xi32, #tpu.memory_space<vmem>>
            %dma_wait3A_283 = arith.constant 0 : i32
            %dma_wait3A_284 = arith.constant 0 : i32
            %dma_wait3A_285 = tpu.memref_slice %arg3[%add3A, %select_n3A_198, %dma_wait3A_283, %dma_wait3A_284] : memref<32x10x10x100xi32, #tpu.memory_space<hbm>> -> memref<1x1x10x100xi32, #tpu.memory_space<hbm>>
            %dma_wait3A_286 = tpu.memref_squeeze %dma_wait3A_285 : memref<1x1x10x100xi32, #tpu.memory_space<hbm>> -> memref<10x100xi32, #tpu.memory_space<hbm>>
            %dma_wait3A_287 = arith.constant 0 : i32
            %dma_wait3A_288 = arith.constant 0 : i32
            %dma_wait3A_289 = tpu.memref_slice %arg7[%select_n3A_230, %dma_wait3A_287, %dma_wait3A_288] : memref<2x10x100xi32, #tpu.memory_space<vmem>> -> memref<1x10x100xi32, #tpu.memory_space<vmem>>
            %dma_wait3A_290 = tpu.memref_squeeze %dma_wait3A_289 : memref<1x10x100xi32, #tpu.memory_space<vmem>> -> memref<10x100xi32, #tpu.memory_space<vmem>>
            %dma_wait3A_291 = arith.constant 0 : i32
            %dma_wait3A_292 = arith.constant 0 : i32
            %dma_wait3A_293 = tpu.memref_slice %arg3[%add3A, %select_n3A_198, %dma_wait3A_291, %dma_wait3A_292] : memref<32x10x10x100xi32, #tpu.memory_space<hbm>> -> memref<1x1x10x100xi32, #tpu.memory_space<hbm>>
            %dma_wait3A_294 = tpu.memref_squeeze %dma_wait3A_293 : memref<1x1x10x100xi32, #tpu.memory_space<hbm>> -> memref<10x100xi32, #tpu.memory_space<hbm>>
            tpu.wait_dma2 semaphore(%run_scoped3A_262 : memref<!tpu.dma_semaphore, #tpu.memory_space<semaphore_mem>>) src(%dma_wait3A_294 : memref<10x100xi32, #tpu.memory_space<hbm>>) dst(%dma_wait3A_290 : memref<10x100xi32, #tpu.memory_space<vmem>>)
            tpu.yield
          }) : () -> ()
          "tpu.region"() ({
            %run_scoped3A_262 = tpu.sem_alloc : memref<!tpu.dma_semaphore, #tpu.memory_space<semaphore_mem>>
            %dma_start3A_263 = arith.constant 0 : i32
            %dma_start3A_264 = arith.constant 0 : i32
            %dma_start3A_265 = tpu.memref_slice %arg8[%select_n3A_230, %dma_start3A_263, %dma_start3A_264] : memref<2x10x100xi32, #tpu.memory_space<vmem>> -> memref<1x10x100xi32, #tpu.memory_space<vmem>>
            %dma_start3A_266 = tpu.memref_squeeze %dma_start3A_265 : memref<1x10x100xi32, #tpu.memory_space<vmem>> -> memref<10x100xi32, #tpu.memory_space<vmem>>
            %dma_start3A_267 = arith.constant 0 : i32
            %dma_start3A_268 = arith.constant 0 : i32
            %dma_start3A_269 = tpu.memref_slice %arg4[%add3A, %select_n3A_198, %dma_start3A_267, %dma_start3A_268] : memref<32x10x10x100xi32, #tpu.memory_space<hbm>> -> memref<1x1x10x100xi32, #tpu.memory_space<hbm>>
            %dma_start3A_270 = tpu.memref_squeeze %dma_start3A_269 : memref<1x1x10x100xi32, #tpu.memory_space<hbm>> -> memref<10x100xi32, #tpu.memory_space<hbm>>
            %dma_start3A_271 = arith.constant 0 : i32
            %dma_start3A_272 = arith.constant 0 : i32
            %dma_start3A_273 = tpu.memref_slice %arg8[%select_n3A_230, %dma_start3A_271, %dma_start3A_272] : memref<2x10x100xi32, #tpu.memory_space<vmem>> -> memref<1x10x100xi32, #tpu.memory_space<vmem>>
            %dma_start3A_274 = tpu.memref_squeeze %dma_start3A_273 : memref<1x10x100xi32, #tpu.memory_space<vmem>> -> memref<10x100xi32, #tpu.memory_space<vmem>>
            %dma_start3A_275 = arith.constant 0 : i32
            %dma_start3A_276 = arith.constant 0 : i32
            %dma_start3A_277 = tpu.memref_slice %arg4[%add3A, %select_n3A_198, %dma_start3A_275, %dma_start3A_276] : memref<32x10x10x100xi32, #tpu.memory_space<hbm>> -> memref<1x1x10x100xi32, #tpu.memory_space<hbm>>
            %dma_start3A_278 = tpu.memref_squeeze %dma_start3A_277 : memref<1x1x10x100xi32, #tpu.memory_space<hbm>> -> memref<10x100xi32, #tpu.memory_space<hbm>>
            tpu.enqueue_dma source(%dma_start3A_278 : memref<10x100xi32, #tpu.memory_space<hbm>>) target(%dma_start3A_274 : memref<10x100xi32, #tpu.memory_space<vmem>>) target_semaphore(%run_scoped3A_262 : memref<!tpu.dma_semaphore, #tpu.memory_space<semaphore_mem>>)
            %dma_wait3A_279 = arith.constant 0 : i32
            %dma_wait3A_280 = arith.constant 0 : i32
            %dma_wait3A_281 = tpu.memref_slice %arg8[%select_n3A_230, %dma_wait3A_279, %dma_wait3A_280] : memref<2x10x100xi32, #tpu.memory_space<vmem>> -> memref<1x10x100xi32, #tpu.memory_space<vmem>>
            %dma_wait3A_282 = tpu.memref_squeeze %dma_wait3A_281 : memref<1x10x100xi32, #tpu.memory_space<vmem>> -> memref<10x100xi32, #tpu.memory_space<vmem>>
            %dma_wait3A_283 = arith.constant 0 : i32
            %dma_wait3A_284 = arith.constant 0 : i32
            %dma_wait3A_285 = tpu.memref_slice %arg4[%add3A, %select_n3A_198, %dma_wait3A_283, %dma_wait3A_284] : memref<32x10x10x100xi32, #tpu.memory_space<hbm>> -> memref<1x1x10x100xi32, #tpu.memory_space<hbm>>
            %dma_wait3A_286 = tpu.memref_squeeze %dma_wait3A_285 : memref<1x1x10x100xi32, #tpu.memory_space<hbm>> -> memref<10x100xi32, #tpu.memory_space<hbm>>
            %dma_wait3A_287 = arith.constant 0 : i32
            %dma_wait3A_288 = arith.constant 0 : i32
            %dma_wait3A_289 = tpu.memref_slice %arg8[%select_n3A_230, %dma_wait3A_287, %dma_wait3A_288] : memref<2x10x100xi32, #tpu.memory_space<vmem>> -> memref<1x10x100xi32, #tpu.memory_space<vmem>>
            %dma_wait3A_290 = tpu.memref_squeeze %dma_wait3A_289 : memref<1x10x100xi32, #tpu.memory_space<vmem>> -> memref<10x100xi32, #tpu.memory_space<vmem>>
            %dma_wait3A_291 = arith.constant 0 : i32
            %dma_wait3A_292 = arith.constant 0 : i32
            %dma_wait3A_293 = tpu.memref_slice %arg4[%add3A, %select_n3A_198, %dma_wait3A_291, %dma_wait3A_292] : memref<32x10x10x100xi32, #tpu.memory_space<hbm>> -> memref<1x1x10x100xi32, #tpu.memory_space<hbm>>
            %dma_wait3A_294 = tpu.memref_squeeze %dma_wait3A_293 : memref<1x1x10x100xi32, #tpu.memory_space<hbm>> -> memref<10x100xi32, #tpu.memory_space<hbm>>
            tpu.wait_dma2 semaphore(%run_scoped3A_262 : memref<!tpu.dma_semaphore, #tpu.memory_space<semaphore_mem>>) src(%dma_wait3A_294 : memref<10x100xi32, #tpu.memory_space<hbm>>) dst(%dma_wait3A_290 : memref<10x100xi32, #tpu.memory_space<vmem>>)
            tpu.yield
          }) : () -> ()
        } else {
        }
        %jit3A_236 = arith.constant 3 : i32
        %eq3A_237 = arith.constant 0 : i32
        %eq3A_238 = arith.cmpi eq, %jit3A_236, %eq3A_237 : i32
        %jit3A_239 = arith.constant 1 : i32
        %select_n3A_240 = arith.select %eq3A_238, %jit3A_239, %jit3A_236 : i32
        %rem3A_241 = arith.remsi %add3A_145, %select_n3A_240 : i32
        %ne3A_242 = arith.constant 0 : i32
        %ne3A_243 = arith.cmpi ne, %rem3A_241, %ne3A_242 : i32
        %lt3A_244 = arith.constant 0 : i32
        %lt3A_245 = arith.cmpi slt, %rem3A_241, %lt3A_244 : i32
        %lt3A_246 = arith.constant 0 : i32
        %lt3A_247 = arith.cmpi slt, %select_n3A_240, %lt3A_246 : i32
        %ne3A_248 = arith.xori %lt3A_245, %lt3A_247 : i1
        %and3A_249 = arith.andi %ne3A_248, %ne3A_243 : i1
        %add3A_250 = arith.addi %rem3A_241, %select_n3A_240 : i32
        %select_n3A_251 = arith.select %and3A_249, %add3A_250, %rem3A_241 : i32
        %dma_start3A_252 = arith.constant 0 : i32
        %dma_start3A_253 = arith.constant 0 : i32
        %dma_start3A_254 = tpu.memref_slice %arg9[%select_n3A_251, %dma_start3A_252, %dma_start3A_253] : memref<3x100x128xf32, #tpu.memory_space<vmem>> -> memref<1x100x128xf32, #tpu.memory_space<vmem>>
        %dma_start3A_255 = tpu.memref_squeeze %dma_start3A_254 : memref<1x100x128xf32, #tpu.memory_space<vmem>> -> memref<100x128xf32, #tpu.memory_space<vmem>>
        %dma_start3A_256 = arith.constant 0 : i32
        %dma_start3A_257 = tpu.memref_slice %arg7[%select_n3A_230, %select_n3A_214, %dma_start3A_256] : memref<2x10x100xi32, #tpu.memory_space<vmem>> -> memref<1x1x100xi32, #tpu.memory_space<vmem>>
        %dma_start3A_258 = tpu.memref_squeeze %dma_start3A_257 : memref<1x1x100xi32, #tpu.memory_space<vmem>> -> memref<100xi32, #tpu.memory_space<vmem>>
        %dma_start3A_259 = arith.constant 0 : i32
        %dma_start3A_260 = arith.constant 0 : i32
        %dma_start3A_261 = tpu.memref_slice %arg2[%dma_start3A_259, %dma_start3A_260] : memref<10000x128xf32, #tpu.memory_space<hbm>> -> memref<10000x128xf32, #tpu.memory_space<hbm>>
        tpu.enqueue_indirect_dma source(%dma_start3A_261 : memref<10000x128xf32, #tpu.memory_space<hbm>>) target(%dma_start3A_255 : memref<100x128xf32, #tpu.memory_space<vmem>>) offsets(%dma_start3A_258 : memref<100xi32, #tpu.memory_space<vmem>>) semaphore(%arg11 : memref<!tpu.dma_semaphore, #tpu.memory_space<semaphore_mem>>)
      } else {
      }
      %dma_wait3A_155 = arith.constant 0 : i32
      %dma_wait3A_156 = arith.constant 0 : i32
      %dma_wait3A_157 = tpu.memref_slice %arg9[%select_n3A_143, %dma_wait3A_155, %dma_wait3A_156] : memref<3x100x128xf32, #tpu.memory_space<vmem>> -> memref<1x100x128xf32, #tpu.memory_space<vmem>>
      %dma_wait3A_158 = tpu.memref_squeeze %dma_wait3A_157 : memref<1x100x128xf32, #tpu.memory_space<vmem>> -> memref<100x128xf32, #tpu.memory_space<vmem>>
      %dma_wait3A_159 = arith.constant 0 : i32
      %dma_wait3A_160 = tpu.memref_slice %arg7[%select_n3A_127, %select_n3A_111, %dma_wait3A_159] : memref<2x10x100xi32, #tpu.memory_space<vmem>> -> memref<1x1x100xi32, #tpu.memory_space<vmem>>
      %dma_wait3A_161 = tpu.memref_squeeze %dma_wait3A_160 : memref<1x1x100xi32, #tpu.memory_space<vmem>> -> memref<100xi32, #tpu.memory_space<vmem>>
      %dma_wait3A_162 = arith.constant 0 : i32
      %dma_wait3A_163 = arith.constant 0 : i32
      %dma_wait3A_164 = tpu.memref_slice %arg2[%dma_wait3A_162, %dma_wait3A_163] : memref<10000x128xf32, #tpu.memory_space<hbm>> -> memref<10000x128xf32, #tpu.memory_space<hbm>>
      tpu.wait_indirect_dma semaphore(%arg11 : memref<!tpu.dma_semaphore, #tpu.memory_space<semaphore_mem>>) src(%dma_wait3A_164 : memref<10000x128xf32, #tpu.memory_space<hbm>>) dst(%dma_wait3A_158 : memref<100x128xf32, #tpu.memory_space<vmem>>)
      %dma_start3A_165 = arith.constant 0 : i32
      %dma_start3A_166 = arith.constant 0 : i32
      %dma_start3A_167 = tpu.memref_slice %arg9[%select_n3A_143, %dma_start3A_165, %dma_start3A_166] : memref<3x100x128xf32, #tpu.memory_space<vmem>> -> memref<1x100x128xf32, #tpu.memory_space<vmem>>
      %dma_start3A_168 = tpu.memref_squeeze %dma_start3A_167 : memref<1x100x128xf32, #tpu.memory_space<vmem>> -> memref<100x128xf32, #tpu.memory_space<vmem>>
      %dma_start3A_169 = arith.constant 0 : i32
      %dma_start3A_170 = tpu.memref_slice %arg8[%select_n3A_127, %select_n3A_111, %dma_start3A_169] : memref<2x10x100xi32, #tpu.memory_space<vmem>> -> memref<1x1x100xi32, #tpu.memory_space<vmem>>
      %dma_start3A_171 = tpu.memref_squeeze %dma_start3A_170 : memref<1x1x100xi32, #tpu.memory_space<vmem>> -> memref<100xi32, #tpu.memory_space<vmem>>
      %dma_start3A_172 = arith.constant 0 : i32
      %dma_start3A_173 = arith.constant 0 : i32
      %dma_start3A_174 = tpu.memref_slice %arg10[%dma_start3A_172, %dma_start3A_173] : memref<10240x128xf32, #tpu.memory_space<vmem_shared>> -> memref<10240x128xf32, #tpu.memory_space<vmem_shared>>
      tpu.enqueue_indirect_dma source(%dma_start3A_168 : memref<100x128xf32, #tpu.memory_space<vmem>>) target(%dma_start3A_174 : memref<10240x128xf32, #tpu.memory_space<vmem_shared>>) offsets(%dma_start3A_171 : memref<100xi32, #tpu.memory_space<vmem>>) semaphore(%arg12 : memref<!tpu.dma_semaphore, #tpu.memory_space<semaphore_mem>>) {add = true}
    }
    %scan3A_48 = arith.constant 100 : i32
    %dma_wait3A = arith.constant 0 : i32
    %dma_wait3A_49 = arith.constant 1 : i32
    %dma_wait3A_50 = arith.constant 9 : i32
    %dma_wait3A_51 = arith.constant 0 : i32
    %dma_wait3A_52 = arith.constant 0 : i32
    %dma_wait3A_53 = tpu.memref_slice %arg9[%dma_wait3A, %dma_wait3A_51, %dma_wait3A_52] : memref<3x100x128xf32, #tpu.memory_space<vmem>> -> memref<1x100x128xf32, #tpu.memory_space<vmem>>
    %dma_wait3A_54 = tpu.memref_squeeze %dma_wait3A_53 : memref<1x100x128xf32, #tpu.memory_space<vmem>> -> memref<100x128xf32, #tpu.memory_space<vmem>>
    %dma_wait3A_55 = arith.constant 0 : i32
    %dma_wait3A_56 = tpu.memref_slice %arg8[%dma_wait3A_49, %dma_wait3A_50, %dma_wait3A_55] : memref<2x10x100xi32, #tpu.memory_space<vmem>> -> memref<1x1x100xi32, #tpu.memory_space<vmem>>
    %dma_wait3A_57 = tpu.memref_squeeze %dma_wait3A_56 : memref<1x1x100xi32, #tpu.memory_space<vmem>> -> memref<100xi32, #tpu.memory_space<vmem>>
    %dma_wait3A_58 = arith.constant 0 : i32
    %dma_wait3A_59 = arith.constant 0 : i32
    %dma_wait3A_60 = tpu.memref_slice %arg10[%dma_wait3A_58, %dma_wait3A_59] : memref<10240x128xf32, #tpu.memory_space<vmem_shared>> -> memref<10240x128xf32, #tpu.memory_space<vmem_shared>>
    tpu.wait_indirect_dma semaphore(%arg12 : memref<!tpu.dma_semaphore, #tpu.memory_space<semaphore_mem>>) src(%dma_wait3A_54 : memref<100x128xf32, #tpu.memory_space<vmem>>) dst(%dma_wait3A_60 : memref<10240x128xf32, #tpu.memory_space<vmem_shared>>)
    %barrier3A_61 = arith.constant 0 : index
    tpu.barrier barrier_id(%barrier3A_61)
    %dma_start3A_62 = arith.constant 0 : i32
    %dma_start3A_63 = arith.constant 0 : i32
    %dma_start3A_64 = arith.constant 0 : i32
    %dma_start3A_65 = tpu.memref_slice %arg9[%dma_start3A_62, %dma_start3A_63, %dma_start3A_64] : memref<3x100x128xf32, #tpu.memory_space<vmem>> -> memref<1x80x128xf32, #tpu.memory_space<vmem>>
    %dma_start3A_66 = tpu.memref_squeeze %dma_start3A_65 : memref<1x80x128xf32, #tpu.memory_space<vmem>> -> memref<80x128xf32, #tpu.memory_space<vmem>>
    %dma_start3A_67 = arith.constant 0 : i32
    %dma_start3A_68 = tpu.memref_slice %arg10[%mul3A_2, %dma_start3A_67] : memref<10240x128xf32, #tpu.memory_space<vmem_shared>> -> memref<80x128xf32, #tpu.memory_space<vmem_shared>>
    %dma_start3A_69 = arith.constant 0 : i32
    %dma_start3A_70 = arith.constant 0 : i32
    %dma_start3A_71 = tpu.memref_slice %arg9[%dma_start3A_62, %dma_start3A_69, %dma_start3A_70] : memref<3x100x128xf32, #tpu.memory_space<vmem>> -> memref<1x80x128xf32, #tpu.memory_space<vmem>>
    %dma_start3A_72 = tpu.memref_squeeze %dma_start3A_71 : memref<1x80x128xf32, #tpu.memory_space<vmem>> -> memref<80x128xf32, #tpu.memory_space<vmem>>
    %dma_start3A_73 = arith.constant 0 : i32
    %dma_start3A_74 = tpu.memref_slice %arg10[%mul3A_2, %dma_start3A_73] : memref<10240x128xf32, #tpu.memory_space<vmem_shared>> -> memref<80x128xf32, #tpu.memory_space<vmem_shared>>
    tpu.enqueue_dma source(%dma_start3A_74 : memref<80x128xf32, #tpu.memory_space<vmem_shared>>) target(%dma_start3A_72 : memref<80x128xf32, #tpu.memory_space<vmem>>) target_semaphore(%arg11 : memref<!tpu.dma_semaphore, #tpu.memory_space<semaphore_mem>>)
    %scan3A_75 = arith.constant 0 : i32
    %scan3A_76 = arith.constant 0 : i32
    %scan3A_77 = arith.constant 8 : i32
    %scan3A_78 = arith.addi %scan3A_76, %scan3A_77 : i32
    %scan3A_79 = arith.constant 1 : i32
    scf.for %scan3A_81 = %scan3A_76 to %scan3A_78 step %scan3A_79  : i32 {
      %mul3A_82 = arith.constant 80 : i32
      %mul3A_83 = arith.muli %scan3A_81, %mul3A_82 : i32
      %add3A_84 = arith.addi %mul3A_2, %mul3A_83 : i32
      %jit3A = arith.constant 2 : i32
      %eq3A = arith.constant 0 : i32
      %eq3A_85 = arith.cmpi eq, %jit3A, %eq3A : i32
      %jit3A_86 = arith.constant 1 : i32
      %select_n3A = arith.select %eq3A_85, %jit3A_86, %jit3A : i32
      %rem3A = arith.remsi %scan3A_81, %select_n3A : i32
      %ne3A = arith.constant 0 : i32
      %ne3A_87 = arith.cmpi ne, %rem3A, %ne3A : i32
      %lt3A = arith.constant 0 : i32
      %lt3A_88 = arith.cmpi slt, %rem3A, %lt3A : i32
      %lt3A_89 = arith.constant 0 : i32
      %lt3A_90 = arith.cmpi slt, %select_n3A, %lt3A_89 : i32
      %ne3A_91 = arith.xori %lt3A_88, %lt3A_90 : i1
      %and3A = arith.andi %ne3A_91, %ne3A_87 : i1
      %add3A_92 = arith.addi %rem3A, %select_n3A : i32
      %select_n3A_93 = arith.select %and3A, %add3A_92, %rem3A : i32
      %dma_wait3A_94 = arith.constant 0 : i32
      %dma_wait3A_95 = arith.constant 0 : i32
      %dma_wait3A_96 = tpu.memref_slice %arg9[%select_n3A_93, %dma_wait3A_94, %dma_wait3A_95] : memref<3x100x128xf32, #tpu.memory_space<vmem>> -> memref<1x80x128xf32, #tpu.memory_space<vmem>>
      %dma_wait3A_97 = tpu.memref_squeeze %dma_wait3A_96 : memref<1x80x128xf32, #tpu.memory_space<vmem>> -> memref<80x128xf32, #tpu.memory_space<vmem>>
      %dma_wait3A_98 = arith.constant 0 : i32
      %dma_wait3A_99 = tpu.memref_slice %arg10[%add3A_84, %dma_wait3A_98] : memref<10240x128xf32, #tpu.memory_space<vmem_shared>> -> memref<80x128xf32, #tpu.memory_space<vmem_shared>>
      %dma_wait3A_100 = arith.constant 0 : i32
      %dma_wait3A_101 = arith.constant 0 : i32
      %dma_wait3A_102 = tpu.memref_slice %arg9[%select_n3A_93, %dma_wait3A_100, %dma_wait3A_101] : memref<3x100x128xf32, #tpu.memory_space<vmem>> -> memref<1x80x128xf32, #tpu.memory_space<vmem>>
      %dma_wait3A_103 = tpu.memref_squeeze %dma_wait3A_102 : memref<1x80x128xf32, #tpu.memory_space<vmem>> -> memref<80x128xf32, #tpu.memory_space<vmem>>
      %dma_wait3A_104 = arith.constant 0 : i32
      %dma_wait3A_105 = tpu.memref_slice %arg10[%add3A_84, %dma_wait3A_104] : memref<10240x128xf32, #tpu.memory_space<vmem_shared>> -> memref<80x128xf32, #tpu.memory_space<vmem_shared>>
      tpu.wait_dma2 semaphore(%arg11 : memref<!tpu.dma_semaphore, #tpu.memory_space<semaphore_mem>>) src(%dma_wait3A_105 : memref<80x128xf32, #tpu.memory_space<vmem_shared>>) dst(%dma_wait3A_103 : memref<80x128xf32, #tpu.memory_space<vmem>>)
      %add3A_106 = arith.constant 1 : i32
      %add3A_107 = arith.addi %scan3A_81, %add3A_106 : i32
      %lt3A_108 = arith.constant 8 : i32
      %lt3A_109 = arith.cmpi slt, %add3A_107, %lt3A_108 : i32
      %convert_element_type3A = arith.extui %lt3A_109 : i1 to i32
      %cond3A = arith.constant 0 : i32
      %cond3A_110 = arith.cmpi ne, %convert_element_type3A, %cond3A : i32
      scf.if %cond3A_110 {
        %add3A_129 = arith.constant 1 : i32
        %add3A_130 = arith.addi %scan3A_81, %add3A_129 : i32
        %mul3A_131 = arith.constant 80 : i32
        %mul3A_132 = arith.muli %add3A_130, %mul3A_131 : i32
        %add3A_133 = arith.addi %mul3A_2, %mul3A_132 : i32
        %add3A_134 = arith.constant 1 : i32
        %add3A_135 = arith.addi %scan3A_81, %add3A_134 : i32
        %jit3A_136 = arith.constant 2 : i32
        %eq3A_137 = arith.constant 0 : i32
        %eq3A_138 = arith.cmpi eq, %jit3A_136, %eq3A_137 : i32
        %jit3A_139 = arith.constant 1 : i32
        %select_n3A_140 = arith.select %eq3A_138, %jit3A_139, %jit3A_136 : i32
        %rem3A_141 = arith.remsi %add3A_135, %select_n3A_140 : i32
        %ne3A_142 = arith.constant 0 : i32
        %ne3A_143 = arith.cmpi ne, %rem3A_141, %ne3A_142 : i32
        %lt3A_144 = arith.constant 0 : i32
        %lt3A_145 = arith.cmpi slt, %rem3A_141, %lt3A_144 : i32
        %lt3A_146 = arith.constant 0 : i32
        %lt3A_147 = arith.cmpi slt, %select_n3A_140, %lt3A_146 : i32
        %ne3A_148 = arith.xori %lt3A_145, %lt3A_147 : i1
        %and3A_149 = arith.andi %ne3A_148, %ne3A_143 : i1
        %add3A_150 = arith.addi %rem3A_141, %select_n3A_140 : i32
        %select_n3A_151 = arith.select %and3A_149, %add3A_150, %rem3A_141 : i32
        %dma_start3A_152 = arith.constant 0 : i32
        %dma_start3A_153 = arith.constant 0 : i32
        %dma_start3A_154 = tpu.memref_slice %arg9[%select_n3A_151, %dma_start3A_152, %dma_start3A_153] : memref<3x100x128xf32, #tpu.memory_space<vmem>> -> memref<1x80x128xf32, #tpu.memory_space<vmem>>
        %dma_start3A_155 = tpu.memref_squeeze %dma_start3A_154 : memref<1x80x128xf32, #tpu.memory_space<vmem>> -> memref<80x128xf32, #tpu.memory_space<vmem>>
        %dma_start3A_156 = arith.constant 0 : i32
        %dma_start3A_157 = tpu.memref_slice %arg10[%add3A_133, %dma_start3A_156] : memref<10240x128xf32, #tpu.memory_space<vmem_shared>> -> memref<80x128xf32, #tpu.memory_space<vmem_shared>>
        %dma_start3A_158 = arith.constant 0 : i32
        %dma_start3A_159 = arith.constant 0 : i32
        %dma_start3A_160 = tpu.memref_slice %arg9[%select_n3A_151, %dma_start3A_158, %dma_start3A_159] : memref<3x100x128xf32, #tpu.memory_space<vmem>> -> memref<1x80x128xf32, #tpu.memory_space<vmem>>
        %dma_start3A_161 = tpu.memref_squeeze %dma_start3A_160 : memref<1x80x128xf32, #tpu.memory_space<vmem>> -> memref<80x128xf32, #tpu.memory_space<vmem>>
        %dma_start3A_162 = arith.constant 0 : i32
        %dma_start3A_163 = tpu.memref_slice %arg10[%add3A_133, %dma_start3A_162] : memref<10240x128xf32, #tpu.memory_space<vmem_shared>> -> memref<80x128xf32, #tpu.memory_space<vmem_shared>>
        tpu.enqueue_dma source(%dma_start3A_163 : memref<80x128xf32, #tpu.memory_space<vmem_shared>>) target(%dma_start3A_161 : memref<80x128xf32, #tpu.memory_space<vmem>>) target_semaphore(%arg11 : memref<!tpu.dma_semaphore, #tpu.memory_space<semaphore_mem>>)
      } else {
      }
      %jit3A_111 = arith.constant 2 : i32
      %eq3A_112 = arith.constant 0 : i32
      %eq3A_113 = arith.cmpi eq, %jit3A_111, %eq3A_112 : i32
      %jit3A_114 = arith.constant 1 : i32
      %select_n3A_115 = arith.select %eq3A_113, %jit3A_114, %jit3A_111 : i32
      %rem3A_116 = arith.remsi %scan3A_81, %select_n3A_115 : i32
      %ne3A_117 = arith.constant 0 : i32
      %ne3A_118 = arith.cmpi ne, %rem3A_116, %ne3A_117 : i32
      %lt3A_119 = arith.constant 0 : i32
      %lt3A_120 = arith.cmpi slt, %rem3A_116, %lt3A_119 : i32
      %lt3A_121 = arith.constant 0 : i32
      %lt3A_122 = arith.cmpi slt, %select_n3A_115, %lt3A_121 : i32
      %ne3A_123 = arith.xori %lt3A_120, %lt3A_122 : i1
      %and3A_124 = arith.andi %ne3A_123, %ne3A_118 : i1
      %add3A_125 = arith.addi %rem3A_116, %select_n3A_115 : i32
      %select_n3A_126 = arith.select %and3A_124, %add3A_125, %rem3A_116 : i32
      %mul3A_127 = arith.constant 80 : i32
      %mul3A_128 = arith.muli %scan3A_81, %mul3A_127 : i32
      "tpu.region"() ({
        %run_scoped3A_129 = tpu.sem_alloc : memref<!tpu.dma_semaphore, #tpu.memory_space<semaphore_mem>>
        %dma_start3A_130 = arith.constant 0 : i32
        %dma_start3A_131 = arith.constant 0 : i32
        %dma_start3A_132 = tpu.memref_slice %arg9[%select_n3A_126, %dma_start3A_130, %dma_start3A_131] : memref<3x100x128xf32, #tpu.memory_space<vmem>> -> memref<1x80x128xf32, #tpu.memory_space<vmem>>
        %dma_start3A_133 = tpu.memref_squeeze %dma_start3A_132 : memref<1x80x128xf32, #tpu.memory_space<vmem>> -> memref<80x128xf32, #tpu.memory_space<vmem>>
        %dma_start3A_134 = arith.constant 0 : i32
        %dma_start3A_135 = tpu.memref_slice %arg6[%arg0, %arg1, %mul3A_128, %dma_start3A_134] : memref<2x16x640x128xf32, #tpu.memory_space<hbm>> -> memref<1x1x80x128xf32, #tpu.memory_space<hbm>>
        %dma_start3A_136 = tpu.memref_squeeze %dma_start3A_135 : memref<1x1x80x128xf32, #tpu.memory_space<hbm>> -> memref<80x128xf32, #tpu.memory_space<hbm>>
        %dma_start3A_137 = arith.constant 0 : i32
        %dma_start3A_138 = tpu.memref_slice %arg6[%arg0, %arg1, %mul3A_128, %dma_start3A_137] : memref<2x16x640x128xf32, #tpu.memory_space<hbm>> -> memref<1x1x80x128xf32, #tpu.memory_space<hbm>>
        %dma_start3A_139 = tpu.memref_squeeze %dma_start3A_138 : memref<1x1x80x128xf32, #tpu.memory_space<hbm>> -> memref<80x128xf32, #tpu.memory_space<hbm>>
        %dma_start3A_140 = arith.constant 0 : i32
        %dma_start3A_141 = arith.constant 0 : i32
        %dma_start3A_142 = tpu.memref_slice %arg9[%select_n3A_126, %dma_start3A_140, %dma_start3A_141] : memref<3x100x128xf32, #tpu.memory_space<vmem>> -> memref<1x80x128xf32, #tpu.memory_space<vmem>>
        %dma_start3A_143 = tpu.memref_squeeze %dma_start3A_142 : memref<1x80x128xf32, #tpu.memory_space<vmem>> -> memref<80x128xf32, #tpu.memory_space<vmem>>
        tpu.enqueue_dma source(%dma_start3A_143 : memref<80x128xf32, #tpu.memory_space<vmem>>) target(%dma_start3A_139 : memref<80x128xf32, #tpu.memory_space<hbm>>) target_semaphore(%run_scoped3A_129 : memref<!tpu.dma_semaphore, #tpu.memory_space<semaphore_mem>>)
        %dma_wait3A_144 = arith.constant 0 : i32
        %dma_wait3A_145 = arith.constant 0 : i32
        %dma_wait3A_146 = tpu.memref_slice %arg9[%select_n3A_126, %dma_wait3A_144, %dma_wait3A_145] : memref<3x100x128xf32, #tpu.memory_space<vmem>> -> memref<1x80x128xf32, #tpu.memory_space<vmem>>
        %dma_wait3A_147 = tpu.memref_squeeze %dma_wait3A_146 : memref<1x80x128xf32, #tpu.memory_space<vmem>> -> memref<80x128xf32, #tpu.memory_space<vmem>>
        %dma_wait3A_148 = arith.constant 0 : i32
        %dma_wait3A_149 = tpu.memref_slice %arg6[%arg0, %arg1, %mul3A_128, %dma_wait3A_148] : memref<2x16x640x128xf32, #tpu.memory_space<hbm>> -> memref<1x1x80x128xf32, #tpu.memory_space<hbm>>
        %dma_wait3A_150 = tpu.memref_squeeze %dma_wait3A_149 : memref<1x1x80x128xf32, #tpu.memory_space<hbm>> -> memref<80x128xf32, #tpu.memory_space<hbm>>
        %dma_wait3A_151 = arith.constant 0 : i32
        %dma_wait3A_152 = tpu.memref_slice %arg6[%arg0, %arg1, %mul3A_128, %dma_wait3A_151] : memref<2x16x640x128xf32, #tpu.memory_space<hbm>> -> memref<1x1x80x128xf32, #tpu.memory_space<hbm>>
        %dma_wait3A_153 = tpu.memref_squeeze %dma_wait3A_152 : memref<1x1x80x128xf32, #tpu.memory_space<hbm>> -> memref<80x128xf32, #tpu.memory_space<hbm>>
        %dma_wait3A_154 = arith.constant 0 : i32
        %dma_wait3A_155 = arith.constant 0 : i32
        %dma_wait3A_156 = tpu.memref_slice %arg9[%select_n3A_126, %dma_wait3A_154, %dma_wait3A_155] : memref<3x100x128xf32, #tpu.memory_space<vmem>> -> memref<1x80x128xf32, #tpu.memory_space<vmem>>
        %dma_wait3A_157 = tpu.memref_squeeze %dma_wait3A_156 : memref<1x80x128xf32, #tpu.memory_space<vmem>> -> memref<80x128xf32, #tpu.memory_space<vmem>>
        tpu.wait_dma2 semaphore(%run_scoped3A_129 : memref<!tpu.dma_semaphore, #tpu.memory_space<semaphore_mem>>) src(%dma_wait3A_157 : memref<80x128xf32, #tpu.memory_space<vmem>>) dst(%dma_wait3A_153 : memref<80x128xf32, #tpu.memory_space<hbm>>)
        tpu.yield
      }) : () -> ()
    }
    %scan3A_80 = arith.constant 8 : i32
    return
  }
}

#map = affine_map<(d0, d1) -> (0, 0, 0, 0)>
#map1 = affine_map<(d0, d1) -> (0)>
#map2 = affine_map<(d0, d1) -> (0, 0)>
module attributes {stable_mosaic.version = 14 : i64} {
  func.func @_sc_deg_body(%arg0: i32, %arg1: i32, %arg2: memref<32x5x125x16xi32, #tpu.memory_space<hbm>>, %arg3: memref<10240xf32, #tpu.memory_space<hbm>>, %arg4: memref<32x10240xf32, #tpu.memory_space<hbm>>, %arg5: memref<125x16xi32, #tpu.memory_space<vmem>>, %arg6: memref<10240xf32, #tpu.memory_space<vmem>>) attributes {dimension_semantics = [#tpu.dimension_semantics<core_parallel>, #tpu.dimension_semantics<subcore_parallel>], iteration_bounds = array<i64: 2, 16>, scalar_prefetch = 0 : i64, scratch_operands = 2 : i64, tpu.core_type = #tpu.core_type<sc_vector_subcore>, window_params = [{transform_indices = #map}, {transform_indices = #map1}, {transform_indices = #map2}]} {
    %mul3A = arith.constant 16 : i32
    %mul3A_0 = arith.muli %arg0, %mul3A : i32
    %add3A = arith.addi %mul3A_0, %arg1 : i32
    "tpu.region"() ({
      %run_scoped3A = tpu.sem_alloc : memref<!tpu.dma_semaphore, #tpu.memory_space<semaphore_mem>>
      tpu.enqueue_dma source(%arg3 : memref<10240xf32, #tpu.memory_space<hbm>>) target(%arg6 : memref<10240xf32, #tpu.memory_space<vmem>>) target_semaphore(%run_scoped3A : memref<!tpu.dma_semaphore, #tpu.memory_space<semaphore_mem>>)
      tpu.wait_dma2 semaphore(%run_scoped3A : memref<!tpu.dma_semaphore, #tpu.memory_space<semaphore_mem>>) src(%arg3 : memref<10240xf32, #tpu.memory_space<hbm>>) dst(%arg6 : memref<10240xf32, #tpu.memory_space<vmem>>)
      tpu.yield
    }) : () -> ()
    %broadcast_in_dim3A = arith.constant 1.000000e+00 : f32
    %broadcast_in_dim3A_1 = vector.broadcast %broadcast_in_dim3A : f32 to vector<16xf32>
    %scan3A = arith.constant 0 : i32
    %scan3A_2 = arith.constant 0 : i32
    %scan3A_3 = arith.constant 5 : i32
    %scan3A_4 = arith.addi %scan3A_2, %scan3A_3 : i32
    %scan3A_5 = arith.constant 1 : i32
    scf.for %scan3A_7 = %scan3A_2 to %scan3A_4 step %scan3A_5  : i32 {
      "tpu.region"() ({
        %run_scoped3A = tpu.sem_alloc : memref<!tpu.dma_semaphore, #tpu.memory_space<semaphore_mem>>
        %dma_start3A = arith.constant 0 : i32
        %dma_start3A_13 = arith.constant 0 : i32
        %dma_start3A_14 = tpu.memref_slice %arg2[%add3A, %scan3A_7, %dma_start3A, %dma_start3A_13] : memref<32x5x125x16xi32, #tpu.memory_space<hbm>> -> memref<1x1x125x16xi32, #tpu.memory_space<hbm>>
        %dma_start3A_15 = tpu.memref_squeeze %dma_start3A_14 : memref<1x1x125x16xi32, #tpu.memory_space<hbm>> -> memref<125x16xi32, #tpu.memory_space<hbm>>
        %dma_start3A_16 = arith.constant 0 : i32
        %dma_start3A_17 = arith.constant 0 : i32
        %dma_start3A_18 = tpu.memref_slice %arg2[%add3A, %scan3A_7, %dma_start3A_16, %dma_start3A_17] : memref<32x5x125x16xi32, #tpu.memory_space<hbm>> -> memref<1x1x125x16xi32, #tpu.memory_space<hbm>>
        %dma_start3A_19 = tpu.memref_squeeze %dma_start3A_18 : memref<1x1x125x16xi32, #tpu.memory_space<hbm>> -> memref<125x16xi32, #tpu.memory_space<hbm>>
        tpu.enqueue_dma source(%dma_start3A_19 : memref<125x16xi32, #tpu.memory_space<hbm>>) target(%arg5 : memref<125x16xi32, #tpu.memory_space<vmem>>) target_semaphore(%run_scoped3A : memref<!tpu.dma_semaphore, #tpu.memory_space<semaphore_mem>>)
        %dma_wait3A = arith.constant 0 : i32
        %dma_wait3A_20 = arith.constant 0 : i32
        %dma_wait3A_21 = tpu.memref_slice %arg2[%add3A, %scan3A_7, %dma_wait3A, %dma_wait3A_20] : memref<32x5x125x16xi32, #tpu.memory_space<hbm>> -> memref<1x1x125x16xi32, #tpu.memory_space<hbm>>
        %dma_wait3A_22 = tpu.memref_squeeze %dma_wait3A_21 : memref<1x1x125x16xi32, #tpu.memory_space<hbm>> -> memref<125x16xi32, #tpu.memory_space<hbm>>
        %dma_wait3A_23 = arith.constant 0 : i32
        %dma_wait3A_24 = arith.constant 0 : i32
        %dma_wait3A_25 = tpu.memref_slice %arg2[%add3A, %scan3A_7, %dma_wait3A_23, %dma_wait3A_24] : memref<32x5x125x16xi32, #tpu.memory_space<hbm>> -> memref<1x1x125x16xi32, #tpu.memory_space<hbm>>
        %dma_wait3A_26 = tpu.memref_squeeze %dma_wait3A_25 : memref<1x1x125x16xi32, #tpu.memory_space<hbm>> -> memref<125x16xi32, #tpu.memory_space<hbm>>
        tpu.wait_dma2 semaphore(%run_scoped3A : memref<!tpu.dma_semaphore, #tpu.memory_space<semaphore_mem>>) src(%dma_wait3A_26 : memref<125x16xi32, #tpu.memory_space<hbm>>) dst(%arg5 : memref<125x16xi32, #tpu.memory_space<vmem>>)
        tpu.yield
      }) : () -> ()
      %scan3A_8 = arith.constant 0 : i32
      %scan3A_9 = arith.constant 125 : i32
      %scan3A_10 = arith.addi %scan3A_8, %scan3A_9 : i32
      %scan3A_11 = arith.constant 1 : i32
      scf.for %scan3A_13 = %scan3A_8 to %scan3A_10 step %scan3A_11  : i32 {
        %get3A = arith.index_cast %scan3A_13 : i32 to index
        %get3A_14 = arith.constant 0 : index
        %get3A_15 = tpu.vector_load %arg5[%get3A, %get3A_14] {strides = array<i32>} : memref<125x16xi32, #tpu.memory_space<vmem>>, vector<16xi32>,
        tpu.vector_store_idx %arg6[%get3A_15], %broadcast_in_dim3A_1 {add = true} : memref<10240xf32, #tpu.memory_space<vmem>>[vector<16xi32>], vector<16xf32>,
      }
      %scan3A_12 = arith.constant 125 : i32
    }
    %scan3A_6 = arith.constant 5 : i32
    "tpu.region"() ({
      %run_scoped3A = tpu.sem_alloc : memref<!tpu.dma_semaphore, #tpu.memory_space<semaphore_mem>>
      %dma_start3A = arith.constant 0 : i32
      %dma_start3A_7 = tpu.memref_slice %arg4[%add3A, %dma_start3A] : memref<32x10240xf32, #tpu.memory_space<hbm>> -> memref<1x10240xf32, #tpu.memory_space<hbm>>
      %dma_start3A_8 = tpu.memref_squeeze %dma_start3A_7 : memref<1x10240xf32, #tpu.memory_space<hbm>> -> memref<10240xf32, #tpu.memory_space<hbm>>
      %dma_start3A_9 = arith.constant 0 : i32
      %dma_start3A_10 = tpu.memref_slice %arg4[%add3A, %dma_start3A_9] : memref<32x10240xf32, #tpu.memory_space<hbm>> -> memref<1x10240xf32, #tpu.memory_space<hbm>>
      %dma_start3A_11 = tpu.memref_squeeze %dma_start3A_10 : memref<1x10240xf32, #tpu.memory_space<hbm>> -> memref<10240xf32, #tpu.memory_space<hbm>>
      tpu.enqueue_dma source(%arg6 : memref<10240xf32, #tpu.memory_space<vmem>>) target(%dma_start3A_11 : memref<10240xf32, #tpu.memory_space<hbm>>) target_semaphore(%run_scoped3A : memref<!tpu.dma_semaphore, #tpu.memory_space<semaphore_mem>>)
      %dma_wait3A = arith.constant 0 : i32
      %dma_wait3A_12 = tpu.memref_slice %arg4[%add3A, %dma_wait3A] : memref<32x10240xf32, #tpu.memory_space<hbm>> -> memref<1x10240xf32, #tpu.memory_space<hbm>>
      %dma_wait3A_13 = tpu.memref_squeeze %dma_wait3A_12 : memref<1x10240xf32, #tpu.memory_space<hbm>> -> memref<10240xf32, #tpu.memory_space<hbm>>
      %dma_wait3A_14 = arith.constant 0 : i32
      %dma_wait3A_15 = tpu.memref_slice %arg4[%add3A, %dma_wait3A_14] : memref<32x10240xf32, #tpu.memory_space<hbm>> -> memref<1x10240xf32, #tpu.memory_space<hbm>>
      %dma_wait3A_16 = tpu.memref_squeeze %dma_wait3A_15 : memref<1x10240xf32, #tpu.memory_space<hbm>> -> memref<10240xf32, #tpu.memory_space<hbm>>
      tpu.wait_dma2 semaphore(%run_scoped3A : memref<!tpu.dma_semaphore, #tpu.memory_space<semaphore_mem>>) src(%arg6 : memref<10240xf32, #tpu.memory_space<vmem>>) dst(%dma_wait3A_16 : memref<10240xf32, #tpu.memory_space<hbm>>)
      tpu.yield
    }) : () -> ()
    return
  }
}

#map = affine_map<(d0, d1) -> (0, 0)>
#map1 = affine_map<(d0, d1) -> (0, 0, 0, 0)>
module attributes {stable_mosaic.version = 14 : i64} {
  func.func @_sc_agg_body(%arg0: i32, %arg1: i32, %arg2: memref<10000x128xf32, #tpu.memory_space<hbm>>, %arg3: memref<32x10x10x100xi32, #tpu.memory_space<hbm>>, %arg4: memref<32x10x10x100xi32, #tpu.memory_space<hbm>>, %arg5: memref<100x128xf32, #tpu.memory_space<hbm>>, %arg6: memref<2x16x640x128xf32, #tpu.memory_space<hbm>>, %arg7: memref<2x10x100xi32, #tpu.memory_space<vmem>>, %arg8: memref<2x10x100xi32, #tpu.memory_space<vmem>>, %arg9: memref<3x100x128xf32, #tpu.memory_space<vmem>>, %arg10: memref<10240x128xf32, #tpu.memory_space<vmem_shared>>, %arg11: memref<!tpu.dma_semaphore, #tpu.memory_space<semaphore_mem>>, %arg12: memref<!tpu.dma_semaphore, #tpu.memory_space<semaphore_mem>>) attributes {dimension_semantics = [#tpu.dimension_semantics<core_parallel>, #tpu.dimension_semantics<subcore_parallel>], iteration_bounds = array<i64: 2, 16>, scalar_prefetch = 0 : i64, scratch_operands = 6 : i64, tpu.core_type = #tpu.core_type<sc_vector_subcore>, window_params = [{transform_indices = #map}, {transform_indices = #map1}, {transform_indices = #map1}, {transform_indices = #map}, {transform_indices = #map1}]} {
    %mul3A = arith.constant 16 : i32
    %mul3A_0 = arith.muli %arg0, %mul3A : i32
    %add3A = arith.addi %mul3A_0, %arg1 : i32
    %mul3A_1 = arith.constant 640 : i32
    %mul3A_2 = arith.muli %arg1, %mul3A_1 : i32
    %run_scoped3A = arith.constant 0 : i32
    "tpu.region"() ({
      %run_scoped3A_81 = tpu.sem_alloc : memref<!tpu.dma_semaphore, #tpu.memory_space<semaphore_mem>>
      %dma_start3A_82 = arith.constant 0 : i32
      %dma_start3A_83 = arith.constant 0 : i32
      %dma_start3A_84 = tpu.memref_slice %arg9[%run_scoped3A, %dma_start3A_82, %dma_start3A_83] : memref<3x100x128xf32, #tpu.memory_space<vmem>> -> memref<1x100x128xf32, #tpu.memory_space<vmem>>
      %dma_start3A_85 = tpu.memref_squeeze %dma_start3A_84 : memref<1x100x128xf32, #tpu.memory_space<vmem>> -> memref<100x128xf32, #tpu.memory_space<vmem>>
      %dma_start3A_86 = arith.constant 0 : i32
      %dma_start3A_87 = arith.constant 0 : i32
      %dma_start3A_88 = tpu.memref_slice %arg9[%run_scoped3A, %dma_start3A_86, %dma_start3A_87] : memref<3x100x128xf32, #tpu.memory_space<vmem>> -> memref<1x100x128xf32, #tpu.memory_space<vmem>>
      %dma_start3A_89 = tpu.memref_squeeze %dma_start3A_88 : memref<1x100x128xf32, #tpu.memory_space<vmem>> -> memref<100x128xf32, #tpu.memory_space<vmem>>
      tpu.enqueue_dma source(%arg5 : memref<100x128xf32, #tpu.memory_space<hbm>>) target(%dma_start3A_89 : memref<100x128xf32, #tpu.memory_space<vmem>>) target_semaphore(%run_scoped3A_81 : memref<!tpu.dma_semaphore, #tpu.memory_space<semaphore_mem>>)
      %dma_wait3A_90 = arith.constant 0 : i32
      %dma_wait3A_91 = arith.constant 0 : i32
      %dma_wait3A_92 = tpu.memref_slice %arg9[%run_scoped3A, %dma_wait3A_90, %dma_wait3A_91] : memref<3x100x128xf32, #tpu.memory_space<vmem>> -> memref<1x100x128xf32, #tpu.memory_space<vmem>>
      %dma_wait3A_93 = tpu.memref_squeeze %dma_wait3A_92 : memref<1x100x128xf32, #tpu.memory_space<vmem>> -> memref<100x128xf32, #tpu.memory_space<vmem>>
      %dma_wait3A_94 = arith.constant 0 : i32
      %dma_wait3A_95 = arith.constant 0 : i32
      %dma_wait3A_96 = tpu.memref_slice %arg9[%run_scoped3A, %dma_wait3A_94, %dma_wait3A_95] : memref<3x100x128xf32, #tpu.memory_space<vmem>> -> memref<1x100x128xf32, #tpu.memory_space<vmem>>
      %dma_wait3A_97 = tpu.memref_squeeze %dma_wait3A_96 : memref<1x100x128xf32, #tpu.memory_space<vmem>> -> memref<100x128xf32, #tpu.memory_space<vmem>>
      tpu.wait_dma2 semaphore(%run_scoped3A_81 : memref<!tpu.dma_semaphore, #tpu.memory_space<semaphore_mem>>) src(%arg5 : memref<100x128xf32, #tpu.memory_space<hbm>>) dst(%dma_wait3A_97 : memref<100x128xf32, #tpu.memory_space<vmem>>)
      tpu.yield
    }) : () -> ()
    %scan3A = arith.constant 0 : i32
    %scan3A_3 = arith.constant 0 : i32
    %scan3A_4 = arith.constant 8 : i32
    %scan3A_5 = arith.addi %scan3A_3, %scan3A_4 : i32
    %scan3A_6 = arith.constant 1 : i32
    scf.for %scan3A_81 = %scan3A_3 to %scan3A_5 step %scan3A_6  : i32 {
      %mul3A_82 = arith.constant 80 : i32
      %mul3A_83 = arith.muli %scan3A_81, %mul3A_82 : i32
      %add3A_84 = arith.addi %mul3A_2, %mul3A_83 : i32
      %dma_start3A_85 = arith.constant 0 : i32
      %dma_start3A_86 = arith.constant 0 : i32
      %dma_start3A_87 = arith.constant 0 : i32
      %dma_start3A_88 = tpu.memref_slice %arg9[%dma_start3A_85, %dma_start3A_86, %dma_start3A_87] : memref<3x100x128xf32, #tpu.memory_space<vmem>> -> memref<1x80x128xf32, #tpu.memory_space<vmem>>
      %dma_start3A_89 = tpu.memref_squeeze %dma_start3A_88 : memref<1x80x128xf32, #tpu.memory_space<vmem>> -> memref<80x128xf32, #tpu.memory_space<vmem>>
      %dma_start3A_90 = arith.constant 0 : i32
      %dma_start3A_91 = tpu.memref_slice %arg10[%add3A_84, %dma_start3A_90] : memref<10240x128xf32, #tpu.memory_space<vmem_shared>> -> memref<80x128xf32, #tpu.memory_space<vmem_shared>>
      %dma_start3A_92 = arith.constant 0 : i32
      %dma_start3A_93 = tpu.memref_slice %arg10[%add3A_84, %dma_start3A_92] : memref<10240x128xf32, #tpu.memory_space<vmem_shared>> -> memref<80x128xf32, #tpu.memory_space<vmem_shared>>
      %dma_start3A_94 = arith.constant 0 : i32
      %dma_start3A_95 = arith.constant 0 : i32
      %dma_start3A_96 = tpu.memref_slice %arg9[%dma_start3A_85, %dma_start3A_94, %dma_start3A_95] : memref<3x100x128xf32, #tpu.memory_space<vmem>> -> memref<1x80x128xf32, #tpu.memory_space<vmem>>
      %dma_start3A_97 = tpu.memref_squeeze %dma_start3A_96 : memref<1x80x128xf32, #tpu.memory_space<vmem>> -> memref<80x128xf32, #tpu.memory_space<vmem>>
      tpu.enqueue_dma source(%dma_start3A_97 : memref<80x128xf32, #tpu.memory_space<vmem>>) target(%dma_start3A_93 : memref<80x128xf32, #tpu.memory_space<vmem_shared>>) target_semaphore(%arg12 : memref<!tpu.dma_semaphore, #tpu.memory_space<semaphore_mem>>)
    }
    %scan3A_7 = arith.constant 8 : i32
    %scan3A_8 = arith.constant 0 : i32
    %scan3A_9 = arith.constant 0 : i32
    %scan3A_10 = arith.constant 8 : i32
    %scan3A_11 = arith.addi %scan3A_9, %scan3A_10 : i32
    %scan3A_12 = arith.constant 1 : i32
    scf.for %scan3A_81 = %scan3A_9 to %scan3A_11 step %scan3A_12  : i32 {
      %mul3A_82 = arith.constant 80 : i32
      %mul3A_83 = arith.muli %scan3A_81, %mul3A_82 : i32
      %add3A_84 = arith.addi %mul3A_2, %mul3A_83 : i32
      %dma_wait3A_85 = arith.constant 0 : i32
      %dma_wait3A_86 = arith.constant 0 : i32
      %dma_wait3A_87 = arith.constant 0 : i32
      %dma_wait3A_88 = tpu.memref_slice %arg9[%dma_wait3A_85, %dma_wait3A_86, %dma_wait3A_87] : memref<3x100x128xf32, #tpu.memory_space<vmem>> -> memref<1x80x128xf32, #tpu.memory_space<vmem>>
      %dma_wait3A_89 = tpu.memref_squeeze %dma_wait3A_88 : memref<1x80x128xf32, #tpu.memory_space<vmem>> -> memref<80x128xf32, #tpu.memory_space<vmem>>
      %dma_wait3A_90 = arith.constant 0 : i32
      %dma_wait3A_91 = tpu.memref_slice %arg10[%add3A_84, %dma_wait3A_90] : memref<10240x128xf32, #tpu.memory_space<vmem_shared>> -> memref<80x128xf32, #tpu.memory_space<vmem_shared>>
      %dma_wait3A_92 = arith.constant 0 : i32
      %dma_wait3A_93 = tpu.memref_slice %arg10[%add3A_84, %dma_wait3A_92] : memref<10240x128xf32, #tpu.memory_space<vmem_shared>> -> memref<80x128xf32, #tpu.memory_space<vmem_shared>>
      %dma_wait3A_94 = arith.constant 0 : i32
      %dma_wait3A_95 = arith.constant 0 : i32
      %dma_wait3A_96 = tpu.memref_slice %arg9[%dma_wait3A_85, %dma_wait3A_94, %dma_wait3A_95] : memref<3x100x128xf32, #tpu.memory_space<vmem>> -> memref<1x80x128xf32, #tpu.memory_space<vmem>>
      %dma_wait3A_97 = tpu.memref_squeeze %dma_wait3A_96 : memref<1x80x128xf32, #tpu.memory_space<vmem>> -> memref<80x128xf32, #tpu.memory_space<vmem>>
      tpu.wait_dma2 semaphore(%arg12 : memref<!tpu.dma_semaphore, #tpu.memory_space<semaphore_mem>>) src(%dma_wait3A_97 : memref<80x128xf32, #tpu.memory_space<vmem>>) dst(%dma_wait3A_93 : memref<80x128xf32, #tpu.memory_space<vmem_shared>>)
    }
    %scan3A_13 = arith.constant 8 : i32
    %barrier3A = arith.constant 0 : index
    tpu.barrier barrier_id(%barrier3A)
    %run_scoped3A_14 = arith.constant 0 : i32
    %run_scoped3A_15 = arith.constant 0 : i32
    "tpu.region"() ({
      %run_scoped3A_81 = tpu.sem_alloc : memref<!tpu.dma_semaphore, #tpu.memory_space<semaphore_mem>>
      %dma_start3A_82 = arith.constant 0 : i32
      %dma_start3A_83 = arith.constant 0 : i32
      %dma_start3A_84 = tpu.memref_slice %arg7[%run_scoped3A_15, %dma_start3A_82, %dma_start3A_83] : memref<2x10x100xi32, #tpu.memory_space<vmem>> -> memref<1x10x100xi32, #tpu.memory_space<vmem>>
      %dma_start3A_85 = tpu.memref_squeeze %dma_start3A_84 : memref<1x10x100xi32, #tpu.memory_space<vmem>> -> memref<10x100xi32, #tpu.memory_space<vmem>>
      %dma_start3A_86 = arith.constant 0 : i32
      %dma_start3A_87 = arith.constant 0 : i32
      %dma_start3A_88 = tpu.memref_slice %arg3[%add3A, %run_scoped3A_14, %dma_start3A_86, %dma_start3A_87] : memref<32x10x10x100xi32, #tpu.memory_space<hbm>> -> memref<1x1x10x100xi32, #tpu.memory_space<hbm>>
      %dma_start3A_89 = tpu.memref_squeeze %dma_start3A_88 : memref<1x1x10x100xi32, #tpu.memory_space<hbm>> -> memref<10x100xi32, #tpu.memory_space<hbm>>
      %dma_start3A_90 = arith.constant 0 : i32
      %dma_start3A_91 = arith.constant 0 : i32
      %dma_start3A_92 = tpu.memref_slice %arg7[%run_scoped3A_15, %dma_start3A_90, %dma_start3A_91] : memref<2x10x100xi32, #tpu.memory_space<vmem>> -> memref<1x10x100xi32, #tpu.memory_space<vmem>>
      %dma_start3A_93 = tpu.memref_squeeze %dma_start3A_92 : memref<1x10x100xi32, #tpu.memory_space<vmem>> -> memref<10x100xi32, #tpu.memory_space<vmem>>
      %dma_start3A_94 = arith.constant 0 : i32
      %dma_start3A_95 = arith.constant 0 : i32
      %dma_start3A_96 = tpu.memref_slice %arg3[%add3A, %run_scoped3A_14, %dma_start3A_94, %dma_start3A_95] : memref<32x10x10x100xi32, #tpu.memory_space<hbm>> -> memref<1x1x10x100xi32, #tpu.memory_space<hbm>>
      %dma_start3A_97 = tpu.memref_squeeze %dma_start3A_96 : memref<1x1x10x100xi32, #tpu.memory_space<hbm>> -> memref<10x100xi32, #tpu.memory_space<hbm>>
      tpu.enqueue_dma source(%dma_start3A_97 : memref<10x100xi32, #tpu.memory_space<hbm>>) target(%dma_start3A_93 : memref<10x100xi32, #tpu.memory_space<vmem>>) target_semaphore(%run_scoped3A_81 : memref<!tpu.dma_semaphore, #tpu.memory_space<semaphore_mem>>)
      %dma_wait3A_98 = arith.constant 0 : i32
      %dma_wait3A_99 = arith.constant 0 : i32
      %dma_wait3A_100 = tpu.memref_slice %arg7[%run_scoped3A_15, %dma_wait3A_98, %dma_wait3A_99] : memref<2x10x100xi32, #tpu.memory_space<vmem>> -> memref<1x10x100xi32, #tpu.memory_space<vmem>>
      %dma_wait3A_101 = tpu.memref_squeeze %dma_wait3A_100 : memref<1x10x100xi32, #tpu.memory_space<vmem>> -> memref<10x100xi32, #tpu.memory_space<vmem>>
      %dma_wait3A_102 = arith.constant 0 : i32
      %dma_wait3A_103 = arith.constant 0 : i32
      %dma_wait3A_104 = tpu.memref_slice %arg3[%add3A, %run_scoped3A_14, %dma_wait3A_102, %dma_wait3A_103] : memref<32x10x10x100xi32, #tpu.memory_space<hbm>> -> memref<1x1x10x100xi32, #tpu.memory_space<hbm>>
      %dma_wait3A_105 = tpu.memref_squeeze %dma_wait3A_104 : memref<1x1x10x100xi32, #tpu.memory_space<hbm>> -> memref<10x100xi32, #tpu.memory_space<hbm>>
      %dma_wait3A_106 = arith.constant 0 : i32
      %dma_wait3A_107 = arith.constant 0 : i32
      %dma_wait3A_108 = tpu.memref_slice %arg7[%run_scoped3A_15, %dma_wait3A_106, %dma_wait3A_107] : memref<2x10x100xi32, #tpu.memory_space<vmem>> -> memref<1x10x100xi32, #tpu.memory_space<vmem>>
      %dma_wait3A_109 = tpu.memref_squeeze %dma_wait3A_108 : memref<1x10x100xi32, #tpu.memory_space<vmem>> -> memref<10x100xi32, #tpu.memory_space<vmem>>
      %dma_wait3A_110 = arith.constant 0 : i32
      %dma_wait3A_111 = arith.constant 0 : i32
      %dma_wait3A_112 = tpu.memref_slice %arg3[%add3A, %run_scoped3A_14, %dma_wait3A_110, %dma_wait3A_111] : memref<32x10x10x100xi32, #tpu.memory_space<hbm>> -> memref<1x1x10x100xi32, #tpu.memory_space<hbm>>
      %dma_wait3A_113 = tpu.memref_squeeze %dma_wait3A_112 : memref<1x1x10x100xi32, #tpu.memory_space<hbm>> -> memref<10x100xi32, #tpu.memory_space<hbm>>
      tpu.wait_dma2 semaphore(%run_scoped3A_81 : memref<!tpu.dma_semaphore, #tpu.memory_space<semaphore_mem>>) src(%dma_wait3A_113 : memref<10x100xi32, #tpu.memory_space<hbm>>) dst(%dma_wait3A_109 : memref<10x100xi32, #tpu.memory_space<vmem>>)
      tpu.yield
    }) : () -> ()
    %run_scoped3A_16 = arith.constant 0 : i32
    %run_scoped3A_17 = arith.constant 0 : i32
    "tpu.region"() ({
      %run_scoped3A_81 = tpu.sem_alloc : memref<!tpu.dma_semaphore, #tpu.memory_space<semaphore_mem>>
      %dma_start3A_82 = arith.constant 0 : i32
      %dma_start3A_83 = arith.constant 0 : i32
      %dma_start3A_84 = tpu.memref_slice %arg8[%run_scoped3A_17, %dma_start3A_82, %dma_start3A_83] : memref<2x10x100xi32, #tpu.memory_space<vmem>> -> memref<1x10x100xi32, #tpu.memory_space<vmem>>
      %dma_start3A_85 = tpu.memref_squeeze %dma_start3A_84 : memref<1x10x100xi32, #tpu.memory_space<vmem>> -> memref<10x100xi32, #tpu.memory_space<vmem>>
      %dma_start3A_86 = arith.constant 0 : i32
      %dma_start3A_87 = arith.constant 0 : i32
      %dma_start3A_88 = tpu.memref_slice %arg4[%add3A, %run_scoped3A_16, %dma_start3A_86, %dma_start3A_87] : memref<32x10x10x100xi32, #tpu.memory_space<hbm>> -> memref<1x1x10x100xi32, #tpu.memory_space<hbm>>
      %dma_start3A_89 = tpu.memref_squeeze %dma_start3A_88 : memref<1x1x10x100xi32, #tpu.memory_space<hbm>> -> memref<10x100xi32, #tpu.memory_space<hbm>>
      %dma_start3A_90 = arith.constant 0 : i32
      %dma_start3A_91 = arith.constant 0 : i32
      %dma_start3A_92 = tpu.memref_slice %arg8[%run_scoped3A_17, %dma_start3A_90, %dma_start3A_91] : memref<2x10x100xi32, #tpu.memory_space<vmem>> -> memref<1x10x100xi32, #tpu.memory_space<vmem>>
      %dma_start3A_93 = tpu.memref_squeeze %dma_start3A_92 : memref<1x10x100xi32, #tpu.memory_space<vmem>> -> memref<10x100xi32, #tpu.memory_space<vmem>>
      %dma_start3A_94 = arith.constant 0 : i32
      %dma_start3A_95 = arith.constant 0 : i32
      %dma_start3A_96 = tpu.memref_slice %arg4[%add3A, %run_scoped3A_16, %dma_start3A_94, %dma_start3A_95] : memref<32x10x10x100xi32, #tpu.memory_space<hbm>> -> memref<1x1x10x100xi32, #tpu.memory_space<hbm>>
      %dma_start3A_97 = tpu.memref_squeeze %dma_start3A_96 : memref<1x1x10x100xi32, #tpu.memory_space<hbm>> -> memref<10x100xi32, #tpu.memory_space<hbm>>
      tpu.enqueue_dma source(%dma_start3A_97 : memref<10x100xi32, #tpu.memory_space<hbm>>) target(%dma_start3A_93 : memref<10x100xi32, #tpu.memory_space<vmem>>) target_semaphore(%run_scoped3A_81 : memref<!tpu.dma_semaphore, #tpu.memory_space<semaphore_mem>>)
      %dma_wait3A_98 = arith.constant 0 : i32
      %dma_wait3A_99 = arith.constant 0 : i32
      %dma_wait3A_100 = tpu.memref_slice %arg8[%run_scoped3A_17, %dma_wait3A_98, %dma_wait3A_99] : memref<2x10x100xi32, #tpu.memory_space<vmem>> -> memref<1x10x100xi32, #tpu.memory_space<vmem>>
      %dma_wait3A_101 = tpu.memref_squeeze %dma_wait3A_100 : memref<1x10x100xi32, #tpu.memory_space<vmem>> -> memref<10x100xi32, #tpu.memory_space<vmem>>
      %dma_wait3A_102 = arith.constant 0 : i32
      %dma_wait3A_103 = arith.constant 0 : i32
      %dma_wait3A_104 = tpu.memref_slice %arg4[%add3A, %run_scoped3A_16, %dma_wait3A_102, %dma_wait3A_103] : memref<32x10x10x100xi32, #tpu.memory_space<hbm>> -> memref<1x1x10x100xi32, #tpu.memory_space<hbm>>
      %dma_wait3A_105 = tpu.memref_squeeze %dma_wait3A_104 : memref<1x1x10x100xi32, #tpu.memory_space<hbm>> -> memref<10x100xi32, #tpu.memory_space<hbm>>
      %dma_wait3A_106 = arith.constant 0 : i32
      %dma_wait3A_107 = arith.constant 0 : i32
      %dma_wait3A_108 = tpu.memref_slice %arg8[%run_scoped3A_17, %dma_wait3A_106, %dma_wait3A_107] : memref<2x10x100xi32, #tpu.memory_space<vmem>> -> memref<1x10x100xi32, #tpu.memory_space<vmem>>
      %dma_wait3A_109 = tpu.memref_squeeze %dma_wait3A_108 : memref<1x10x100xi32, #tpu.memory_space<vmem>> -> memref<10x100xi32, #tpu.memory_space<vmem>>
      %dma_wait3A_110 = arith.constant 0 : i32
      %dma_wait3A_111 = arith.constant 0 : i32
      %dma_wait3A_112 = tpu.memref_slice %arg4[%add3A, %run_scoped3A_16, %dma_wait3A_110, %dma_wait3A_111] : memref<32x10x10x100xi32, #tpu.memory_space<hbm>> -> memref<1x1x10x100xi32, #tpu.memory_space<hbm>>
      %dma_wait3A_113 = tpu.memref_squeeze %dma_wait3A_112 : memref<1x1x10x100xi32, #tpu.memory_space<hbm>> -> memref<10x100xi32, #tpu.memory_space<hbm>>
      tpu.wait_dma2 semaphore(%run_scoped3A_81 : memref<!tpu.dma_semaphore, #tpu.memory_space<semaphore_mem>>) src(%dma_wait3A_113 : memref<10x100xi32, #tpu.memory_space<hbm>>) dst(%dma_wait3A_109 : memref<10x100xi32, #tpu.memory_space<vmem>>)
      tpu.yield
    }) : () -> ()
    %dma_start3A = arith.constant 0 : i32
    %dma_start3A_18 = arith.constant 0 : i32
    %dma_start3A_19 = arith.constant 0 : i32
    %dma_start3A_20 = arith.constant 0 : i32
    %dma_start3A_21 = arith.constant 0 : i32
    %dma_start3A_22 = tpu.memref_slice %arg9[%dma_start3A_19, %dma_start3A_20, %dma_start3A_21] : memref<3x100x128xf32, #tpu.memory_space<vmem>> -> memref<1x100x128xf32, #tpu.memory_space<vmem>>
    %dma_start3A_23 = tpu.memref_squeeze %dma_start3A_22 : memref<1x100x128xf32, #tpu.memory_space<vmem>> -> memref<100x128xf32, #tpu.memory_space<vmem>>
    %dma_start3A_24 = arith.constant 0 : i32
    %dma_start3A_25 = tpu.memref_slice %arg7[%dma_start3A, %dma_start3A_18, %dma_start3A_24] : memref<2x10x100xi32, #tpu.memory_space<vmem>> -> memref<1x1x100xi32, #tpu.memory_space<vmem>>
    %dma_start3A_26 = tpu.memref_squeeze %dma_start3A_25 : memref<1x1x100xi32, #tpu.memory_space<vmem>> -> memref<100xi32, #tpu.memory_space<vmem>>
    %dma_start3A_27 = arith.constant 0 : i32
    %dma_start3A_28 = arith.constant 0 : i32
    %dma_start3A_29 = tpu.memref_slice %arg2[%dma_start3A_27, %dma_start3A_28] : memref<10000x128xf32, #tpu.memory_space<hbm>> -> memref<10000x128xf32, #tpu.memory_space<hbm>>
    tpu.enqueue_indirect_dma source(%dma_start3A_29 : memref<10000x128xf32, #tpu.memory_space<hbm>>) target(%dma_start3A_23 : memref<100x128xf32, #tpu.memory_space<vmem>>) offsets(%dma_start3A_26 : memref<100xi32, #tpu.memory_space<vmem>>) semaphore(%arg11 : memref<!tpu.dma_semaphore, #tpu.memory_space<semaphore_mem>>)
    %dma_start3A_30 = arith.constant 0 : i32
    %dma_start3A_31 = arith.constant 1 : i32
    %dma_start3A_32 = arith.constant 1 : i32
    %dma_start3A_33 = arith.constant 0 : i32
    %dma_start3A_34 = arith.constant 0 : i32
    %dma_start3A_35 = tpu.memref_slice %arg9[%dma_start3A_32, %dma_start3A_33, %dma_start3A_34] : memref<3x100x128xf32, #tpu.memory_space<vmem>> -> memref<1x100x128xf32, #tpu.memory_space<vmem>>
    %dma_start3A_36 = tpu.memref_squeeze %dma_start3A_35 : memref<1x100x128xf32, #tpu.memory_space<vmem>> -> memref<100x128xf32, #tpu.memory_space<vmem>>
    %dma_start3A_37 = arith.constant 0 : i32
    %dma_start3A_38 = tpu.memref_slice %arg7[%dma_start3A_30, %dma_start3A_31, %dma_start3A_37] : memref<2x10x100xi32, #tpu.memory_space<vmem>> -> memref<1x1x100xi32, #tpu.memory_space<vmem>>
    %dma_start3A_39 = tpu.memref_squeeze %dma_start3A_38 : memref<1x1x100xi32, #tpu.memory_space<vmem>> -> memref<100xi32, #tpu.memory_space<vmem>>
    %dma_start3A_40 = arith.constant 0 : i32
    %dma_start3A_41 = arith.constant 0 : i32
    %dma_start3A_42 = tpu.memref_slice %arg2[%dma_start3A_40, %dma_start3A_41] : memref<10000x128xf32, #tpu.memory_space<hbm>> -> memref<10000x128xf32, #tpu.memory_space<hbm>>
    tpu.enqueue_indirect_dma source(%dma_start3A_42 : memref<10000x128xf32, #tpu.memory_space<hbm>>) target(%dma_start3A_36 : memref<100x128xf32, #tpu.memory_space<vmem>>) offsets(%dma_start3A_39 : memref<100xi32, #tpu.memory_space<vmem>>) semaphore(%arg11 : memref<!tpu.dma_semaphore, #tpu.memory_space<semaphore_mem>>)
    %scan3A_43 = arith.constant 0 : i32
    %scan3A_44 = arith.constant 0 : i32
    %scan3A_45 = arith.constant 100 : i32
    %scan3A_46 = arith.addi %scan3A_44, %scan3A_45 : i32
    %scan3A_47 = arith.constant 1 : i32
    scf.for %scan3A_81 = %scan3A_44 to %scan3A_46 step %scan3A_47  : i32 {
      %jit3A = arith.constant 10 : i32
      %div3A = arith.divsi %scan3A_81, %jit3A : i32
      %sign3A = arith.constant 0 : i32
      %sign3A_82 = arith.cmpi sgt, %scan3A_81, %sign3A : i32
      %sign3A_83 = arith.extui %sign3A_82 : i1 to i32
      %sign3A_84 = arith.constant 0 : i32
      %sign3A_85 = arith.cmpi slt, %scan3A_81, %sign3A_84 : i32
      %sign3A_86 = arith.extui %sign3A_85 : i1 to i32
      %sign3A_87 = arith.subi %sign3A_83, %sign3A_86 : i32
      %sign3A_88 = arith.constant 0 : i32
      %sign3A_89 = arith.cmpi sgt, %jit3A, %sign3A_88 : i32
      %sign3A_90 = arith.extui %sign3A_89 : i1 to i32
      %sign3A_91 = arith.constant 0 : i32
      %sign3A_92 = arith.cmpi slt, %jit3A, %sign3A_91 : i32
      %sign3A_93 = arith.extui %sign3A_92 : i1 to i32
      %sign3A_94 = arith.subi %sign3A_90, %sign3A_93 : i32
      %ne3A = arith.cmpi ne, %sign3A_87, %sign3A_94 : i32
      %rem3A = arith.remsi %scan3A_81, %jit3A : i32
      %ne3A_95 = arith.constant 0 : i32
      %ne3A_96 = arith.cmpi ne, %rem3A, %ne3A_95 : i32
      %and3A = arith.andi %ne3A, %ne3A_96 : i1
      %sub3A = arith.constant 1 : i32
      %sub3A_97 = arith.subi %div3A, %sub3A : i32
      %select_n3A = arith.select %and3A, %sub3A_97, %div3A : i32
      %jit3A_98 = arith.constant 10 : i32
      %eq3A = arith.constant 0 : i32
      %eq3A_99 = arith.cmpi eq, %jit3A_98, %eq3A : i32
      %jit3A_100 = arith.constant 1 : i32
      %select_n3A_101 = arith.select %eq3A_99, %jit3A_100, %jit3A_98 : i32
      %rem3A_102 = arith.remsi %scan3A_81, %select_n3A_101 : i32
      %ne3A_103 = arith.constant 0 : i32
      %ne3A_104 = arith.cmpi ne, %rem3A_102, %ne3A_103 : i32
      %lt3A = arith.constant 0 : i32
      %lt3A_105 = arith.cmpi slt, %rem3A_102, %lt3A : i32
      %lt3A_106 = arith.constant 0 : i32
      %lt3A_107 = arith.cmpi slt, %select_n3A_101, %lt3A_106 : i32
      %ne3A_108 = arith.xori %lt3A_105, %lt3A_107 : i1
      %and3A_109 = arith.andi %ne3A_108, %ne3A_104 : i1
      %add3A_110 = arith.addi %rem3A_102, %select_n3A_101 : i32
      %select_n3A_111 = arith.select %and3A_109, %add3A_110, %rem3A_102 : i32
      %jit3A_112 = arith.constant 2 : i32
      %eq3A_113 = arith.constant 0 : i32
      %eq3A_114 = arith.cmpi eq, %jit3A_112, %eq3A_113 : i32
      %jit3A_115 = arith.constant 1 : i32
      %select_n3A_116 = arith.select %eq3A_114, %jit3A_115, %jit3A_112 : i32
      %rem3A_117 = arith.remsi %select_n3A, %select_n3A_116 : i32
      %ne3A_118 = arith.constant 0 : i32
      %ne3A_119 = arith.cmpi ne, %rem3A_117, %ne3A_118 : i32
      %lt3A_120 = arith.constant 0 : i32
      %lt3A_121 = arith.cmpi slt, %rem3A_117, %lt3A_120 : i32
      %lt3A_122 = arith.constant 0 : i32
      %lt3A_123 = arith.cmpi slt, %select_n3A_116, %lt3A_122 : i32
      %ne3A_124 = arith.xori %lt3A_121, %lt3A_123 : i1
      %and3A_125 = arith.andi %ne3A_124, %ne3A_119 : i1
      %add3A_126 = arith.addi %rem3A_117, %select_n3A_116 : i32
      %select_n3A_127 = arith.select %and3A_125, %add3A_126, %rem3A_117 : i32
      %jit3A_128 = arith.constant 3 : i32
      %eq3A_129 = arith.constant 0 : i32
      %eq3A_130 = arith.cmpi eq, %jit3A_128, %eq3A_129 : i32
      %jit3A_131 = arith.constant 1 : i32
      %select_n3A_132 = arith.select %eq3A_130, %jit3A_131, %jit3A_128 : i32
      %rem3A_133 = arith.remsi %scan3A_81, %select_n3A_132 : i32
      %ne3A_134 = arith.constant 0 : i32
      %ne3A_135 = arith.cmpi ne, %rem3A_133, %ne3A_134 : i32
      %lt3A_136 = arith.constant 0 : i32
      %lt3A_137 = arith.cmpi slt, %rem3A_133, %lt3A_136 : i32
      %lt3A_138 = arith.constant 0 : i32
      %lt3A_139 = arith.cmpi slt, %select_n3A_132, %lt3A_138 : i32
      %ne3A_140 = arith.xori %lt3A_137, %lt3A_139 : i1
      %and3A_141 = arith.andi %ne3A_140, %ne3A_135 : i1
      %add3A_142 = arith.addi %rem3A_133, %select_n3A_132 : i32
      %select_n3A_143 = arith.select %and3A_141, %add3A_142, %rem3A_133 : i32
      %add3A_144 = arith.constant 2 : i32
      %add3A_145 = arith.addi %scan3A_81, %add3A_144 : i32
      %sub3A_146 = arith.constant 1 : i32
      %sub3A_147 = arith.subi %scan3A_81, %sub3A_146 : i32
      %ge3A = arith.constant 0 : i32
      %ge3A_148 = arith.cmpi sge, %sub3A_147, %ge3A : i32
      %convert_element_type3A = arith.extui %ge3A_148 : i1 to i32
      %cond3A = arith.constant 0 : i32
      %cond3A_149 = arith.cmpi ne, %convert_element_type3A, %cond3A : i32
      scf.if %cond3A_149 {
        %jit3A_175 = arith.constant 10 : i32
        %div3A_176 = arith.divsi %sub3A_147, %jit3A_175 : i32
        %sign3A_177 = arith.constant 0 : i32
        %sign3A_178 = arith.cmpi sgt, %sub3A_147, %sign3A_177 : i32
        %sign3A_179 = arith.extui %sign3A_178 : i1 to i32
        %sign3A_180 = arith.constant 0 : i32
        %sign3A_181 = arith.cmpi slt, %sub3A_147, %sign3A_180 : i32
        %sign3A_182 = arith.extui %sign3A_181 : i1 to i32
        %sign3A_183 = arith.subi %sign3A_179, %sign3A_182 : i32
        %sign3A_184 = arith.constant 0 : i32
        %sign3A_185 = arith.cmpi sgt, %jit3A_175, %sign3A_184 : i32
        %sign3A_186 = arith.extui %sign3A_185 : i1 to i32
        %sign3A_187 = arith.constant 0 : i32
        %sign3A_188 = arith.cmpi slt, %jit3A_175, %sign3A_187 : i32
        %sign3A_189 = arith.extui %sign3A_188 : i1 to i32
        %sign3A_190 = arith.subi %sign3A_186, %sign3A_189 : i32
        %ne3A_191 = arith.cmpi ne, %sign3A_183, %sign3A_190 : i32
        %rem3A_192 = arith.remsi %sub3A_147, %jit3A_175 : i32
        %ne3A_193 = arith.constant 0 : i32
        %ne3A_194 = arith.cmpi ne, %rem3A_192, %ne3A_193 : i32
        %and3A_195 = arith.andi %ne3A_191, %ne3A_194 : i1
        %sub3A_196 = arith.constant 1 : i32
        %sub3A_197 = arith.subi %div3A_176, %sub3A_196 : i32
        %select_n3A_198 = arith.select %and3A_195, %sub3A_197, %div3A_176 : i32
        %jit3A_199 = arith.constant 2 : i32
        %eq3A_200 = arith.constant 0 : i32
        %eq3A_201 = arith.cmpi eq, %jit3A_199, %eq3A_200 : i32
        %jit3A_202 = arith.constant 1 : i32
        %select_n3A_203 = arith.select %eq3A_201, %jit3A_202, %jit3A_199 : i32
        %rem3A_204 = arith.remsi %select_n3A_198, %select_n3A_203 : i32
        %ne3A_205 = arith.constant 0 : i32
        %ne3A_206 = arith.cmpi ne, %rem3A_204, %ne3A_205 : i32
        %lt3A_207 = arith.constant 0 : i32
        %lt3A_208 = arith.cmpi slt, %rem3A_204, %lt3A_207 : i32
        %lt3A_209 = arith.constant 0 : i32
        %lt3A_210 = arith.cmpi slt, %select_n3A_203, %lt3A_209 : i32
        %ne3A_211 = arith.xori %lt3A_208, %lt3A_210 : i1
        %and3A_212 = arith.andi %ne3A_211, %ne3A_206 : i1
        %add3A_213 = arith.addi %rem3A_204, %select_n3A_203 : i32
        %select_n3A_214 = arith.select %and3A_212, %add3A_213, %rem3A_204 : i32
        %jit3A_215 = arith.constant 10 : i32
        %eq3A_216 = arith.constant 0 : i32
        %eq3A_217 = arith.cmpi eq, %jit3A_215, %eq3A_216 : i32
        %jit3A_218 = arith.constant 1 : i32
        %select_n3A_219 = arith.select %eq3A_217, %jit3A_218, %jit3A_215 : i32
        %rem3A_220 = arith.remsi %sub3A_147, %select_n3A_219 : i32
        %ne3A_221 = arith.constant 0 : i32
        %ne3A_222 = arith.cmpi ne, %rem3A_220, %ne3A_221 : i32
        %lt3A_223 = arith.constant 0 : i32
        %lt3A_224 = arith.cmpi slt, %rem3A_220, %lt3A_223 : i32
        %lt3A_225 = arith.constant 0 : i32
        %lt3A_226 = arith.cmpi slt, %select_n3A_219, %lt3A_225 : i32
        %ne3A_227 = arith.xori %lt3A_224, %lt3A_226 : i1
        %and3A_228 = arith.andi %ne3A_227, %ne3A_222 : i1
        %add3A_229 = arith.addi %rem3A_220, %select_n3A_219 : i32
        %select_n3A_230 = arith.select %and3A_228, %add3A_229, %rem3A_220 : i32
        %jit3A_231 = arith.constant 3 : i32
        %eq3A_232 = arith.constant 0 : i32
        %eq3A_233 = arith.cmpi eq, %jit3A_231, %eq3A_232 : i32
        %jit3A_234 = arith.constant 1 : i32
        %select_n3A_235 = arith.select %eq3A_233, %jit3A_234, %jit3A_231 : i32
        %rem3A_236 = arith.remsi %sub3A_147, %select_n3A_235 : i32
        %ne3A_237 = arith.constant 0 : i32
        %ne3A_238 = arith.cmpi ne, %rem3A_236, %ne3A_237 : i32
        %lt3A_239 = arith.constant 0 : i32
        %lt3A_240 = arith.cmpi slt, %rem3A_236, %lt3A_239 : i32
        %lt3A_241 = arith.constant 0 : i32
        %lt3A_242 = arith.cmpi slt, %select_n3A_235, %lt3A_241 : i32
        %ne3A_243 = arith.xori %lt3A_240, %lt3A_242 : i1
        %and3A_244 = arith.andi %ne3A_243, %ne3A_238 : i1
        %add3A_245 = arith.addi %rem3A_236, %select_n3A_235 : i32
        %select_n3A_246 = arith.select %and3A_244, %add3A_245, %rem3A_236 : i32
        %dma_wait3A_247 = arith.constant 0 : i32
        %dma_wait3A_248 = arith.constant 0 : i32
        %dma_wait3A_249 = tpu.memref_slice %arg9[%select_n3A_246, %dma_wait3A_247, %dma_wait3A_248] : memref<3x100x128xf32, #tpu.memory_space<vmem>> -> memref<1x100x128xf32, #tpu.memory_space<vmem>>
        %dma_wait3A_250 = tpu.memref_squeeze %dma_wait3A_249 : memref<1x100x128xf32, #tpu.memory_space<vmem>> -> memref<100x128xf32, #tpu.memory_space<vmem>>
        %dma_wait3A_251 = arith.constant 0 : i32
        %dma_wait3A_252 = tpu.memref_slice %arg8[%select_n3A_214, %select_n3A_230, %dma_wait3A_251] : memref<2x10x100xi32, #tpu.memory_space<vmem>> -> memref<1x1x100xi32, #tpu.memory_space<vmem>>
        %dma_wait3A_253 = tpu.memref_squeeze %dma_wait3A_252 : memref<1x1x100xi32, #tpu.memory_space<vmem>> -> memref<100xi32, #tpu.memory_space<vmem>>
        %dma_wait3A_254 = arith.constant 0 : i32
        %dma_wait3A_255 = arith.constant 0 : i32
        %dma_wait3A_256 = tpu.memref_slice %arg10[%dma_wait3A_254, %dma_wait3A_255] : memref<10240x128xf32, #tpu.memory_space<vmem_shared>> -> memref<10240x128xf32, #tpu.memory_space<vmem_shared>>
        tpu.wait_indirect_dma semaphore(%arg12 : memref<!tpu.dma_semaphore, #tpu.memory_space<semaphore_mem>>) src(%dma_wait3A_250 : memref<100x128xf32, #tpu.memory_space<vmem>>) dst(%dma_wait3A_256 : memref<10240x128xf32, #tpu.memory_space<vmem_shared>>)
      } else {
      }
      %lt3A_150 = arith.constant 100 : i32
      %lt3A_151 = arith.cmpi slt, %add3A_145, %lt3A_150 : i32
      %convert_element_type3A_152 = arith.extui %lt3A_151 : i1 to i32
      %cond3A_153 = arith.constant 0 : i32
      %cond3A_154 = arith.cmpi ne, %convert_element_type3A_152, %cond3A_153 : i32
      scf.if %cond3A_154 {
        %jit3A_175 = arith.constant 10 : i32
        %div3A_176 = arith.divsi %add3A_145, %jit3A_175 : i32
        %sign3A_177 = arith.constant 0 : i32
        %sign3A_178 = arith.cmpi sgt, %add3A_145, %sign3A_177 : i32
        %sign3A_179 = arith.extui %sign3A_178 : i1 to i32
        %sign3A_180 = arith.constant 0 : i32
        %sign3A_181 = arith.cmpi slt, %add3A_145, %sign3A_180 : i32
        %sign3A_182 = arith.extui %sign3A_181 : i1 to i32
        %sign3A_183 = arith.subi %sign3A_179, %sign3A_182 : i32
        %sign3A_184 = arith.constant 0 : i32
        %sign3A_185 = arith.cmpi sgt, %jit3A_175, %sign3A_184 : i32
        %sign3A_186 = arith.extui %sign3A_185 : i1 to i32
        %sign3A_187 = arith.constant 0 : i32
        %sign3A_188 = arith.cmpi slt, %jit3A_175, %sign3A_187 : i32
        %sign3A_189 = arith.extui %sign3A_188 : i1 to i32
        %sign3A_190 = arith.subi %sign3A_186, %sign3A_189 : i32
        %ne3A_191 = arith.cmpi ne, %sign3A_183, %sign3A_190 : i32
        %rem3A_192 = arith.remsi %add3A_145, %jit3A_175 : i32
        %ne3A_193 = arith.constant 0 : i32
        %ne3A_194 = arith.cmpi ne, %rem3A_192, %ne3A_193 : i32
        %and3A_195 = arith.andi %ne3A_191, %ne3A_194 : i1
        %sub3A_196 = arith.constant 1 : i32
        %sub3A_197 = arith.subi %div3A_176, %sub3A_196 : i32
        %select_n3A_198 = arith.select %and3A_195, %sub3A_197, %div3A_176 : i32
        %jit3A_199 = arith.constant 10 : i32
        %eq3A_200 = arith.constant 0 : i32
        %eq3A_201 = arith.cmpi eq, %jit3A_199, %eq3A_200 : i32
        %jit3A_202 = arith.constant 1 : i32
        %select_n3A_203 = arith.select %eq3A_201, %jit3A_202, %jit3A_199 : i32
        %rem3A_204 = arith.remsi %add3A_145, %select_n3A_203 : i32
        %ne3A_205 = arith.constant 0 : i32
        %ne3A_206 = arith.cmpi ne, %rem3A_204, %ne3A_205 : i32
        %lt3A_207 = arith.constant 0 : i32
        %lt3A_208 = arith.cmpi slt, %rem3A_204, %lt3A_207 : i32
        %lt3A_209 = arith.constant 0 : i32
        %lt3A_210 = arith.cmpi slt, %select_n3A_203, %lt3A_209 : i32
        %ne3A_211 = arith.xori %lt3A_208, %lt3A_210 : i1
        %and3A_212 = arith.andi %ne3A_211, %ne3A_206 : i1
        %add3A_213 = arith.addi %rem3A_204, %select_n3A_203 : i32
        %select_n3A_214 = arith.select %and3A_212, %add3A_213, %rem3A_204 : i32
        %jit3A_215 = arith.constant 2 : i32
        %eq3A_216 = arith.constant 0 : i32
        %eq3A_217 = arith.cmpi eq, %jit3A_215, %eq3A_216 : i32
        %jit3A_218 = arith.constant 1 : i32
        %select_n3A_219 = arith.select %eq3A_217, %jit3A_218, %jit3A_215 : i32
        %rem3A_220 = arith.remsi %select_n3A_198, %select_n3A_219 : i32
        %ne3A_221 = arith.constant 0 : i32
        %ne3A_222 = arith.cmpi ne, %rem3A_220, %ne3A_221 : i32
        %lt3A_223 = arith.constant 0 : i32
        %lt3A_224 = arith.cmpi slt, %rem3A_220, %lt3A_223 : i32
        %lt3A_225 = arith.constant 0 : i32
        %lt3A_226 = arith.cmpi slt, %select_n3A_219, %lt3A_225 : i32
        %ne3A_227 = arith.xori %lt3A_224, %lt3A_226 : i1
        %and3A_228 = arith.andi %ne3A_227, %ne3A_222 : i1
        %add3A_229 = arith.addi %rem3A_220, %select_n3A_219 : i32
        %select_n3A_230 = arith.select %and3A_228, %add3A_229, %rem3A_220 : i32
        %eq3A_231 = arith.constant 0 : i32
        %eq3A_232 = arith.cmpi eq, %select_n3A_214, %eq3A_231 : i32
        %convert_element_type3A_233 = arith.extui %eq3A_232 : i1 to i32
        %cond3A_234 = arith.constant 0 : i32
        %cond3A_235 = arith.cmpi ne, %convert_element_type3A_233, %cond3A_234 : i32
        scf.if %cond3A_235 {
          "tpu.region"() ({
            %run_scoped3A_262 = tpu.sem_alloc : memref<!tpu.dma_semaphore, #tpu.memory_space<semaphore_mem>>
            %dma_start3A_263 = arith.constant 0 : i32
            %dma_start3A_264 = arith.constant 0 : i32
            %dma_start3A_265 = tpu.memref_slice %arg7[%select_n3A_230, %dma_start3A_263, %dma_start3A_264] : memref<2x10x100xi32, #tpu.memory_space<vmem>> -> memref<1x10x100xi32, #tpu.memory_space<vmem>>
            %dma_start3A_266 = tpu.memref_squeeze %dma_start3A_265 : memref<1x10x100xi32, #tpu.memory_space<vmem>> -> memref<10x100xi32, #tpu.memory_space<vmem>>
            %dma_start3A_267 = arith.constant 0 : i32
            %dma_start3A_268 = arith.constant 0 : i32
            %dma_start3A_269 = tpu.memref_slice %arg3[%add3A, %select_n3A_198, %dma_start3A_267, %dma_start3A_268] : memref<32x10x10x100xi32, #tpu.memory_space<hbm>> -> memref<1x1x10x100xi32, #tpu.memory_space<hbm>>
            %dma_start3A_270 = tpu.memref_squeeze %dma_start3A_269 : memref<1x1x10x100xi32, #tpu.memory_space<hbm>> -> memref<10x100xi32, #tpu.memory_space<hbm>>
            %dma_start3A_271 = arith.constant 0 : i32
            %dma_start3A_272 = arith.constant 0 : i32
            %dma_start3A_273 = tpu.memref_slice %arg7[%select_n3A_230, %dma_start3A_271, %dma_start3A_272] : memref<2x10x100xi32, #tpu.memory_space<vmem>> -> memref<1x10x100xi32, #tpu.memory_space<vmem>>
            %dma_start3A_274 = tpu.memref_squeeze %dma_start3A_273 : memref<1x10x100xi32, #tpu.memory_space<vmem>> -> memref<10x100xi32, #tpu.memory_space<vmem>>
            %dma_start3A_275 = arith.constant 0 : i32
            %dma_start3A_276 = arith.constant 0 : i32
            %dma_start3A_277 = tpu.memref_slice %arg3[%add3A, %select_n3A_198, %dma_start3A_275, %dma_start3A_276] : memref<32x10x10x100xi32, #tpu.memory_space<hbm>> -> memref<1x1x10x100xi32, #tpu.memory_space<hbm>>
            %dma_start3A_278 = tpu.memref_squeeze %dma_start3A_277 : memref<1x1x10x100xi32, #tpu.memory_space<hbm>> -> memref<10x100xi32, #tpu.memory_space<hbm>>
            tpu.enqueue_dma source(%dma_start3A_278 : memref<10x100xi32, #tpu.memory_space<hbm>>) target(%dma_start3A_274 : memref<10x100xi32, #tpu.memory_space<vmem>>) target_semaphore(%run_scoped3A_262 : memref<!tpu.dma_semaphore, #tpu.memory_space<semaphore_mem>>)
            %dma_wait3A_279 = arith.constant 0 : i32
            %dma_wait3A_280 = arith.constant 0 : i32
            %dma_wait3A_281 = tpu.memref_slice %arg7[%select_n3A_230, %dma_wait3A_279, %dma_wait3A_280] : memref<2x10x100xi32, #tpu.memory_space<vmem>> -> memref<1x10x100xi32, #tpu.memory_space<vmem>>
            %dma_wait3A_282 = tpu.memref_squeeze %dma_wait3A_281 : memref<1x10x100xi32, #tpu.memory_space<vmem>> -> memref<10x100xi32, #tpu.memory_space<vmem>>
            %dma_wait3A_283 = arith.constant 0 : i32
            %dma_wait3A_284 = arith.constant 0 : i32
            %dma_wait3A_285 = tpu.memref_slice %arg3[%add3A, %select_n3A_198, %dma_wait3A_283, %dma_wait3A_284] : memref<32x10x10x100xi32, #tpu.memory_space<hbm>> -> memref<1x1x10x100xi32, #tpu.memory_space<hbm>>
            %dma_wait3A_286 = tpu.memref_squeeze %dma_wait3A_285 : memref<1x1x10x100xi32, #tpu.memory_space<hbm>> -> memref<10x100xi32, #tpu.memory_space<hbm>>
            %dma_wait3A_287 = arith.constant 0 : i32
            %dma_wait3A_288 = arith.constant 0 : i32
            %dma_wait3A_289 = tpu.memref_slice %arg7[%select_n3A_230, %dma_wait3A_287, %dma_wait3A_288] : memref<2x10x100xi32, #tpu.memory_space<vmem>> -> memref<1x10x100xi32, #tpu.memory_space<vmem>>
            %dma_wait3A_290 = tpu.memref_squeeze %dma_wait3A_289 : memref<1x10x100xi32, #tpu.memory_space<vmem>> -> memref<10x100xi32, #tpu.memory_space<vmem>>
            %dma_wait3A_291 = arith.constant 0 : i32
            %dma_wait3A_292 = arith.constant 0 : i32
            %dma_wait3A_293 = tpu.memref_slice %arg3[%add3A, %select_n3A_198, %dma_wait3A_291, %dma_wait3A_292] : memref<32x10x10x100xi32, #tpu.memory_space<hbm>> -> memref<1x1x10x100xi32, #tpu.memory_space<hbm>>
            %dma_wait3A_294 = tpu.memref_squeeze %dma_wait3A_293 : memref<1x1x10x100xi32, #tpu.memory_space<hbm>> -> memref<10x100xi32, #tpu.memory_space<hbm>>
            tpu.wait_dma2 semaphore(%run_scoped3A_262 : memref<!tpu.dma_semaphore, #tpu.memory_space<semaphore_mem>>) src(%dma_wait3A_294 : memref<10x100xi32, #tpu.memory_space<hbm>>) dst(%dma_wait3A_290 : memref<10x100xi32, #tpu.memory_space<vmem>>)
            tpu.yield
          }) : () -> ()
          "tpu.region"() ({
            %run_scoped3A_262 = tpu.sem_alloc : memref<!tpu.dma_semaphore, #tpu.memory_space<semaphore_mem>>
            %dma_start3A_263 = arith.constant 0 : i32
            %dma_start3A_264 = arith.constant 0 : i32
            %dma_start3A_265 = tpu.memref_slice %arg8[%select_n3A_230, %dma_start3A_263, %dma_start3A_264] : memref<2x10x100xi32, #tpu.memory_space<vmem>> -> memref<1x10x100xi32, #tpu.memory_space<vmem>>
            %dma_start3A_266 = tpu.memref_squeeze %dma_start3A_265 : memref<1x10x100xi32, #tpu.memory_space<vmem>> -> memref<10x100xi32, #tpu.memory_space<vmem>>
            %dma_start3A_267 = arith.constant 0 : i32
            %dma_start3A_268 = arith.constant 0 : i32
            %dma_start3A_269 = tpu.memref_slice %arg4[%add3A, %select_n3A_198, %dma_start3A_267, %dma_start3A_268] : memref<32x10x10x100xi32, #tpu.memory_space<hbm>> -> memref<1x1x10x100xi32, #tpu.memory_space<hbm>>
            %dma_start3A_270 = tpu.memref_squeeze %dma_start3A_269 : memref<1x1x10x100xi32, #tpu.memory_space<hbm>> -> memref<10x100xi32, #tpu.memory_space<hbm>>
            %dma_start3A_271 = arith.constant 0 : i32
            %dma_start3A_272 = arith.constant 0 : i32
            %dma_start3A_273 = tpu.memref_slice %arg8[%select_n3A_230, %dma_start3A_271, %dma_start3A_272] : memref<2x10x100xi32, #tpu.memory_space<vmem>> -> memref<1x10x100xi32, #tpu.memory_space<vmem>>
            %dma_start3A_274 = tpu.memref_squeeze %dma_start3A_273 : memref<1x10x100xi32, #tpu.memory_space<vmem>> -> memref<10x100xi32, #tpu.memory_space<vmem>>
            %dma_start3A_275 = arith.constant 0 : i32
            %dma_start3A_276 = arith.constant 0 : i32
            %dma_start3A_277 = tpu.memref_slice %arg4[%add3A, %select_n3A_198, %dma_start3A_275, %dma_start3A_276] : memref<32x10x10x100xi32, #tpu.memory_space<hbm>> -> memref<1x1x10x100xi32, #tpu.memory_space<hbm>>
            %dma_start3A_278 = tpu.memref_squeeze %dma_start3A_277 : memref<1x1x10x100xi32, #tpu.memory_space<hbm>> -> memref<10x100xi32, #tpu.memory_space<hbm>>
            tpu.enqueue_dma source(%dma_start3A_278 : memref<10x100xi32, #tpu.memory_space<hbm>>) target(%dma_start3A_274 : memref<10x100xi32, #tpu.memory_space<vmem>>) target_semaphore(%run_scoped3A_262 : memref<!tpu.dma_semaphore, #tpu.memory_space<semaphore_mem>>)
            %dma_wait3A_279 = arith.constant 0 : i32
            %dma_wait3A_280 = arith.constant 0 : i32
            %dma_wait3A_281 = tpu.memref_slice %arg8[%select_n3A_230, %dma_wait3A_279, %dma_wait3A_280] : memref<2x10x100xi32, #tpu.memory_space<vmem>> -> memref<1x10x100xi32, #tpu.memory_space<vmem>>
            %dma_wait3A_282 = tpu.memref_squeeze %dma_wait3A_281 : memref<1x10x100xi32, #tpu.memory_space<vmem>> -> memref<10x100xi32, #tpu.memory_space<vmem>>
            %dma_wait3A_283 = arith.constant 0 : i32
            %dma_wait3A_284 = arith.constant 0 : i32
            %dma_wait3A_285 = tpu.memref_slice %arg4[%add3A, %select_n3A_198, %dma_wait3A_283, %dma_wait3A_284] : memref<32x10x10x100xi32, #tpu.memory_space<hbm>> -> memref<1x1x10x100xi32, #tpu.memory_space<hbm>>
            %dma_wait3A_286 = tpu.memref_squeeze %dma_wait3A_285 : memref<1x1x10x100xi32, #tpu.memory_space<hbm>> -> memref<10x100xi32, #tpu.memory_space<hbm>>
            %dma_wait3A_287 = arith.constant 0 : i32
            %dma_wait3A_288 = arith.constant 0 : i32
            %dma_wait3A_289 = tpu.memref_slice %arg8[%select_n3A_230, %dma_wait3A_287, %dma_wait3A_288] : memref<2x10x100xi32, #tpu.memory_space<vmem>> -> memref<1x10x100xi32, #tpu.memory_space<vmem>>
            %dma_wait3A_290 = tpu.memref_squeeze %dma_wait3A_289 : memref<1x10x100xi32, #tpu.memory_space<vmem>> -> memref<10x100xi32, #tpu.memory_space<vmem>>
            %dma_wait3A_291 = arith.constant 0 : i32
            %dma_wait3A_292 = arith.constant 0 : i32
            %dma_wait3A_293 = tpu.memref_slice %arg4[%add3A, %select_n3A_198, %dma_wait3A_291, %dma_wait3A_292] : memref<32x10x10x100xi32, #tpu.memory_space<hbm>> -> memref<1x1x10x100xi32, #tpu.memory_space<hbm>>
            %dma_wait3A_294 = tpu.memref_squeeze %dma_wait3A_293 : memref<1x1x10x100xi32, #tpu.memory_space<hbm>> -> memref<10x100xi32, #tpu.memory_space<hbm>>
            tpu.wait_dma2 semaphore(%run_scoped3A_262 : memref<!tpu.dma_semaphore, #tpu.memory_space<semaphore_mem>>) src(%dma_wait3A_294 : memref<10x100xi32, #tpu.memory_space<hbm>>) dst(%dma_wait3A_290 : memref<10x100xi32, #tpu.memory_space<vmem>>)
            tpu.yield
          }) : () -> ()
        } else {
        }
        %jit3A_236 = arith.constant 3 : i32
        %eq3A_237 = arith.constant 0 : i32
        %eq3A_238 = arith.cmpi eq, %jit3A_236, %eq3A_237 : i32
        %jit3A_239 = arith.constant 1 : i32
        %select_n3A_240 = arith.select %eq3A_238, %jit3A_239, %jit3A_236 : i32
        %rem3A_241 = arith.remsi %add3A_145, %select_n3A_240 : i32
        %ne3A_242 = arith.constant 0 : i32
        %ne3A_243 = arith.cmpi ne, %rem3A_241, %ne3A_242 : i32
        %lt3A_244 = arith.constant 0 : i32
        %lt3A_245 = arith.cmpi slt, %rem3A_241, %lt3A_244 : i32
        %lt3A_246 = arith.constant 0 : i32
        %lt3A_247 = arith.cmpi slt, %select_n3A_240, %lt3A_246 : i32
        %ne3A_248 = arith.xori %lt3A_245, %lt3A_247 : i1
        %and3A_249 = arith.andi %ne3A_248, %ne3A_243 : i1
        %add3A_250 = arith.addi %rem3A_241, %select_n3A_240 : i32
        %select_n3A_251 = arith.select %and3A_249, %add3A_250, %rem3A_241 : i32
        %dma_start3A_252 = arith.constant 0 : i32
        %dma_start3A_253 = arith.constant 0 : i32
        %dma_start3A_254 = tpu.memref_slice %arg9[%select_n3A_251, %dma_start3A_252, %dma_start3A_253] : memref<3x100x128xf32, #tpu.memory_space<vmem>> -> memref<1x100x128xf32, #tpu.memory_space<vmem>>
        %dma_start3A_255 = tpu.memref_squeeze %dma_start3A_254 : memref<1x100x128xf32, #tpu.memory_space<vmem>> -> memref<100x128xf32, #tpu.memory_space<vmem>>
        %dma_start3A_256 = arith.constant 0 : i32
        %dma_start3A_257 = tpu.memref_slice %arg7[%select_n3A_230, %select_n3A_214, %dma_start3A_256] : memref<2x10x100xi32, #tpu.memory_space<vmem>> -> memref<1x1x100xi32, #tpu.memory_space<vmem>>
        %dma_start3A_258 = tpu.memref_squeeze %dma_start3A_257 : memref<1x1x100xi32, #tpu.memory_space<vmem>> -> memref<100xi32, #tpu.memory_space<vmem>>
        %dma_start3A_259 = arith.constant 0 : i32
        %dma_start3A_260 = arith.constant 0 : i32
        %dma_start3A_261 = tpu.memref_slice %arg2[%dma_start3A_259, %dma_start3A_260] : memref<10000x128xf32, #tpu.memory_space<hbm>> -> memref<10000x128xf32, #tpu.memory_space<hbm>>
        tpu.enqueue_indirect_dma source(%dma_start3A_261 : memref<10000x128xf32, #tpu.memory_space<hbm>>) target(%dma_start3A_255 : memref<100x128xf32, #tpu.memory_space<vmem>>) offsets(%dma_start3A_258 : memref<100xi32, #tpu.memory_space<vmem>>) semaphore(%arg11 : memref<!tpu.dma_semaphore, #tpu.memory_space<semaphore_mem>>)
      } else {
      }
      %dma_wait3A_155 = arith.constant 0 : i32
      %dma_wait3A_156 = arith.constant 0 : i32
      %dma_wait3A_157 = tpu.memref_slice %arg9[%select_n3A_143, %dma_wait3A_155, %dma_wait3A_156] : memref<3x100x128xf32, #tpu.memory_space<vmem>> -> memref<1x100x128xf32, #tpu.memory_space<vmem>>
      %dma_wait3A_158 = tpu.memref_squeeze %dma_wait3A_157 : memref<1x100x128xf32, #tpu.memory_space<vmem>> -> memref<100x128xf32, #tpu.memory_space<vmem>>
      %dma_wait3A_159 = arith.constant 0 : i32
      %dma_wait3A_160 = tpu.memref_slice %arg7[%select_n3A_127, %select_n3A_111, %dma_wait3A_159] : memref<2x10x100xi32, #tpu.memory_space<vmem>> -> memref<1x1x100xi32, #tpu.memory_space<vmem>>
      %dma_wait3A_161 = tpu.memref_squeeze %dma_wait3A_160 : memref<1x1x100xi32, #tpu.memory_space<vmem>> -> memref<100xi32, #tpu.memory_space<vmem>>
      %dma_wait3A_162 = arith.constant 0 : i32
      %dma_wait3A_163 = arith.constant 0 : i32
      %dma_wait3A_164 = tpu.memref_slice %arg2[%dma_wait3A_162, %dma_wait3A_163] : memref<10000x128xf32, #tpu.memory_space<hbm>> -> memref<10000x128xf32, #tpu.memory_space<hbm>>
      tpu.wait_indirect_dma semaphore(%arg11 : memref<!tpu.dma_semaphore, #tpu.memory_space<semaphore_mem>>) src(%dma_wait3A_164 : memref<10000x128xf32, #tpu.memory_space<hbm>>) dst(%dma_wait3A_158 : memref<100x128xf32, #tpu.memory_space<vmem>>)
      %dma_start3A_165 = arith.constant 0 : i32
      %dma_start3A_166 = arith.constant 0 : i32
      %dma_start3A_167 = tpu.memref_slice %arg9[%select_n3A_143, %dma_start3A_165, %dma_start3A_166] : memref<3x100x128xf32, #tpu.memory_space<vmem>> -> memref<1x100x128xf32, #tpu.memory_space<vmem>>
      %dma_start3A_168 = tpu.memref_squeeze %dma_start3A_167 : memref<1x100x128xf32, #tpu.memory_space<vmem>> -> memref<100x128xf32, #tpu.memory_space<vmem>>
      %dma_start3A_169 = arith.constant 0 : i32
      %dma_start3A_170 = tpu.memref_slice %arg8[%select_n3A_127, %select_n3A_111, %dma_start3A_169] : memref<2x10x100xi32, #tpu.memory_space<vmem>> -> memref<1x1x100xi32, #tpu.memory_space<vmem>>
      %dma_start3A_171 = tpu.memref_squeeze %dma_start3A_170 : memref<1x1x100xi32, #tpu.memory_space<vmem>> -> memref<100xi32, #tpu.memory_space<vmem>>
      %dma_start3A_172 = arith.constant 0 : i32
      %dma_start3A_173 = arith.constant 0 : i32
      %dma_start3A_174 = tpu.memref_slice %arg10[%dma_start3A_172, %dma_start3A_173] : memref<10240x128xf32, #tpu.memory_space<vmem_shared>> -> memref<10240x128xf32, #tpu.memory_space<vmem_shared>>
      tpu.enqueue_indirect_dma source(%dma_start3A_168 : memref<100x128xf32, #tpu.memory_space<vmem>>) target(%dma_start3A_174 : memref<10240x128xf32, #tpu.memory_space<vmem_shared>>) offsets(%dma_start3A_171 : memref<100xi32, #tpu.memory_space<vmem>>) semaphore(%arg12 : memref<!tpu.dma_semaphore, #tpu.memory_space<semaphore_mem>>) {add = true}
    }
    %scan3A_48 = arith.constant 100 : i32
    %dma_wait3A = arith.constant 0 : i32
    %dma_wait3A_49 = arith.constant 1 : i32
    %dma_wait3A_50 = arith.constant 9 : i32
    %dma_wait3A_51 = arith.constant 0 : i32
    %dma_wait3A_52 = arith.constant 0 : i32
    %dma_wait3A_53 = tpu.memref_slice %arg9[%dma_wait3A, %dma_wait3A_51, %dma_wait3A_52] : memref<3x100x128xf32, #tpu.memory_space<vmem>> -> memref<1x100x128xf32, #tpu.memory_space<vmem>>
    %dma_wait3A_54 = tpu.memref_squeeze %dma_wait3A_53 : memref<1x100x128xf32, #tpu.memory_space<vmem>> -> memref<100x128xf32, #tpu.memory_space<vmem>>
    %dma_wait3A_55 = arith.constant 0 : i32
    %dma_wait3A_56 = tpu.memref_slice %arg8[%dma_wait3A_49, %dma_wait3A_50, %dma_wait3A_55] : memref<2x10x100xi32, #tpu.memory_space<vmem>> -> memref<1x1x100xi32, #tpu.memory_space<vmem>>
    %dma_wait3A_57 = tpu.memref_squeeze %dma_wait3A_56 : memref<1x1x100xi32, #tpu.memory_space<vmem>> -> memref<100xi32, #tpu.memory_space<vmem>>
    %dma_wait3A_58 = arith.constant 0 : i32
    %dma_wait3A_59 = arith.constant 0 : i32
    %dma_wait3A_60 = tpu.memref_slice %arg10[%dma_wait3A_58, %dma_wait3A_59] : memref<10240x128xf32, #tpu.memory_space<vmem_shared>> -> memref<10240x128xf32, #tpu.memory_space<vmem_shared>>
    tpu.wait_indirect_dma semaphore(%arg12 : memref<!tpu.dma_semaphore, #tpu.memory_space<semaphore_mem>>) src(%dma_wait3A_54 : memref<100x128xf32, #tpu.memory_space<vmem>>) dst(%dma_wait3A_60 : memref<10240x128xf32, #tpu.memory_space<vmem_shared>>)
    %barrier3A_61 = arith.constant 0 : index
    tpu.barrier barrier_id(%barrier3A_61)
    %dma_start3A_62 = arith.constant 0 : i32
    %dma_start3A_63 = arith.constant 0 : i32
    %dma_start3A_64 = arith.constant 0 : i32
    %dma_start3A_65 = tpu.memref_slice %arg9[%dma_start3A_62, %dma_start3A_63, %dma_start3A_64] : memref<3x100x128xf32, #tpu.memory_space<vmem>> -> memref<1x80x128xf32, #tpu.memory_space<vmem>>
    %dma_start3A_66 = tpu.memref_squeeze %dma_start3A_65 : memref<1x80x128xf32, #tpu.memory_space<vmem>> -> memref<80x128xf32, #tpu.memory_space<vmem>>
    %dma_start3A_67 = arith.constant 0 : i32
    %dma_start3A_68 = tpu.memref_slice %arg10[%mul3A_2, %dma_start3A_67] : memref<10240x128xf32, #tpu.memory_space<vmem_shared>> -> memref<80x128xf32, #tpu.memory_space<vmem_shared>>
    %dma_start3A_69 = arith.constant 0 : i32
    %dma_start3A_70 = arith.constant 0 : i32
    %dma_start3A_71 = tpu.memref_slice %arg9[%dma_start3A_62, %dma_start3A_69, %dma_start3A_70] : memref<3x100x128xf32, #tpu.memory_space<vmem>> -> memref<1x80x128xf32, #tpu.memory_space<vmem>>
    %dma_start3A_72 = tpu.memref_squeeze %dma_start3A_71 : memref<1x80x128xf32, #tpu.memory_space<vmem>> -> memref<80x128xf32, #tpu.memory_space<vmem>>
    %dma_start3A_73 = arith.constant 0 : i32
    %dma_start3A_74 = tpu.memref_slice %arg10[%mul3A_2, %dma_start3A_73] : memref<10240x128xf32, #tpu.memory_space<vmem_shared>> -> memref<80x128xf32, #tpu.memory_space<vmem_shared>>
    tpu.enqueue_dma source(%dma_start3A_74 : memref<80x128xf32, #tpu.memory_space<vmem_shared>>) target(%dma_start3A_72 : memref<80x128xf32, #tpu.memory_space<vmem>>) target_semaphore(%arg11 : memref<!tpu.dma_semaphore, #tpu.memory_space<semaphore_mem>>)
    %scan3A_75 = arith.constant 0 : i32
    %scan3A_76 = arith.constant 0 : i32
    %scan3A_77 = arith.constant 8 : i32
    %scan3A_78 = arith.addi %scan3A_76, %scan3A_77 : i32
    %scan3A_79 = arith.constant 1 : i32
    scf.for %scan3A_81 = %scan3A_76 to %scan3A_78 step %scan3A_79  : i32 {
      %mul3A_82 = arith.constant 80 : i32
      %mul3A_83 = arith.muli %scan3A_81, %mul3A_82 : i32
      %add3A_84 = arith.addi %mul3A_2, %mul3A_83 : i32
      %jit3A = arith.constant 2 : i32
      %eq3A = arith.constant 0 : i32
      %eq3A_85 = arith.cmpi eq, %jit3A, %eq3A : i32
      %jit3A_86 = arith.constant 1 : i32
      %select_n3A = arith.select %eq3A_85, %jit3A_86, %jit3A : i32
      %rem3A = arith.remsi %scan3A_81, %select_n3A : i32
      %ne3A = arith.constant 0 : i32
      %ne3A_87 = arith.cmpi ne, %rem3A, %ne3A : i32
      %lt3A = arith.constant 0 : i32
      %lt3A_88 = arith.cmpi slt, %rem3A, %lt3A : i32
      %lt3A_89 = arith.constant 0 : i32
      %lt3A_90 = arith.cmpi slt, %select_n3A, %lt3A_89 : i32
      %ne3A_91 = arith.xori %lt3A_88, %lt3A_90 : i1
      %and3A = arith.andi %ne3A_91, %ne3A_87 : i1
      %add3A_92 = arith.addi %rem3A, %select_n3A : i32
      %select_n3A_93 = arith.select %and3A, %add3A_92, %rem3A : i32
      %dma_wait3A_94 = arith.constant 0 : i32
      %dma_wait3A_95 = arith.constant 0 : i32
      %dma_wait3A_96 = tpu.memref_slice %arg9[%select_n3A_93, %dma_wait3A_94, %dma_wait3A_95] : memref<3x100x128xf32, #tpu.memory_space<vmem>> -> memref<1x80x128xf32, #tpu.memory_space<vmem>>
      %dma_wait3A_97 = tpu.memref_squeeze %dma_wait3A_96 : memref<1x80x128xf32, #tpu.memory_space<vmem>> -> memref<80x128xf32, #tpu.memory_space<vmem>>
      %dma_wait3A_98 = arith.constant 0 : i32
      %dma_wait3A_99 = tpu.memref_slice %arg10[%add3A_84, %dma_wait3A_98] : memref<10240x128xf32, #tpu.memory_space<vmem_shared>> -> memref<80x128xf32, #tpu.memory_space<vmem_shared>>
      %dma_wait3A_100 = arith.constant 0 : i32
      %dma_wait3A_101 = arith.constant 0 : i32
      %dma_wait3A_102 = tpu.memref_slice %arg9[%select_n3A_93, %dma_wait3A_100, %dma_wait3A_101] : memref<3x100x128xf32, #tpu.memory_space<vmem>> -> memref<1x80x128xf32, #tpu.memory_space<vmem>>
      %dma_wait3A_103 = tpu.memref_squeeze %dma_wait3A_102 : memref<1x80x128xf32, #tpu.memory_space<vmem>> -> memref<80x128xf32, #tpu.memory_space<vmem>>
      %dma_wait3A_104 = arith.constant 0 : i32
      %dma_wait3A_105 = tpu.memref_slice %arg10[%add3A_84, %dma_wait3A_104] : memref<10240x128xf32, #tpu.memory_space<vmem_shared>> -> memref<80x128xf32, #tpu.memory_space<vmem_shared>>
      tpu.wait_dma2 semaphore(%arg11 : memref<!tpu.dma_semaphore, #tpu.memory_space<semaphore_mem>>) src(%dma_wait3A_105 : memref<80x128xf32, #tpu.memory_space<vmem_shared>>) dst(%dma_wait3A_103 : memref<80x128xf32, #tpu.memory_space<vmem>>)
      %add3A_106 = arith.constant 1 : i32
      %add3A_107 = arith.addi %scan3A_81, %add3A_106 : i32
      %lt3A_108 = arith.constant 8 : i32
      %lt3A_109 = arith.cmpi slt, %add3A_107, %lt3A_108 : i32
      %convert_element_type3A = arith.extui %lt3A_109 : i1 to i32
      %cond3A = arith.constant 0 : i32
      %cond3A_110 = arith.cmpi ne, %convert_element_type3A, %cond3A : i32
      scf.if %cond3A_110 {
        %add3A_129 = arith.constant 1 : i32
        %add3A_130 = arith.addi %scan3A_81, %add3A_129 : i32
        %mul3A_131 = arith.constant 80 : i32
        %mul3A_132 = arith.muli %add3A_130, %mul3A_131 : i32
        %add3A_133 = arith.addi %mul3A_2, %mul3A_132 : i32
        %add3A_134 = arith.constant 1 : i32
        %add3A_135 = arith.addi %scan3A_81, %add3A_134 : i32
        %jit3A_136 = arith.constant 2 : i32
        %eq3A_137 = arith.constant 0 : i32
        %eq3A_138 = arith.cmpi eq, %jit3A_136, %eq3A_137 : i32
        %jit3A_139 = arith.constant 1 : i32
        %select_n3A_140 = arith.select %eq3A_138, %jit3A_139, %jit3A_136 : i32
        %rem3A_141 = arith.remsi %add3A_135, %select_n3A_140 : i32
        %ne3A_142 = arith.constant 0 : i32
        %ne3A_143 = arith.cmpi ne, %rem3A_141, %ne3A_142 : i32
        %lt3A_144 = arith.constant 0 : i32
        %lt3A_145 = arith.cmpi slt, %rem3A_141, %lt3A_144 : i32
        %lt3A_146 = arith.constant 0 : i32
        %lt3A_147 = arith.cmpi slt, %select_n3A_140, %lt3A_146 : i32
        %ne3A_148 = arith.xori %lt3A_145, %lt3A_147 : i1
        %and3A_149 = arith.andi %ne3A_148, %ne3A_143 : i1
        %add3A_150 = arith.addi %rem3A_141, %select_n3A_140 : i32
        %select_n3A_151 = arith.select %and3A_149, %add3A_150, %rem3A_141 : i32
        %dma_start3A_152 = arith.constant 0 : i32
        %dma_start3A_153 = arith.constant 0 : i32
        %dma_start3A_154 = tpu.memref_slice %arg9[%select_n3A_151, %dma_start3A_152, %dma_start3A_153] : memref<3x100x128xf32, #tpu.memory_space<vmem>> -> memref<1x80x128xf32, #tpu.memory_space<vmem>>
        %dma_start3A_155 = tpu.memref_squeeze %dma_start3A_154 : memref<1x80x128xf32, #tpu.memory_space<vmem>> -> memref<80x128xf32, #tpu.memory_space<vmem>>
        %dma_start3A_156 = arith.constant 0 : i32
        %dma_start3A_157 = tpu.memref_slice %arg10[%add3A_133, %dma_start3A_156] : memref<10240x128xf32, #tpu.memory_space<vmem_shared>> -> memref<80x128xf32, #tpu.memory_space<vmem_shared>>
        %dma_start3A_158 = arith.constant 0 : i32
        %dma_start3A_159 = arith.constant 0 : i32
        %dma_start3A_160 = tpu.memref_slice %arg9[%select_n3A_151, %dma_start3A_158, %dma_start3A_159] : memref<3x100x128xf32, #tpu.memory_space<vmem>> -> memref<1x80x128xf32, #tpu.memory_space<vmem>>
        %dma_start3A_161 = tpu.memref_squeeze %dma_start3A_160 : memref<1x80x128xf32, #tpu.memory_space<vmem>> -> memref<80x128xf32, #tpu.memory_space<vmem>>
        %dma_start3A_162 = arith.constant 0 : i32
        %dma_start3A_163 = tpu.memref_slice %arg10[%add3A_133, %dma_start3A_162] : memref<10240x128xf32, #tpu.memory_space<vmem_shared>> -> memref<80x128xf32, #tpu.memory_space<vmem_shared>>
        tpu.enqueue_dma source(%dma_start3A_163 : memref<80x128xf32, #tpu.memory_space<vmem_shared>>) target(%dma_start3A_161 : memref<80x128xf32, #tpu.memory_space<vmem>>) target_semaphore(%arg11 : memref<!tpu.dma_semaphore, #tpu.memory_space<semaphore_mem>>)
      } else {
      }
      %jit3A_111 = arith.constant 2 : i32
      %eq3A_112 = arith.constant 0 : i32
      %eq3A_113 = arith.cmpi eq, %jit3A_111, %eq3A_112 : i32
      %jit3A_114 = arith.constant 1 : i32
      %select_n3A_115 = arith.select %eq3A_113, %jit3A_114, %jit3A_111 : i32
      %rem3A_116 = arith.remsi %scan3A_81, %select_n3A_115 : i32
      %ne3A_117 = arith.constant 0 : i32
      %ne3A_118 = arith.cmpi ne, %rem3A_116, %ne3A_117 : i32
      %lt3A_119 = arith.constant 0 : i32
      %lt3A_120 = arith.cmpi slt, %rem3A_116, %lt3A_119 : i32
      %lt3A_121 = arith.constant 0 : i32
      %lt3A_122 = arith.cmpi slt, %select_n3A_115, %lt3A_121 : i32
      %ne3A_123 = arith.xori %lt3A_120, %lt3A_122 : i1
      %and3A_124 = arith.andi %ne3A_123, %ne3A_118 : i1
      %add3A_125 = arith.addi %rem3A_116, %select_n3A_115 : i32
      %select_n3A_126 = arith.select %and3A_124, %add3A_125, %rem3A_116 : i32
      %mul3A_127 = arith.constant 80 : i32
      %mul3A_128 = arith.muli %scan3A_81, %mul3A_127 : i32
      "tpu.region"() ({
        %run_scoped3A_129 = tpu.sem_alloc : memref<!tpu.dma_semaphore, #tpu.memory_space<semaphore_mem>>
        %dma_start3A_130 = arith.constant 0 : i32
        %dma_start3A_131 = arith.constant 0 : i32
        %dma_start3A_132 = tpu.memref_slice %arg9[%select_n3A_126, %dma_start3A_130, %dma_start3A_131] : memref<3x100x128xf32, #tpu.memory_space<vmem>> -> memref<1x80x128xf32, #tpu.memory_space<vmem>>
        %dma_start3A_133 = tpu.memref_squeeze %dma_start3A_132 : memref<1x80x128xf32, #tpu.memory_space<vmem>> -> memref<80x128xf32, #tpu.memory_space<vmem>>
        %dma_start3A_134 = arith.constant 0 : i32
        %dma_start3A_135 = tpu.memref_slice %arg6[%arg0, %arg1, %mul3A_128, %dma_start3A_134] : memref<2x16x640x128xf32, #tpu.memory_space<hbm>> -> memref<1x1x80x128xf32, #tpu.memory_space<hbm>>
        %dma_start3A_136 = tpu.memref_squeeze %dma_start3A_135 : memref<1x1x80x128xf32, #tpu.memory_space<hbm>> -> memref<80x128xf32, #tpu.memory_space<hbm>>
        %dma_start3A_137 = arith.constant 0 : i32
        %dma_start3A_138 = tpu.memref_slice %arg6[%arg0, %arg1, %mul3A_128, %dma_start3A_137] : memref<2x16x640x128xf32, #tpu.memory_space<hbm>> -> memref<1x1x80x128xf32, #tpu.memory_space<hbm>>
        %dma_start3A_139 = tpu.memref_squeeze %dma_start3A_138 : memref<1x1x80x128xf32, #tpu.memory_space<hbm>> -> memref<80x128xf32, #tpu.memory_space<hbm>>
        %dma_start3A_140 = arith.constant 0 : i32
        %dma_start3A_141 = arith.constant 0 : i32
        %dma_start3A_142 = tpu.memref_slice %arg9[%select_n3A_126, %dma_start3A_140, %dma_start3A_141] : memref<3x100x128xf32, #tpu.memory_space<vmem>> -> memref<1x80x128xf32, #tpu.memory_space<vmem>>
        %dma_start3A_143 = tpu.memref_squeeze %dma_start3A_142 : memref<1x80x128xf32, #tpu.memory_space<vmem>> -> memref<80x128xf32, #tpu.memory_space<vmem>>
        tpu.enqueue_dma source(%dma_start3A_143 : memref<80x128xf32, #tpu.memory_space<vmem>>) target(%dma_start3A_139 : memref<80x128xf32, #tpu.memory_space<hbm>>) target_semaphore(%run_scoped3A_129 : memref<!tpu.dma_semaphore, #tpu.memory_space<semaphore_mem>>)
        %dma_wait3A_144 = arith.constant 0 : i32
        %dma_wait3A_145 = arith.constant 0 : i32
        %dma_wait3A_146 = tpu.memref_slice %arg9[%select_n3A_126, %dma_wait3A_144, %dma_wait3A_145] : memref<3x100x128xf32, #tpu.memory_space<vmem>> -> memref<1x80x128xf32, #tpu.memory_space<vmem>>
        %dma_wait3A_147 = tpu.memref_squeeze %dma_wait3A_146 : memref<1x80x128xf32, #tpu.memory_space<vmem>> -> memref<80x128xf32, #tpu.memory_space<vmem>>
        %dma_wait3A_148 = arith.constant 0 : i32
        %dma_wait3A_149 = tpu.memref_slice %arg6[%arg0, %arg1, %mul3A_128, %dma_wait3A_148] : memref<2x16x640x128xf32, #tpu.memory_space<hbm>> -> memref<1x1x80x128xf32, #tpu.memory_space<hbm>>
        %dma_wait3A_150 = tpu.memref_squeeze %dma_wait3A_149 : memref<1x1x80x128xf32, #tpu.memory_space<hbm>> -> memref<80x128xf32, #tpu.memory_space<hbm>>
        %dma_wait3A_151 = arith.constant 0 : i32
        %dma_wait3A_152 = tpu.memref_slice %arg6[%arg0, %arg1, %mul3A_128, %dma_wait3A_151] : memref<2x16x640x128xf32, #tpu.memory_space<hbm>> -> memref<1x1x80x128xf32, #tpu.memory_space<hbm>>
        %dma_wait3A_153 = tpu.memref_squeeze %dma_wait3A_152 : memref<1x1x80x128xf32, #tpu.memory_space<hbm>> -> memref<80x128xf32, #tpu.memory_space<hbm>>
        %dma_wait3A_154 = arith.constant 0 : i32
        %dma_wait3A_155 = arith.constant 0 : i32
        %dma_wait3A_156 = tpu.memref_slice %arg9[%select_n3A_126, %dma_wait3A_154, %dma_wait3A_155] : memref<3x100x128xf32, #tpu.memory_space<vmem>> -> memref<1x80x128xf32, #tpu.memory_space<vmem>>
        %dma_wait3A_157 = tpu.memref_squeeze %dma_wait3A_156 : memref<1x80x128xf32, #tpu.memory_space<vmem>> -> memref<80x128xf32, #tpu.memory_space<vmem>>
        tpu.wait_dma2 semaphore(%run_scoped3A_129 : memref<!tpu.dma_semaphore, #tpu.memory_space<semaphore_mem>>) src(%dma_wait3A_157 : memref<80x128xf32, #tpu.memory_space<vmem>>) dst(%dma_wait3A_153 : memref<80x128xf32, #tpu.memory_space<hbm>>)
        tpu.yield
      }) : () -> ()
    }
    %scan3A_80 = arith.constant 8 : i32
    return
  }
}

module attributes {stable_mosaic.version = 14 : i64} {
  func.func @_tc_pre_body(%arg0: i32, %arg1: memref<2000x128xf32, #tpu.memory_space<vmem>>, %arg2: memref<128x128xf32, #tpu.memory_space<vmem>>, %arg3: memref<128x128xf32, #tpu.memory_space<vmem>>, %arg4: memref<1x128xf32, #tpu.memory_space<vmem>>, %arg5: memref<2000x128xf32, #tpu.memory_space<vmem>>, %arg6: memref<2000x128xf32, #tpu.memory_space<vmem>>) attributes {dimension_semantics = [#tpu.dimension_semantics<arbitrary>], iteration_bounds = array<i64: 5>, scalar_prefetch = 0 : i64, scratch_operands = 0 : i64, tpu.core_type = #tpu.core_type<tc>, window_params = [{transform_indices = @transform_0, window_bounds = array<i64: 2000, 128>}, {pipeline_mode = #tpu.pipeline_mode<synchronous>, transform_indices = @transform_1, window_bounds = array<i64: 128, 128>}, {pipeline_mode = #tpu.pipeline_mode<synchronous>, transform_indices = @transform_2, window_bounds = array<i64: 128, 128>}, {pipeline_mode = #tpu.pipeline_mode<synchronous>, transform_indices = @transform_3, window_bounds = array<i64: 1, 128>}, {transform_indices = @transform_4, window_bounds = array<i64: 2000, 128>}, {transform_indices = @transform_5, window_bounds = array<i64: 2000, 128>}]} {
    %get3A = arith.constant 0 : index
    %get3A_0 = arith.constant 0 : index
    %get3A_1 = vector.load %arg1[%get3A, %get3A_0] : memref<2000x128xf32, #tpu.memory_space<vmem>>, vector<2000x128xf32>
    %get3A_2 = arith.constant 0 : index
    %get3A_3 = arith.constant 0 : index
    %get3A_4 = vector.load %arg2[%get3A_2, %get3A_3] : memref<128x128xf32, #tpu.memory_space<vmem>>, vector<128x128xf32>
    %dot_general3A = arith.constant dense<0.000000e+00> : vector<2000x128xf32>
    %dot_general3A_5 = tpu.matmul %get3A_1, %get3A_4, %dot_general3A {dimension_numbers = #tpu.dot_dimension_numbers<[1], [0], [0], [1], [0, 0, 1, 1], [], []>, precision = #tpu.contract_precision<fp32>, transpose_lhs_hint = false} : vector<2000x128xf32>, vector<128x128xf32>, vector<2000x128xf32> -> vector<2000x128xf32>
    %swap3A = arith.constant 0 : index
    %swap3A_6 = arith.constant 0 : index
    %swap3A_7 = vector.load %arg5[%swap3A, %swap3A_6] : memref<2000x128xf32, #tpu.memory_space<vmem>>, vector<2000x128xf32>
    tpu.vector_store %arg5[%swap3A, %swap3A_6], %dot_general3A_5 {strides = array<i32>} : memref<2000x128xf32, #tpu.memory_space<vmem>>, vector<2000x128xf32>,
    %get3A_8 = arith.constant 0 : index
    %get3A_9 = arith.constant 0 : index
    %get3A_10 = vector.load %arg3[%get3A_8, %get3A_9] : memref<128x128xf32, #tpu.memory_space<vmem>>, vector<128x128xf32>
    %dot_general3A_11 = arith.constant dense<0.000000e+00> : vector<2000x128xf32>
    %dot_general3A_12 = tpu.matmul %get3A_1, %get3A_10, %dot_general3A_11 {dimension_numbers = #tpu.dot_dimension_numbers<[1], [0], [0], [1], [0, 0, 1, 1], [], []>, precision = #tpu.contract_precision<fp32>, transpose_lhs_hint = false} : vector<2000x128xf32>, vector<128x128xf32>, vector<2000x128xf32> -> vector<2000x128xf32>
    %get3A_13 = arith.constant 0 : index
    %get3A_14 = arith.constant 0 : index
    %get3A_15 = vector.load %arg4[%get3A_13, %get3A_14] : memref<1x128xf32, #tpu.memory_space<vmem>>, vector<1x128xf32>
    %add3A = vector.broadcast %get3A_15 : vector<1x128xf32> to vector<2000x128xf32>
    %add3A_16 = arith.addf %dot_general3A_12, %add3A : vector<2000x128xf32>
    %swap3A_17 = arith.constant 0 : index
    %swap3A_18 = arith.constant 0 : index
    %swap3A_19 = vector.load %arg6[%swap3A_17, %swap3A_18] : memref<2000x128xf32, #tpu.memory_space<vmem>>, vector<2000x128xf32>
    tpu.vector_store %arg6[%swap3A_17, %swap3A_18], %add3A_16 {strides = array<i32>} : memref<2000x128xf32, #tpu.memory_space<vmem>>, vector<2000x128xf32>,
    return
  }
  func.func @transform_0(%arg0: i32) -> (i32, i32) {
    %c0_i32 = arith.constant 0 : i32
    %c0_i32_0 = arith.constant 0 : i32
    return %arg0, %c0_i32 : i32, i32
  }
  func.func @transform_1(%arg0: i32) -> (i32, i32) {
    %c0_i32 = arith.constant 0 : i32
    %c0_i32_0 = arith.constant 0 : i32
    %c0_i32_1 = arith.constant 0 : i32
    return %c0_i32, %c0_i32_0 : i32, i32
  }
  func.func @transform_2(%arg0: i32) -> (i32, i32) {
    %c0_i32 = arith.constant 0 : i32
    %c0_i32_0 = arith.constant 0 : i32
    %c0_i32_1 = arith.constant 0 : i32
    return %c0_i32, %c0_i32_0 : i32, i32
  }
  func.func @transform_3(%arg0: i32) -> (i32, i32) {
    %c0_i32 = arith.constant 0 : i32
    %c0_i32_0 = arith.constant 0 : i32
    %c0_i32_1 = arith.constant 0 : i32
    return %c0_i32, %c0_i32_0 : i32, i32
  }
  func.func @transform_4(%arg0: i32) -> (i32, i32) {
    %c0_i32 = arith.constant 0 : i32
    %c0_i32_0 = arith.constant 0 : i32
    return %arg0, %c0_i32 : i32, i32
  }
  func.func @transform_5(%arg0: i32) -> (i32, i32) {
    %c0_i32 = arith.constant 0 : i32
    %c0_i32_0 = arith.constant 0 : i32
    return %arg0, %c0_i32 : i32, i32
  }
}

module attributes {stable_mosaic.version = 14 : i64} {
  func.func @_tc_mid_body(%arg0: i32, %arg1: memref<2x2000x128xf32, #tpu.memory_space<vmem>>, %arg2: memref<2000x32xf32, #tpu.memory_space<vmem>>, %arg3: memref<2000x128xf32, #tpu.memory_space<vmem>>, %arg4: memref<128x128xf32, #tpu.memory_space<vmem>>, %arg5: memref<128x128xf32, #tpu.memory_space<vmem>>, %arg6: memref<1x128xf32, #tpu.memory_space<vmem>>, %arg7: memref<2000x128xf32, #tpu.memory_space<vmem>>, %arg8: memref<2000x128xf32, #tpu.memory_space<vmem>>) attributes {dimension_semantics = [#tpu.dimension_semantics<arbitrary>], iteration_bounds = array<i64: 5>, scalar_prefetch = 0 : i64, scratch_operands = 0 : i64, tpu.core_type = #tpu.core_type<tc>, window_params = [{transform_indices = @transform_0, window_bounds = array<i64: 2, 2000, 128>}, {transform_indices = @transform_1, window_bounds = array<i64: 2000, 32>}, {transform_indices = @transform_2, window_bounds = array<i64: 2000, 128>}, {pipeline_mode = #tpu.pipeline_mode<synchronous>, transform_indices = @transform_3, window_bounds = array<i64: 128, 128>}, {pipeline_mode = #tpu.pipeline_mode<synchronous>, transform_indices = @transform_4, window_bounds = array<i64: 128, 128>}, {pipeline_mode = #tpu.pipeline_mode<synchronous>, transform_indices = @transform_5, window_bounds = array<i64: 1, 128>}, {transform_indices = @transform_6, window_bounds = array<i64: 2000, 128>}, {transform_indices = @transform_7, window_bounds = array<i64: 2000, 128>}]} {
    %get3A = arith.constant 0 : index
    %get3A_0 = arith.constant 0 : index
    %get3A_1 = vector.load %arg2[%get3A, %get3A_0] : memref<2000x32xf32, #tpu.memory_space<vmem>>, vector<2000x32xf32>
    %reduce_sum3A = arith.constant dense<0.000000e+00> : vector<2000xf32>
    %reduce_sum3A_2 = vector.multi_reduction <add>, %get3A_1, %reduce_sum3A [1] : vector<2000x32xf32> to vector<2000xf32>
    %broadcast_in_dim3A = vector.shape_cast %reduce_sum3A_2 : vector<2000xf32> to vector<2000x1xf32>
    %max3A = arith.constant 1.000000e+00 : f32
    %max3A_3 = vector.broadcast %max3A : f32 to vector<2000x1xf32>
    %max3A_4 = arith.maximumf %broadcast_in_dim3A, %max3A_3 : vector<2000x1xf32>
    %div3A = arith.constant 1.000000e+00 : f32
    %div3A_5 = vector.broadcast %div3A : f32 to vector<2000x1xf32>
    %div3A_6 = arith.divf %div3A_5, %max3A_4 : vector<2000x1xf32>
    %get3A_7 = arith.constant 0 : index
    %get3A_8 = arith.constant 0 : index
    %get3A_9 = arith.constant 0 : index
    %get3A_10 = vector.load %arg1[%get3A_7, %get3A_8, %get3A_9] : memref<2x2000x128xf32, #tpu.memory_space<vmem>>, vector<1x2000x128xf32>
    %get3A_11 = vector.shape_cast %get3A_10 : vector<1x2000x128xf32> to vector<2000x128xf32>
    %get3A_12 = arith.constant 1 : index
    %get3A_13 = arith.constant 0 : index
    %get3A_14 = arith.constant 0 : index
    %get3A_15 = vector.load %arg1[%get3A_12, %get3A_13, %get3A_14] : memref<2x2000x128xf32, #tpu.memory_space<vmem>>, vector<1x2000x128xf32>
    %get3A_16 = vector.shape_cast %get3A_15 : vector<1x2000x128xf32> to vector<2000x128xf32>
    %add3A = arith.addf %get3A_11, %get3A_16 : vector<2000x128xf32>
    %mul3A = vector.broadcast %div3A_6 : vector<2000x1xf32> to vector<2000x128xf32>
    %mul3A_17 = arith.mulf %add3A, %mul3A : vector<2000x128xf32>
    %get3A_18 = arith.constant 0 : index
    %get3A_19 = arith.constant 0 : index
    %get3A_20 = vector.load %arg3[%get3A_18, %get3A_19] : memref<2000x128xf32, #tpu.memory_space<vmem>>, vector<2000x128xf32>
    %add3A_21 = arith.addf %mul3A_17, %get3A_20 : vector<2000x128xf32>
    %max3A_22 = arith.constant 0.000000e+00 : f32
    %max3A_23 = vector.broadcast %max3A_22 : f32 to vector<2000x128xf32>
    %max3A_24 = arith.maximumf %add3A_21, %max3A_23 : vector<2000x128xf32>
    %get3A_25 = arith.constant 0 : index
    %get3A_26 = arith.constant 0 : index
    %get3A_27 = vector.load %arg4[%get3A_25, %get3A_26] : memref<128x128xf32, #tpu.memory_space<vmem>>, vector<128x128xf32>
    %dot_general3A = arith.constant dense<0.000000e+00> : vector<2000x128xf32>
    %dot_general3A_28 = tpu.matmul %max3A_24, %get3A_27, %dot_general3A {dimension_numbers = #tpu.dot_dimension_numbers<[1], [0], [0], [1], [0, 0, 1, 1], [], []>, precision = #tpu.contract_precision<fp32>, transpose_lhs_hint = false} : vector<2000x128xf32>, vector<128x128xf32>, vector<2000x128xf32> -> vector<2000x128xf32>
    %swap3A = arith.constant 0 : index
    %swap3A_29 = arith.constant 0 : index
    %swap3A_30 = vector.load %arg7[%swap3A, %swap3A_29] : memref<2000x128xf32, #tpu.memory_space<vmem>>, vector<2000x128xf32>
    tpu.vector_store %arg7[%swap3A, %swap3A_29], %dot_general3A_28 {strides = array<i32>} : memref<2000x128xf32, #tpu.memory_space<vmem>>, vector<2000x128xf32>,
    %get3A_31 = arith.constant 0 : index
    %get3A_32 = arith.constant 0 : index
    %get3A_33 = vector.load %arg5[%get3A_31, %get3A_32] : memref<128x128xf32, #tpu.memory_space<vmem>>, vector<128x128xf32>
    %dot_general3A_34 = arith.constant dense<0.000000e+00> : vector<2000x128xf32>
    %dot_general3A_35 = tpu.matmul %max3A_24, %get3A_33, %dot_general3A_34 {dimension_numbers = #tpu.dot_dimension_numbers<[1], [0], [0], [1], [0, 0, 1, 1], [], []>, precision = #tpu.contract_precision<fp32>, transpose_lhs_hint = false} : vector<2000x128xf32>, vector<128x128xf32>, vector<2000x128xf32> -> vector<2000x128xf32>
    %get3A_36 = arith.constant 0 : index
    %get3A_37 = arith.constant 0 : index
    %get3A_38 = vector.load %arg6[%get3A_36, %get3A_37] : memref<1x128xf32, #tpu.memory_space<vmem>>, vector<1x128xf32>
    %add3A_39 = vector.broadcast %get3A_38 : vector<1x128xf32> to vector<2000x128xf32>
    %add3A_40 = arith.addf %dot_general3A_35, %add3A_39 : vector<2000x128xf32>
    %swap3A_41 = arith.constant 0 : index
    %swap3A_42 = arith.constant 0 : index
    %swap3A_43 = vector.load %arg8[%swap3A_41, %swap3A_42] : memref<2000x128xf32, #tpu.memory_space<vmem>>, vector<2000x128xf32>
    tpu.vector_store %arg8[%swap3A_41, %swap3A_42], %add3A_40 {strides = array<i32>} : memref<2000x128xf32, #tpu.memory_space<vmem>>, vector<2000x128xf32>,
    return
  }
  func.func @transform_0(%arg0: i32) -> (i32, i32, i32) {
    %c0_i32 = arith.constant 0 : i32
    %c0_i32_0 = arith.constant 0 : i32
    %c0_i32_1 = arith.constant 0 : i32
    return %c0_i32, %arg0, %c0_i32_0 : i32, i32, i32
  }
  func.func @transform_1(%arg0: i32) -> (i32, i32) {
    %c0_i32 = arith.constant 0 : i32
    %c0_i32_0 = arith.constant 0 : i32
    return %arg0, %c0_i32 : i32, i32
  }
  func.func @transform_2(%arg0: i32) -> (i32, i32) {
    %c0_i32 = arith.constant 0 : i32
    %c0_i32_0 = arith.constant 0 : i32
    return %arg0, %c0_i32 : i32, i32
  }
  func.func @transform_3(%arg0: i32) -> (i32, i32) {
    %c0_i32 = arith.constant 0 : i32
    %c0_i32_0 = arith.constant 0 : i32
    %c0_i32_1 = arith.constant 0 : i32
    return %c0_i32, %c0_i32_0 : i32, i32
  }
  func.func @transform_4(%arg0: i32) -> (i32, i32) {
    %c0_i32 = arith.constant 0 : i32
    %c0_i32_0 = arith.constant 0 : i32
    %c0_i32_1 = arith.constant 0 : i32
    return %c0_i32, %c0_i32_0 : i32, i32
  }
  func.func @transform_5(%arg0: i32) -> (i32, i32) {
    %c0_i32 = arith.constant 0 : i32
    %c0_i32_0 = arith.constant 0 : i32
    %c0_i32_1 = arith.constant 0 : i32
    return %c0_i32, %c0_i32_0 : i32, i32
  }
  func.func @transform_6(%arg0: i32) -> (i32, i32) {
    %c0_i32 = arith.constant 0 : i32
    %c0_i32_0 = arith.constant 0 : i32
    return %arg0, %c0_i32 : i32, i32
  }
  func.func @transform_7(%arg0: i32) -> (i32, i32) {
    %c0_i32 = arith.constant 0 : i32
    %c0_i32_0 = arith.constant 0 : i32
    return %arg0, %c0_i32 : i32, i32
  }
}

module attributes {stable_mosaic.version = 14 : i64} {
  func.func @_tc_post_body(%arg0: i32, %arg1: memref<2x2000x128xf32, #tpu.memory_space<vmem>>, %arg2: memref<2000x32xf32, #tpu.memory_space<vmem>>, %arg3: memref<2000x128xf32, #tpu.memory_space<vmem>>, %arg4: memref<2000x128xf32, #tpu.memory_space<vmem>>) attributes {dimension_semantics = [#tpu.dimension_semantics<arbitrary>], iteration_bounds = array<i64: 5>, scalar_prefetch = 0 : i64, scratch_operands = 0 : i64, tpu.core_type = #tpu.core_type<tc>, window_params = [{transform_indices = @transform_0, window_bounds = array<i64: 2, 2000, 128>}, {transform_indices = @transform_1, window_bounds = array<i64: 2000, 32>}, {transform_indices = @transform_2, window_bounds = array<i64: 2000, 128>}, {transform_indices = @transform_3, window_bounds = array<i64: 2000, 128>}]} {
    %get3A = arith.constant 0 : index
    %get3A_0 = arith.constant 0 : index
    %get3A_1 = vector.load %arg2[%get3A, %get3A_0] : memref<2000x32xf32, #tpu.memory_space<vmem>>, vector<2000x32xf32>
    %reduce_sum3A = arith.constant dense<0.000000e+00> : vector<2000xf32>
    %reduce_sum3A_2 = vector.multi_reduction <add>, %get3A_1, %reduce_sum3A [1] : vector<2000x32xf32> to vector<2000xf32>
    %broadcast_in_dim3A = vector.shape_cast %reduce_sum3A_2 : vector<2000xf32> to vector<2000x1xf32>
    %max3A = arith.constant 1.000000e+00 : f32
    %max3A_3 = vector.broadcast %max3A : f32 to vector<2000x1xf32>
    %max3A_4 = arith.maximumf %broadcast_in_dim3A, %max3A_3 : vector<2000x1xf32>
    %div3A = arith.constant 1.000000e+00 : f32
    %div3A_5 = vector.broadcast %div3A : f32 to vector<2000x1xf32>
    %div3A_6 = arith.divf %div3A_5, %max3A_4 : vector<2000x1xf32>
    %get3A_7 = arith.constant 0 : index
    %get3A_8 = arith.constant 0 : index
    %get3A_9 = arith.constant 0 : index
    %get3A_10 = vector.load %arg1[%get3A_7, %get3A_8, %get3A_9] : memref<2x2000x128xf32, #tpu.memory_space<vmem>>, vector<1x2000x128xf32>
    %get3A_11 = vector.shape_cast %get3A_10 : vector<1x2000x128xf32> to vector<2000x128xf32>
    %get3A_12 = arith.constant 1 : index
    %get3A_13 = arith.constant 0 : index
    %get3A_14 = arith.constant 0 : index
    %get3A_15 = vector.load %arg1[%get3A_12, %get3A_13, %get3A_14] : memref<2x2000x128xf32, #tpu.memory_space<vmem>>, vector<1x2000x128xf32>
    %get3A_16 = vector.shape_cast %get3A_15 : vector<1x2000x128xf32> to vector<2000x128xf32>
    %add3A = arith.addf %get3A_11, %get3A_16 : vector<2000x128xf32>
    %mul3A = vector.broadcast %div3A_6 : vector<2000x1xf32> to vector<2000x128xf32>
    %mul3A_17 = arith.mulf %add3A, %mul3A : vector<2000x128xf32>
    %get3A_18 = arith.constant 0 : index
    %get3A_19 = arith.constant 0 : index
    %get3A_20 = vector.load %arg3[%get3A_18, %get3A_19] : memref<2000x128xf32, #tpu.memory_space<vmem>>, vector<2000x128xf32>
    %add3A_21 = arith.addf %mul3A_17, %get3A_20 : vector<2000x128xf32>
    %swap3A = arith.constant 0 : index
    %swap3A_22 = arith.constant 0 : index
    %swap3A_23 = vector.load %arg4[%swap3A, %swap3A_22] : memref<2000x128xf32, #tpu.memory_space<vmem>>, vector<2000x128xf32>
    tpu.vector_store %arg4[%swap3A, %swap3A_22], %add3A_21 {strides = array<i32>} : memref<2000x128xf32, #tpu.memory_space<vmem>>, vector<2000x128xf32>,
    return
  }
  func.func @transform_0(%arg0: i32) -> (i32, i32, i32) {
    %c0_i32 = arith.constant 0 : i32
    %c0_i32_0 = arith.constant 0 : i32
    %c0_i32_1 = arith.constant 0 : i32
    return %c0_i32, %arg0, %c0_i32_0 : i32, i32, i32
  }
  func.func @transform_1(%arg0: i32) -> (i32, i32) {
    %c0_i32 = arith.constant 0 : i32
    %c0_i32_0 = arith.constant 0 : i32
    return %arg0, %c0_i32 : i32, i32
  }
  func.func @transform_2(%arg0: i32) -> (i32, i32) {
    %c0_i32 = arith.constant 0 : i32
    %c0_i32_0 = arith.constant 0 : i32
    return %arg0, %c0_i32 : i32, i32
  }
  func.func @transform_3(%arg0: i32) -> (i32, i32) {
    %c0_i32 = arith.constant 0 : i32
    %c0_i32_0 = arith.constant 0 : i32
    return %arg0, %c0_i32 : i32, i32
  }
}

</mosaic_0001>

<sc_bundles>
// kernel: kernel.11.cloned.1.call-start
scs
__scs_entry_jumppad:
0x0: {  	(pc) =	sbr.rel $0x88, $3  }
0x1: {  	(tag) =	ssettag $0x0;
	lr =	simm.s32 $0x1  }
0x2: {  	[smem:$0x3F99] =	sst lr;
	_ =	strace $0xD0000000  }
0x3: {  	_ = 	snop  }
0x4: {  	_ = 	snop  }
0x5: {  	_ = 	snop  }
0x6: {  	_ = 	snop  }
0x7: {  	_ = 	snop  }
__scs_overlays_trampoline_lowered:
0x8: {  	[smem:$0x3FA8] =	sst s0  }
0x9: {  	[smem:$0x3FA9] =	sst s1  }
0xa: {  	[smem:$0x3FAA] =	sst s2  }
0xb: {  	[smem:$0x3FAB] =	sst s3  }
0xc: {  	[smem:$0x3FAC] =	sst s4  }
0xd: {  	[smem:$0x3FAD] =	sst s5  }
0xe: {  	[smem:$0x3FAE] =	sst s6  }
0xf: {  	[smem:$0x3FAF] =	sst s7  }
0x10: {  	[smem:$0x3FB0] =	sst s8  }
0x11: {  	[smem:$0x3FB1] =	sst s9;
	s0 =	simm.s32 @!p0 $0x0  }
0x12: {  	s1 =	sld [smem:$0x3F97];
	s0 =	simm.s32 @p0 $0x1  }
0x13: {  	[smem:$0x3FB2] =	sst s0;
	s0 =	simm.s32 @!p1 $0x0  }
0x14: {  	s2 =	sld [smem:$0x3F96];
	s0 =	simm.s32 @p1 $0x1  }
0x15: {  	[smem:$0x3FB3] =	sst s0;
	s0 =	simm.s32 @!p2 $0x0  }
0x16: {  	s3 =	sld [smem:$0x3FDB];
	s0 =	simm.s32 @p2 $0x1  }
0x17: {  	s4 =	simm.s32 $0x1BF5;
	[smem:$0x3FB5] =	sst s0  }
0x18: {  	s0 =	sld [smem:$0x3F98];
	_ =	swait.ge [sflag:s4], $0x0  }
0x19: {  	s7 =	sld [smem:$0x3F99]  }
0x1a: {  	s8 =	sadd.s32 $0xFFFFE003, lr  }
0x1b: {  	s9 =	sadd.s32 $0xFFFFFEF7, lr;
	s5 =	simm.s32 $0xFFFFFFFF;
	p2 =	slt.u32 s8, $0xFFFFF086  }
0x1c: {  	p1 =	slt.u32 s9, $0xF7A;
	s5 =	simm.s32 @!p2 $0x0  }
0x1d: {  	s5 =	simm.s32 @p1 $0x1;
	p0 =	seq.s32 s7, s2  }
0x1e: {  	s7 =	smul.u32 @!p0 $0xF7A, s2;
	p2 =	seq.s32 @!p0 s5, $0x0  }
0x1f: {  	s9 =	smul.u32 $0xF7A, s1;
	s8 =	simm.s32 @!p0 $0x1BF5;
	p2 =	por !p2, p0  }
0x20: {  	[sflag:s8] =	ssyncset.s32 @!p0 $0xFFFFF086;
	s6 =	sadd.s32 @!p0 s3, s7;
	s7 =	simm.s32 @!p0 $0x108  }
0x21: {  	s3 =	sadd.s32 s3, s9;
	s6 =	sadd.s32 @!p0 $0x88, s6;
	s7 =	simm.s32 @p2 $0x1082  }
0x22: {  	[simem:s7], [sflag:s8] =	dma.local @!p0 [hbm:s6], $0xF7A  }
0x23: {  	s9 =	sor.u32 $0xD0000000, s2;
	s6 =	simm.s32 $0x108;
	_ =	swait.ge @!p0 [sflag:s8], $0x0  }
0x24: {  	s3 =	sadd.s32 $0x88, s3;
	s6 =	simm.s32 @!p1 $0x1082;
	[sflag:s4] =	ssyncset.s32 $0xFFFFF086  }
0x25: {  	[simem:s6], [sflag:s4] =	dma.local [hbm:s3], $0xF7A  }
0x26: {  	[smem:$0x3F99] =	sst s1;
	(tag) =	ssettag s2;
	_ =	strace s9  }
0x27: {  	s1 =	sld [smem:$0x3FA9]  }
0x28: {  	s2 =	sld [smem:$0x3FAA]  }
0x29: {  	s4 =	sld [smem:$0x3FAC]  }
0x2a: {  	p0 =	seq.s32 s5, $0x0;
	s5 =	sld [smem:$0x3FAD]  }
0x2b: {  	s6 =	sld [smem:$0x3FAE]  }
0x2c: {  	s7 =	sld [smem:$0x3FAF]  }
0x2d: {  	s3 =	simm.s32 $0x108;
	s8 =	sld [smem:$0x3FB0]  }
0x2e: {  	s3 =	simm.s32 @!p0 $0x1082;
	s9 =	sld [smem:$0x3FB1]  }
0x2f: {  	lr =	sadd.s32 s0, s3;
	s0 =	sld [smem:$0x3FA8]  }
0x30: {  	s3 =	sld [smem:$0x3FAB]  }
0x31: {  	[smem:$0x3FB4] =	sst s10  }
0x32: {  	s10 =	sld [smem:$0x3FB2];
	_ =	sdelay $0x3  }
0x33: {  	p0 =	seq.s32 s10, $0x1;
	s10 =	sld [smem:$0x3FB4];
	_ =	sdelay $0x3  }
0x34: {  	[smem:$0x3FB4] =	sst s10  }
0x35: {  	s10 =	sld [smem:$0x3FB3];
	_ =	sdelay $0x3  }
0x36: {  	p1 =	seq.s32 s10, $0x1;
	s10 =	sld [smem:$0x3FB4];
	_ =	sdelay $0x3  }
0x37: {  	[smem:$0x3FB4] =	sst s10  }
0x38: {  	s10 =	sld [smem:$0x3FB5]  }
0x39: {  	_ = 	snop;
	(pc) =	sbr.ind lr, $3  }
0x3a: {  	_ = 	snop  }
0x3b: {  	_ = 	snop  }
0x3c: {  	p2 =	seq.s32 s10, $0x1;
	s10 =	sld [smem:$0x3FB4]  }
0x3d: {  	_ =	shalt  }
0x3e: {  	_ =	shalt  }
0x3f: {  	_ =	shalt  }
0x40: {  	_ =	shalt  }
0x41: {  	_ =	shalt  }
0x42: {  	_ =	shalt  }
0x43: {  	_ =	shalt  }
0x44: {  	_ =	shalt  }
0x45: {  	_ =	shalt  }
0x46: {  	_ =	shalt  }
0x47: {  	_ =	shalt  }
0x48: {  	_ =	shalt  }
0x49: {  	_ =	shalt  }
0x4a: {  	_ =	shalt  }
0x4b: {  	_ =	shalt  }
0x4c: {  	_ =	shalt  }
0x4d: {  	_ =	shalt  }
0x4e: {  	_ =	shalt  }
0x4f: {  	_ =	shalt  }
0x50: {  	_ =	shalt  }
0x51: {  	_ =	shalt  }
0x52: {  	_ =	shalt  }
0x53: {  	_ =	shalt  }
0x54: {  	_ =	shalt  }
0x55: {  	_ =	shalt  }
0x56: {  	_ =	shalt  }
0x57: {  	_ =	shalt  }
0x58: {  	_ =	shalt  }
0x59: {  	_ =	shalt  }
0x5a: {  	_ =	shalt  }
0x5b: {  	_ =	shalt  }
0x5c: {  	_ =	shalt  }
0x5d: {  	_ =	shalt  }
0x5e: {  	_ =	shalt  }
0x5f: {  	_ =	shalt  }
0x60: {  	_ =	shalt  }
0x61: {  	_ =	shalt  }
0x62: {  	_ =	shalt  }
0x63: {  	_ =	shalt  }
0x64: {  	_ =	shalt  }
0x65: {  	_ =	shalt  }
0x66: {  	_ =	shalt  }
0x67: {  	_ =	shalt  }
0x68: {  	_ =	shalt  }
0x69: {  	_ =	shalt  }
0x6a: {  	_ =	shalt  }
0x6b: {  	_ =	shalt  }
0x6c: {  	_ =	shalt  }
0x6d: {  	_ =	shalt  }
0x6e: {  	_ =	shalt  }
0x6f: {  	_ =	shalt  }
0x70: {  	_ =	shalt  }
0x71: {  	_ =	shalt  }
0x72: {  	_ =	shalt  }
0x73: {  	_ =	shalt  }
0x74: {  	_ =	shalt  }
0x75: {  	_ =	shalt  }
0x76: {  	_ =	shalt  }
0x77: {  	_ =	shalt  }
0x78: {  	_ =	shalt  }
0x79: {  	_ =	shalt  }
0x7a: {  	_ =	shalt  }
0x7b: {  	_ =	shalt  }
0x7c: {  	_ =	shalt  }
0x7d: {  	_ =	shalt  }
0x7e: {  	_ =	shalt  }
0x7f: {  	_ =	shalt  }
0x80: {  	_ =	shalt  }
0x81: {  	_ =	shalt  }
0x82: {  	_ =	shalt  }
0x83: {  	_ =	shalt  }
0x84: {  	_ =	shalt  }
0x85: {  	_ =	shalt  }
0x86: {  	_ =	shalt  }
0x87: {  	_ =	shalt  }
.Lfunc_end0:
.L_simem_size_0:
called_computation.1_lowered:
.L_overlay_start_0:
0x88: {  	s2 =	sld [smem:$0x3FD9]  }
0x89: {  	s3 =	sld [smem:$0x3FFE];
	_ =	sdelay $0x1  }
0x8a: {  	s1 =	srdreg.scid  }
0x8b: {  	s0 =	sand.u32 $0x1, s1  }
0x8c: {  	s17 =	sshll.u32 s0, $0xA;
	s2 =	sadd.s32 s3, s2  }
0x8d: {  	s2 =	sadd.s32 s2, s17  }
0x8e: {  	[smem:$0x3FC0] =	sst s2  }
0x8f: {  	_ = 	snop  }
0x90: {  	s18 =	sld [smem:$0x3FD0];
	(tm) =	ssettm $0x1  }
0x91: {  	s19 =	sld [smem:$0x3FFB];
	_ =	sdelay $0x3  }
0x92: {  	_ =	strace s19  }
0x93: {  	s2 =	sld [smem:$0x3FFC];
	_ =	sdelay $0x3  }
0x94: {  	_ =	strace s2  }
0x95: {  	s2 =	sld [smem:$0x3FFD];
	_ =	sdelay $0x3  }
0x96: {  	_ =	strace s2  }
0x97: {  	_ =	strace $0x8FFFFFFF  }
0x98: {  	s20 =	sld [smem:$0x3FDB];
	_ =	sdelay $0x1  }
0x99: {  	s4 =	simm.s32 $_scs_section_size  }
0x9a: {  	s5 =	simm.s32 $_size__tile_overlayer_lowered;
	s6 =	simm.s32 $_tile_overlayer_lowered  }
0x9b: {  	s7 =	simm.s32 $0x1BFF;
	s21 =	sshll.u32 s6, $0x1;
	s4 =	sadd.s32 s4, s20  }
0x9c: {  	s22 =	simm.s32 $0x0;
	s5 =	sshll.u32 s5, $0x1;
	s6 =	sadd.s32 s21, s4  }
0x9d: {  	[timem:s22], [sflag:s7] =	dma.local [hbm:s6], s5  }
0x9e: {  	_ =	swait.ge [sflag:s7], s5  }
0x9f: {  	s5 =	ssub.s32 $0x0, s5;
	[sflag:s7] =	ssyncset.done $0x0  }
0xa0: {  	[sflag:s7] =	ssyncadd.s32 s5;
	_ =	sdelay $0x1  }
0xa1: {  	s23 =	simm.s32 $0x1B8B  }
0xa2: {  	_ =	swait.ge [sflag:s23], $0x1  }
0xa3: {  	[sflag:s23] =	ssyncset.done $0x0  }
0xa4: {  	[sflag:s23] =	ssyncadd.s32 $0xFFFFFFFF  }
0xa5: {  	s5 =	sld [smem:$0x0]  }
0xa6: {  	s6 =	sand.u32 $0xFFFFFFFE, s1  }
0xa7: {  	p0 =	sne.s32 s1, s6  }
0xa8: {  	s6 =	sshll.u32 @p0 s6, $0xE  }
0xa9: {  	s6 =	sadd.s32 @p0 $0x11B8D, s6;
	s7 =	sshll.u32 @p0 s5, $0x11  }
0xaa: {  	s6 =	sor.u32 @p0 s7, s6  }
0xab: {  	[sflag:s6] =	ssyncadd.remote.s32 @p0 $0x1;
	_ =	sdelay $0x1  }
0xac: {  	s6 =	simm.s32 @p0 $0x1B8D  }
0xad: {  	_ =	swait.eq @p0 [sflag:s6], $0x1  }
0xae: {  	[sflag:s6] =	ssyncadd.s32 @p0 $0xFFFFFFFF  }
0xaf: {  	s7 =	sshll.u32 @!p0 s1, $0xE  }
0xb0: {  	s7 =	sor.u32 @!p0 $0x4000, s7;
	s6 =	simm.s32 @!p0 $0x1B8D  }
0xb1: {  	s5 =	sshll.u32 @!p0 s5, $0x11;
	s7 =	sadd.s32 @!p0 $0x11B8D, s7;
	_ =	swait.eq @!p0 [sflag:s6], $0x1  }
0xb2: {  	s5 =	sor.u32 @!p0 s5, s7;
	[sflag:s6] =	ssyncadd.s32 @!p0 $0xFFFFFFFF  }
0xb3: {  	s25 =	simm.s32 $0x1B8E;
	s24 =	sld [smem:$0x3FFE];
	[sflag:s5] =	ssyncadd.remote.s32 @!p0 $0x1  }
0xb4: {  	s26 =	simm.s32 $execute0_lowered;
	[smem:$0x3FD2] =	sst s25  }
0xb5: {  	s6 =	sshll.u32 s26, $0x1;
	_ =	strace $0x80000049;
	[dreg:$0x1] =	wrdreg $0xFFFFFFFF  }
0xb6: {  	s28 =	simm.s32 $_size_execute0_lowered;
	s4 =	sadd.s32 s4, s6;
	[dreg:$0x0] =	wrdreg $0x0  }
0xb7: {  	s6 =	sshll.u32 s28, $0x1;
	[dreg:$0x2] =	wrdreg s4  }
0xb8: {  	[dreg:$0x3] =	wrdreg s6  }
0xb9: {  	[dreg:$0x4] =	wrdreg $0xC0  }
0xba: {  	_ =	task [dreg:s22], $0x5FFFF  }
0xbb: {  	[dreg:$0x1] =	wrdreg $0xFFFFFFFF  }
0xbc: {  	[dreg:$0x0] =	wrdreg $0x60  }
0xbd: {  	[dreg:$0x2] =	wrdreg s18  }
0xbe: {  	[dreg:$0x3] =	wrdreg s24  }
0xbf: {  	[dreg:$0x4] =	wrdreg $0xBC000  }
0xc0: {  	[dreg:$0x5] =	wrdreg $0xA  }
0xc1: {  	_ =	task.clear_ibuf [dreg:s22], $0x6FFFF;
	_ =	strace $0x90000049  }
0xc2: {  	s29 =	simm.s32 $0xA;
	_ =	strace $0x8000004B  }
0xc3: {  	_ =	swait.ge [sflag:s29], $0x1  }
0xc4: {  	[sflag:s29] =	ssyncadd.s32 $0xFFFFFFFF  }
0xc5: {  	_ =	strace $0x9000004B  }
0xc6: {  	_ =	sfence  }
0xc7: {  	s30 =	sld [smem:$0x0];
	_ =	sdelay $0x2  }
0xc8: {  	s31 =	sshll.u32 s1, $0xD;
	s1 =	sshrl.u32 s1, $0x2  }
0xc9: {  	s4 =	sand.u32 $0x4000, s31;
	s1 =	sadd.s32 s1, s30  }
0xca: {  	s0 =	sor.u32 s4, s0;
	s1 =	sshll.u32 s1, $0x11  }
0xcb: {  	s0 =	sor.u32 s1, s0  }
0xcc: {  	s0 =	sadd.s32 $0x8F2B, s0  }
0xcd: {  	[sflag:s0] =	ssyncadd.remote.s32 $0x1  }
0xce: {  	_ =	sfence.sel $0xFFFF  }
0xcf: {  	[dreg:$0x0] =	wrdreg $0xFFFFFFFF;
	(pc) =	sbr.abs _section_cstart, $3  }
0xd0: {  	[dreg:$0x1] =	wrdreg $0xFFFFFFFF  }
0xd1: {  	_ =	task.clear_ibuf [dreg:s22], $0x2FFFF;
	_ =	strace $0x9FFFFFFF  }
0xd2: {  	(tm) =	ssettm $0x7FFFFFFF  }
0xd3: {  	_ =	shalt  }
tec
execute0_lowered:
.L_overlay_start_1:
0x0: {  	(tag) =	ssettag $0x1  }
0x1: {  	s1 =	rddreg [dreg:$0x0]  }
0x2: {  	s0 =	rddreg [dreg:$0x1]  }
0x3: {  	s2 =	rddreg [dreg:$0x2]  }
0x4: {  	s4 =	simm.s32 $0x0;
	s3 =	srdreg.scid;
	s10 =	stileid.u32  }
0x5: {  	s29 =	simm.s32 $0x2000;
	s30 =	simm.s32 $0x3;
	s31 =	simm.s32 $0x2  }
0x6: {  	[smem:$0x7FF] =	sst s4;
	s3 =	sand.u32 $0x1, s3;
	s8 =	smul.u32 $0x14000, s10  }
0x7: {  	s5 =	sadd.s32 $0x70800, s0;
	s6 =	sadd.s32 $0x5C800, s0;
	s15 =	smul.u32 $0x50000, s10  }
0x8: {  	s11 =	sadd.s32 $0x84800, s0;
	s7 =	smul.u32 $0x140000, s3;
	_ =	strace $0x8000004A  }
0x9: {  	s9 =	sshll.u32 s3, $0x4;
	[dreg:$0x4] =	wrdreg s11;
	s3 =	ssub.s32 $0x2, s3  }
0xa: {  	s9 =	sor.u32 s10, s9;
	s16 =	sshrl.u32 s3, $0x1;
	s19 =	sshrl.u32 s15, $0x2  }
0xb: {  	s7 =	sadd.s32 s8, s7;
	s8 =	smul.u32 $0x5000, s9;
	s3 =	ssub.s32 s3, s16  }
0xc: {  	s11 =	sadd.s32 s19, s2;
	s9 =	simm.s32 $0x0;
	s7 =	sshrl.u32 s7, $0x3  }
0xd: {  	s3 =	smax.u32 s3, $0x1;
	s13 =	sadd.s32 $0x2800, s11;
	s17 =	sshrl.u32 s8, $0x3  }
0xe: {  	s14 =	sadd.s32 $0x5000, s11;
	[dreg:$0x7] =	wrdreg s3;
	s18 =	sadd.s32 s5, s17  }
0xf: {  	s0 =	sadd.s32 s7, s0;
	s20 =	sadd.s32 s6, s17;
	[dreg:$0x5] =	wrdreg s18  }
0x10: {  	s15 =	sadd.s32 $0x7800, s11;
	s21 =	sadd.s32 $0x85000, s0;
	[dreg:$0x6] =	wrdreg s20  }
0x11: {  	s16 =	sadd.s32 $0xA000, s11;
	s22 =	sadd.s32 $0x85500, s0;
	[dreg:$0x8] =	wrdreg s21  }
0x12: {  	s28 =	sadd.s32 $0x11800, s11;
	s23 =	sadd.s32 $0x85A00, s0;
	[dreg:$0x9] =	wrdreg s22  }
.Ltmp0:
0x13: {  	s24 =	sadd.s32 $0x85F00, s0;
	[dreg:$0xa] =	wrdreg s23;
	(pc) =	sbr.rel .LBB2_1-.Ltmp0, $4  }
0x14: {  	s3 =	simm.s32 $0x64;
	s25 =	sadd.s32 $0x86400, s0;
	[dreg:$0xb] =	wrdreg s24  }
0x15: {  	s7 =	simm.s32 $0x1;
	s26 =	sadd.s32 $0x86900, s0;
	[dreg:$0xc] =	wrdreg s25  }
0x16: {  	s17 =	sadd.s32 $0xC800, s11;
	[dreg:$0xd] =	wrdreg s26;
	s24 =	sadd.s32 $0x86E00, s0  }
0x17: {  	s25 =	sadd.s32 $0x87300, s0;
	s26 =	sadd.s32 $0xF000, s11;
	s0 =	simm.s32 $0x5400  }
.LBB2_8:
0x18: {  	_ =	swait.ge [sflag:s31], $0x3200  }
0x19: {  	[sflag:s31] =	ssyncset.done $0x0  }
0x1a: {  	[sflag:s31] =	ssyncadd.s32 $0xFFFFCE00  }
0x1b: {  	[bflag:$0x0] =	sbarrier.arrive $0xFFFF  }
0x1c: {  	[tilespmem:s29], [sflag:$0x1] =	stream.linear.gather [spmem:s11], $0x2800, $0x38;
	[tilespmem:$0x1FC00] =	vst v63  }
0x1d: {  	_ =	swait.ge [sflag:s7], $0x2800  }
0x1e: {  	[sflag:s7] =	ssyncset.done $0x0  }
0x1f: {  	[sflag:s7] =	ssyncadd.s32 $0xFFFFD800  }
0x20: {  	[tilespmem:s0], [sflag:$0x1] =	stream.linear.gather [spmem:s13], $0x2800, $0x38;
	[tilespmem:$0x1FC00] =	vst v63  }
0x21: {  	s10 =	rddreg [dreg:$0x8]  }
0x22: {  	[hbm4b:s10+s4] =	stream.linear.scatter [tilespmem:s29], [sflag:$0x3], $0x2800, $0x38;
	[tilespmem:$0x1FC00] =	vst v63  }
0x23: {  	_ =	swait.ge [sflag:s30], $0x2800  }
0x24: {  	[sflag:s30] =	ssyncset.done $0x0  }
0x25: {  	[sflag:s30] =	ssyncadd.s32 $0xFFFFD800  }
0x26: {  	_ =	swait.ge [sflag:s7], $0x2800  }
0x27: {  	[sflag:s7] =	ssyncset.done $0x0  }
0x28: {  	[sflag:s7] =	ssyncadd.s32 $0xFFFFD800  }
0x29: {  	[tilespmem:s29], [sflag:$0x1] =	stream.linear.gather [spmem:s14], $0x2800, $0x38;
	[tilespmem:$0x1FC00] =	vst v63  }
0x2a: {  	s18 =	rddreg [dreg:$0x9]  }
0x2b: {  	[hbm4b:s18+s4] =	stream.linear.scatter [tilespmem:s0], [sflag:$0x3], $0x2800, $0x38;
	[tilespmem:$0x1FC00] =	vst v63  }
0x2c: {  	_ =	swait.ge [sflag:s30], $0x2800  }
0x2d: {  	[sflag:s30] =	ssyncset.done $0x0  }
0x2e: {  	[sflag:s30] =	ssyncadd.s32 $0xFFFFD800  }
0x2f: {  	_ =	swait.ge [sflag:s7], $0x2800  }
0x30: {  	[sflag:s7] =	ssyncset.done $0x0  }
0x31: {  	[sflag:s7] =	ssyncadd.s32 $0xFFFFD800  }
0x32: {  	[tilespmem:s0], [sflag:$0x1] =	stream.linear.gather [spmem:s15], $0x2800, $0x38;
	[tilespmem:$0x1FC00] =	vst v63  }
0x33: {  	s19 =	rddreg [dreg:$0xa]  }
0x34: {  	[hbm4b:s19+s4] =	stream.linear.scatter [tilespmem:s29], [sflag:$0x3], $0x2800, $0x38;
	[tilespmem:$0x1FC00] =	vst v63  }
0x35: {  	_ =	swait.ge [sflag:s30], $0x2800  }
0x36: {  	[sflag:s30] =	ssyncset.done $0x0  }
0x37: {  	[sflag:s30] =	ssyncadd.s32 $0xFFFFD800  }
0x38: {  	_ =	swait.ge [sflag:s7], $0x2800  }
0x39: {  	[sflag:s7] =	ssyncset.done $0x0  }
0x3a: {  	[sflag:s7] =	ssyncadd.s32 $0xFFFFD800  }
0x3b: {  	[tilespmem:s29], [sflag:$0x1] =	stream.linear.gather [spmem:s16], $0x2800, $0x38;
	[tilespmem:$0x1FC00] =	vst v63  }
0x3c: {  	s20 =	rddreg [dreg:$0xb]  }
0x3d: {  	[hbm4b:s20+s4] =	stream.linear.scatter [tilespmem:s0], [sflag:$0x3], $0x2800, $0x38;
	[tilespmem:$0x1FC00] =	vst v63  }
0x3e: {  	_ =	swait.ge [sflag:s30], $0x2800  }
0x3f: {  	[sflag:s30] =	ssyncset.done $0x0  }
0x40: {  	[sflag:s30] =	ssyncadd.s32 $0xFFFFD800  }
0x41: {  	_ =	swait.ge [sflag:s7], $0x2800  }
0x42: {  	[sflag:s7] =	ssyncset.done $0x0  }
0x43: {  	[sflag:s7] =	ssyncadd.s32 $0xFFFFD800  }
0x44: {  	[tilespmem:s0], [sflag:$0x1] =	stream.linear.gather [spmem:s17], $0x2800, $0x38;
	[tilespmem:$0x1FC00] =	vst v63  }
0x45: {  	s21 =	rddreg [dreg:$0xc]  }
0x46: {  	[hbm4b:s21+s4] =	stream.linear.scatter [tilespmem:s29], [sflag:$0x3], $0x2800, $0x38;
	[tilespmem:$0x1FC00] =	vst v63  }
0x47: {  	_ =	swait.ge [sflag:s30], $0x2800  }
0x48: {  	[sflag:s30] =	ssyncset.done $0x0  }
0x49: {  	[sflag:s30] =	ssyncadd.s32 $0xFFFFD800  }
0x4a: {  	_ =	swait.ge [sflag:s7], $0x2800  }
0x4b: {  	[sflag:s7] =	ssyncset.done $0x0  }
0x4c: {  	[sflag:s7] =	ssyncadd.s32 $0xFFFFD800  }
0x4d: {  	[tilespmem:s29], [sflag:$0x1] =	stream.linear.gather [spmem:s26], $0x2800, $0x38;
	[tilespmem:$0x1FC00] =	vst v63  }
0x4e: {  	s22 =	rddreg [dreg:$0xd]  }
0x4f: {  	[hbm4b:s22+s4] =	stream.linear.scatter [tilespmem:s0], [sflag:$0x3], $0x2800, $0x38;
	[tilespmem:$0x1FC00] =	vst v63  }
0x50: {  	_ =	swait.ge [sflag:s30], $0x2800  }
0x51: {  	[sflag:s30] =	ssyncset.done $0x0  }
0x52: {  	[sflag:s30] =	ssyncadd.s32 $0xFFFFD800  }
0x53: {  	_ =	swait.ge [sflag:s7], $0x2800  }
0x54: {  	[sflag:s7] =	ssyncset.done $0x0  }
0x55: {  	[sflag:s7] =	ssyncadd.s32 $0xFFFFD800  }
0x56: {  	[tilespmem:s0], [sflag:$0x1] =	stream.linear.gather [spmem:s28], $0x2800, $0x38;
	[tilespmem:$0x1FC00] =	vst v63  }
0x57: {  	_ = 	snop  }
0x58: {  	[hbm4b:s24+s4] =	stream.linear.scatter [tilespmem:s29], [sflag:$0x3], $0x2800, $0x38;
	[tilespmem:$0x1FC00] =	vst v63  }
0x59: {  	_ =	swait.ge [sflag:s30], $0x2800  }
0x5a: {  	[sflag:s30] =	ssyncset.done $0x0  }
0x5b: {  	[sflag:s30] =	ssyncadd.s32 $0xFFFFD800  }
0x5c: {  	_ =	swait.ge [sflag:s7], $0x2800  }
0x5d: {  	[sflag:s7] =	ssyncset.done $0x0  }
0x5e: {  	[sflag:s7] =	ssyncadd.s32 $0xFFFFD800  }
0x5f: {  	[hbm4b:s25+s4] =	stream.linear.scatter [tilespmem:s0], [sflag:$0x3], $0x2800, $0x38;
	[tilespmem:$0x1FC00] =	vst v63  }
0x60: {  	_ =	swait.ge [sflag:s30], $0x2800  }
0x61: {  	s9 =	sadd.s32 $0x1, s9;
	s23 =	rddreg [dreg:$0x7]  }
0x62: {  	p0 =	sne.s32 s9, s23  }
.Ltmp1:
0x63: {  	_ = 	snop;
	(pc) =	sbr.rel @!p0 .LBB2_9-.Ltmp1, $3  }
0x64: {  	_ =	sdelay $0x1  }
0x65: {  	[sflag:s30] =	ssyncset.done $0x0  }
0x66: {  	[sflag:s30] =	ssyncadd.s32 $0xFFFFD800  }
.LBB2_1:
0x67: {  	s10 =	rddreg [dreg:$0x4]  }
0x68: {  	[tilespmem:s29], [sflag:$0x3] =	stream.linear.gather [hbm4b:s10+s4], $0x3200, $0x38;
	[tilespmem:$0x1FC00] =	vst v63  }
0x69: {  	_ =	swait.ge [sflag:s30], $0x3200  }
0x6a: {  	[sflag:s30] =	ssyncset.done $0x0  }
0x6b: {  	[sflag:s30] =	ssyncadd.s32 $0xFFFFCE00  }
0x6c: {  	[spmem:s11] =	stream.linear.scatter [tilespmem:s29], [sflag:$0x2], $0x2800, $0x38;
	[tilespmem:$0x1FC00] =	vst v63  }
0x6d: {  	_ = 	snop  }
0x6e: {  	[spmem:s13] =	stream.linear.scatter [tilespmem:s29], [sflag:$0x2], $0x2800, $0x38;
	[tilespmem:$0x1FC00] =	vst v63  }
0x6f: {  	_ = 	snop  }
0x70: {  	[spmem:s14] =	stream.linear.scatter [tilespmem:s29], [sflag:$0x2], $0x2800, $0x38;
	[tilespmem:$0x1FC00] =	vst v63  }
0x71: {  	_ = 	snop  }
0x72: {  	[spmem:s15] =	stream.linear.scatter [tilespmem:s29], [sflag:$0x2], $0x2800, $0x38;
	[tilespmem:$0x1FC00] =	vst v63  }
0x73: {  	_ = 	snop  }
0x74: {  	[spmem:s16] =	stream.linear.scatter [tilespmem:s29], [sflag:$0x2], $0x2800, $0x38;
	[tilespmem:$0x1FC00] =	vst v63  }
0x75: {  	_ = 	snop  }
0x76: {  	[spmem:s17] =	stream.linear.scatter [tilespmem:s29], [sflag:$0x2], $0x2800, $0x38;
	[tilespmem:$0x1FC00] =	vst v63  }
0x77: {  	_ = 	snop  }
0x78: {  	[spmem:s26] =	stream.linear.scatter [tilespmem:s29], [sflag:$0x2], $0x2800, $0x38;
	[tilespmem:$0x1FC00] =	vst v63  }
0x79: {  	_ = 	snop  }
0x7a: {  	[spmem:s28] =	stream.linear.scatter [tilespmem:s29], [sflag:$0x2], $0x2800, $0x38;
	[tilespmem:$0x1FC00] =	vst v63  }
0x7b: {  	_ =	swait.ge [sflag:s31], $0x2800  }
0x7c: {  	[sflag:s31] =	ssyncset.done $0x0  }
0x7d: {  	[sflag:s31] =	ssyncadd.s32 $0xFFFFD800  }
0x7e: {  	_ =	swait.ge [sflag:s31], $0x2800  }
0x7f: {  	[sflag:s31] =	ssyncset.done $0x0  }
0x80: {  	[sflag:s31] =	ssyncadd.s32 $0xFFFFD800  }
0x81: {  	_ =	swait.ge [sflag:s31], $0x2800  }
0x82: {  	[sflag:s31] =	ssyncset.done $0x0  }
0x83: {  	[sflag:s31] =	ssyncadd.s32 $0xFFFFD800  }
0x84: {  	_ =	swait.ge [sflag:s31], $0x2800  }
0x85: {  	[sflag:s31] =	ssyncset.done $0x0  }
0x86: {  	[sflag:s31] =	ssyncadd.s32 $0xFFFFD800  }
0x87: {  	_ =	swait.ge [sflag:s31], $0x2800  }
0x88: {  	[sflag:s31] =	ssyncset.done $0x0  }
0x89: {  	[sflag:s31] =	ssyncadd.s32 $0xFFFFD800  }
0x8a: {  	_ =	swait.ge [sflag:s31], $0x2800  }
0x8b: {  	[sflag:s31] =	ssyncset.done $0x0  }
0x8c: {  	[sflag:s31] =	ssyncadd.s32 $0xFFFFD800  }
0x8d: {  	_ =	swait.ge [sflag:s31], $0x2800  }
0x8e: {  	[sflag:s31] =	ssyncset.done $0x0  }
0x8f: {  	[sflag:s31] =	ssyncadd.s32 $0xFFFFD800  }
0x90: {  	_ =	swait.ge [sflag:s31], $0x2800  }
0x91: {  	[sflag:s31] =	ssyncset.done $0x0  }
0x92: {  	[sflag:s31] =	ssyncadd.s32 $0xFFFFD800  }
0x93: {  	[bflag:$0x0] =	sbarrier.arrive $0xFFFF  }
0x94: {  	s21 =	rddreg [dreg:$0x5]  }
0x95: {  	[tilespmem:s4], [sflag:$0x3] =	stream.linear.gather [hbm4b:s21+s4], $0x500, $0x38;
	[tilespmem:$0x1FC00] =	vst v63  }
0x96: {  	_ =	swait.ge [sflag:s30], $0x500  }
0x97: {  	[sflag:s30] =	ssyncset.done $0x0  }
0x98: {  	s12 =	simm.s32 $0x1000;
	s22 =	rddreg [dreg:$0x6];
	[sflag:s30] =	ssyncadd.s32 $0xFFFFFB00  }
0x99: {  	[tilespmem:s12], [sflag:$0x3] =	stream.linear.gather [hbm4b:s22+s4], $0x500, $0x38;
	[tilespmem:$0x1FC00] =	vst v63  }
0x9a: {  	_ =	swait.ge [sflag:s30], $0x500  }
.Ltmp2:
0x9b: {  	[sflag:s30] =	ssyncset.done $0x0;
	(pc) =	sbr.rel .LBB2_2-.Ltmp2, $4  }
0x9c: {  	[sflag:s30] =	ssyncadd.s32 $0xFFFFFB00  }
0x9d: {  	[tilespmem:s29], [sflag:$0x1] =	stream.indirect.gather [hbm4b:s1+s3], $0x80, s4, s3, $0xb8;
	[tilespmem:$0x1FC00] =	vst v63  }
0x9e: {  	s23 =	simm.s32 $0x80;
	s10 =	simm.s32 $0x0  }
0x9f: {  	[tilespmem:s0], [sflag:$0x1] =	stream.indirect.gather [hbm4b:s1+s3], $0x80, s23, s3, $0xb8;
	[tilespmem:$0x1FC00] =	vst v63  }
.LBB2_3:
0xa0: {  	s12 =	simm.s32 $0x2;
	s19 =	simm.s32 $0x0;
	s18 =	simm.s32 $0x2  }
.LBB2_6:
0xa1: {  	s20 =	sand.u32 $0xFF, s12  }
0xa2: {  	s20 =	smul.u32 $0xAB, s20;
	_ =	sdelay $0x1  }
0xa3: {  	s20 =	sshrl.u32 s20, $0x9  }
0xa4: {  	s20 =	smul.u32 $0x3, s20;
	_ =	sdelay $0x1  }
0xa5: {  	s23 =	ssub.s32 s12, s20  }
0xa6: {  	s12 =	sand.u32 $0xFF, s23  }
0xa7: {  	s12 =	smul.u32 $0xD000, s12;
	_ =	sdelay $0x1  }
0xa8: {  	s19 =	sshll.u32 s19, $0xB;
	s18 =	sshll.u32 s18, $0x7;
	s12 =	sshrl.u32 s12, $0x2  }
0xa9: {  	s18 =	sadd.s32 s18, s19;
	s12 =	sadd.s32 $0x2000, s12  }
0xaa: {  	[tilespmem:s12], [sflag:$0x1] =	stream.indirect.gather [hbm4b:s1+s3], $0x80, s18, s3, $0xb8;
	[tilespmem:$0x1FC00] =	vst v63  }
.LBB2_7:
0xab: {  	s12 =	smul.u32 $0xAB, s10  }
0xac: {  	s18 =	smul.u32 $0xCD, s10  }
0xad: {  	s12 =	sshrl.u32 s12, $0x9  }
0xae: {  	s18 =	sshrl.u32 s18, $0xB;
	s12 =	sand.u32 $0x7F, s12  }
0xaf: {  	s18 =	sand.u32 $0x1F, s18;
	s12 =	smul.u32 $0x3, s12  }
0xb0: {  	s19 =	smul.u32 $0xA, s18  }
0xb1: {  	s12 =	ssub.s32 s10, s12  }
0xb2: {  	s19 =	ssub.s32 s10, s19;
	s10 =	sadd.s32 $0x1, s10;
	s12 =	sand.u32 $0xFF, s12  }
0xb3: {  	p0 =	sne.s32 s10, $0x64;
	s12 =	smul.u32 $0xD000, s12  }
.Ltmp3:
0xb4: {  	s18 =	sshll.u32 s18, $0xB;
	s19 =	sand.u32 $0xFF, s19;
	(pc) =	sbr.rel @!p0 .LBB2_8-.Ltmp3, $4  }
0xb5: {  	_ =	swait.ge [sflag:s7], $0x3200;
	s18 =	sand.u32 $0x800, s18;
	s19 =	sshll.u32 s19, $0x7  }
0xb6: {  	[sflag:s7] =	ssyncset.done $0x0;
	s18 =	sadd.s32 s19, s18;
	s12 =	sshrl.u32 s12, $0x2  }
0xb7: {  	[sflag:s7] =	ssyncadd.s32 $0xFFFFCE00;
	s18 =	sadd.s32 $0x1000, s18;
	s12 =	sadd.s32 $0x2000, s12  }
0xb8: {  	[spmem:s2] =	stream.indirect.scatter.add.f32 [tilespmem:s12], [sflag:$0x2], $0x80, s18, s3, $0xb8;
	[tilespmem:$0x1FC00] =	vst v63  }
.LBB2_2:
0xb9: {  	p0 =	seq.s32 s10, $0x0  }
.Ltmp4:
0xba: {  	_ = 	snop;
	(pc) =	sbr.rel @p0 .LBB2_3-.Ltmp4, $1  }
0xbb: {  	_ =	sdelay $0x3  }
0xbc: {  	p0 =	sgt.u32 s10, $0x61  }
.Ltmp5:
0xbd: {  	_ = 	snop;
	(pc) =	sbr.rel @p0 .LBB2_7-.Ltmp5, $4  }
0xbe: {  	_ = 	snop  }
0xbf: {  	_ =	swait.ge [sflag:s31], $0x3200  }
0xc0: {  	[sflag:s31] =	ssyncset.done $0x0  }
0xc1: {  	[sflag:s31] =	ssyncadd.s32 $0xFFFFCE00  }
0xc2: {  	s12 =	sadd.s32 $0x2, s10  }
0xc3: {  	s18 =	sand.u32 $0xFF, s12  }
0xc4: {  	s18 =	smul.u32 $0xCD, s18;
	_ =	sdelay $0x1  }
0xc5: {  	s19 =	sshrl.u32 s18, $0xB  }
0xc6: {  	s18 =	smul.u32 $0xA, s19;
	_ =	sdelay $0x1  }
0xc7: {  	s18 =	ssub.s32 s12, s18  }
0xc8: {  	s18 =	sand.u32 $0xFF, s18  }
0xc9: {  	p0 =	sne.s32 s18, $0x0  }
0xca: {  	s20 =	sshll.u32 @!p0 s19, $0xB  }
0xcb: {  	s20 =	sadd.s32 @!p0 s8, s20  }
0xcc: {  	s19 =	sand.u32 $0x1, s19;
	s20 =	sshrl.u32 @!p0 s20, $0x3  }
0xcd: {  	s23 =	simm.s32 @!p0 $0x0;
	s21 =	sshll.u32 @!p0 s19, $0xB;
	s22 =	sadd.s32 @!p0 s5, s20  }
0xce: {  	[tilespmem:s21], [sflag:$0x3] =	stream.linear.gather @!p0 [hbm4b:s22+s23], $0x500, $0x38;
	[tilespmem:$0x1FC00] =	vst v63  }
0xcf: {  	s22 =	simm.s32 @!p0 $0x3  }
0xd0: {  	_ =	swait.ge @!p0 [sflag:s22], $0x500  }
0xd1: {  	s20 =	sadd.s32 @!p0 s6, s20;
	[sflag:s22] =	ssyncset.done @!p0 $0x0  }
.Ltmp6:
0xd2: {  	s21 =	sor.u32 @!p0 $0x1000, s21;
	[sflag:s22] =	ssyncadd.s32 @!p0 $0xFFFFFB00;
	(pc) =	sbr.rel .LBB2_6-.Ltmp6, $4  }
0xd3: {  	[tilespmem:s21], [sflag:$0x3] =	stream.linear.gather @!p0 [hbm4b:s20+s23], $0x500, $0x38;
	[tilespmem:$0x1FC00] =	vst v63  }
0xd4: {  	_ =	swait.ge @!p0 [sflag:s22], $0x500  }
0xd5: {  	[sflag:s22] =	ssyncset.done @!p0 $0x0  }
0xd6: {  	s18 =	simm.s32 @!p0 $0x0;
	[sflag:s22] =	ssyncadd.s32 @!p0 $0xFFFFFB00  }
.LBB2_9:
0xd7: {  	_ =	sfence.sel $0x180000  }
0xd8: {  	[bflag:$0x0] =	sbarrier.arrive $0xFFFF  }
0xd9: {  	_ =	strace $0x9000004A  }
0xda: {  	s0 =	stileid.u32;
	[bflag:$0x2] =	sbarrier.arrive $0xFFFF  }
0xdb: {  	p0 =	sne.s32 s0, $0x0;
	s0 =	rddreg [dreg:$0x3]  }
0xdc: {  	s0 =	sadd.s32 @!p0 $0x100000, s0  }
0xdd: {  	[sflag:s0] =	ssyncadd.tile.s32 @!p0 $0x1;
	_ =	shalt  }
.Lfunc_end2:
_tile_overlayer_lowered:
.L_overlay_start_2:
0xde: {  	(tag) =	ssettag $0x2  }
0xdf: {  	s0 =	rddreg [dreg:$0x0];
	s2 =	stileid.u32  }
0xe0: {  	s1 =	rddreg [dreg:$0x1];
	p0 =	sne.s32 s2, $0x0  }
0xe1: {  	s3 =	rddreg [dreg:$0x2];
	[bflag:$0x3] =	sbarrier.arrive $0xFFFF;
	s2 =	simm.s32 @!p0 $0x1C03  }
0xe2: {  	[timem:s3], [sflag:s2] =	dma.local @!p0 [hbm:s0], s1  }
0xe3: {  	s0 =	simm.s32 @!p0 $0x3  }
0xe4: {  	_ =	swait.ge @!p0 [sflag:s0], s1  }
0xe5: {  	s1 =	ssub.s32 @!p0 $0x0, s1;
	[sflag:s0] =	ssyncset.done @!p0 $0x0  }
0xe6: {  	[sflag:s0] =	ssyncadd.s32 @!p0 s1  }
0xe7: {  	[bflag:$0x3] =	sbarrier.arrive $0xFFFF  }
0xe8: {  	_ =	shalt  }

// kernel: kernel.14.cloned.1.call-start
scs
__scs_entry_jumppad:
0x0: {  	(pc) =	sbr.rel $0x88, $3  }
0x1: {  	(tag) =	ssettag $0x0;
	lr =	simm.s32 $0x1  }
0x2: {  	[smem:$0x3F99] =	sst lr;
	_ =	strace $0xD0000000  }
0x3: {  	_ = 	snop  }
0x4: {  	_ = 	snop  }
0x5: {  	_ = 	snop  }
0x6: {  	_ = 	snop  }
0x7: {  	_ = 	snop  }
__scs_overlays_trampoline_lowered:
0x8: {  	[smem:$0x3FA8] =	sst s0  }
0x9: {  	[smem:$0x3FA9] =	sst s1  }
0xa: {  	[smem:$0x3FAA] =	sst s2  }
0xb: {  	[smem:$0x3FAB] =	sst s3  }
0xc: {  	[smem:$0x3FAC] =	sst s4  }
0xd: {  	[smem:$0x3FAD] =	sst s5  }
0xe: {  	[smem:$0x3FAE] =	sst s6  }
0xf: {  	[smem:$0x3FAF] =	sst s7  }
0x10: {  	[smem:$0x3FB0] =	sst s8  }
0x11: {  	[smem:$0x3FB1] =	sst s9;
	s0 =	simm.s32 @!p0 $0x0  }
0x12: {  	s1 =	sld [smem:$0x3F97];
	s0 =	simm.s32 @p0 $0x1  }
0x13: {  	[smem:$0x3FB2] =	sst s0;
	s0 =	simm.s32 @!p1 $0x0  }
0x14: {  	s2 =	sld [smem:$0x3F96];
	s0 =	simm.s32 @p1 $0x1  }
0x15: {  	[smem:$0x3FB3] =	sst s0;
	s0 =	simm.s32 @!p2 $0x0  }
0x16: {  	s3 =	sld [smem:$0x3FDB];
	s0 =	simm.s32 @p2 $0x1  }
0x17: {  	s4 =	simm.s32 $0x1BF5;
	[smem:$0x3FB5] =	sst s0  }
0x18: {  	s0 =	sld [smem:$0x3F98];
	_ =	swait.ge [sflag:s4], $0x0  }
0x19: {  	s7 =	sld [smem:$0x3F99]  }
0x1a: {  	s8 =	sadd.s32 $0xFFFFE003, lr  }
0x1b: {  	s9 =	sadd.s32 $0xFFFFFEF7, lr;
	s5 =	simm.s32 $0xFFFFFFFF;
	p2 =	slt.u32 s8, $0xFFFFF086  }
0x1c: {  	p1 =	slt.u32 s9, $0xF7A;
	s5 =	simm.s32 @!p2 $0x0  }
0x1d: {  	s5 =	simm.s32 @p1 $0x1;
	p0 =	seq.s32 s7, s2  }
0x1e: {  	s7 =	smul.u32 @!p0 $0xF7A, s2;
	p2 =	seq.s32 @!p0 s5, $0x0  }
0x1f: {  	s9 =	smul.u32 $0xF7A, s1;
	s8 =	simm.s32 @!p0 $0x1BF5;
	p2 =	por !p2, p0  }
0x20: {  	[sflag:s8] =	ssyncset.s32 @!p0 $0xFFFFF086;
	s6 =	sadd.s32 @!p0 s3, s7;
	s7 =	simm.s32 @!p0 $0x108  }
0x21: {  	s3 =	sadd.s32 s3, s9;
	s6 =	sadd.s32 @!p0 $0x88, s6;
	s7 =	simm.s32 @p2 $0x1082  }
0x22: {  	[simem:s7], [sflag:s8] =	dma.local @!p0 [hbm:s6], $0xF7A  }
0x23: {  	s9 =	sor.u32 $0xD0000000, s2;
	s6 =	simm.s32 $0x108;
	_ =	swait.ge @!p0 [sflag:s8], $0x0  }
0x24: {  	s3 =	sadd.s32 $0x88, s3;
	s6 =	simm.s32 @!p1 $0x1082;
	[sflag:s4] =	ssyncset.s32 $0xFFFFF086  }
0x25: {  	[simem:s6], [sflag:s4] =	dma.local [hbm:s3], $0xF7A  }
0x26: {  	[smem:$0x3F99] =	sst s1;
	(tag) =	ssettag s2;
	_ =	strace s9  }
0x27: {  	s1 =	sld [smem:$0x3FA9]  }
0x28: {  	s2 =	sld [smem:$0x3FAA]  }
0x29: {  	s4 =	sld [smem:$0x3FAC]  }
0x2a: {  	p0 =	seq.s32 s5, $0x0;
	s5 =	sld [smem:$0x3FAD]  }
0x2b: {  	s6 =	sld [smem:$0x3FAE]  }
0x2c: {  	s7 =	sld [smem:$0x3FAF]  }
0x2d: {  	s3 =	simm.s32 $0x108;
	s8 =	sld [smem:$0x3FB0]  }
0x2e: {  	s3 =	simm.s32 @!p0 $0x1082;
	s9 =	sld [smem:$0x3FB1]  }
0x2f: {  	lr =	sadd.s32 s0, s3;
	s0 =	sld [smem:$0x3FA8]  }
0x30: {  	s3 =	sld [smem:$0x3FAB]  }
0x31: {  	[smem:$0x3FB4] =	sst s10  }
0x32: {  	s10 =	sld [smem:$0x3FB2];
	_ =	sdelay $0x3  }
0x33: {  	p0 =	seq.s32 s10, $0x1;
	s10 =	sld [smem:$0x3FB4];
	_ =	sdelay $0x3  }
0x34: {  	[smem:$0x3FB4] =	sst s10  }
0x35: {  	s10 =	sld [smem:$0x3FB3];
	_ =	sdelay $0x3  }
0x36: {  	p1 =	seq.s32 s10, $0x1;
	s10 =	sld [smem:$0x3FB4];
	_ =	sdelay $0x3  }
0x37: {  	[smem:$0x3FB4] =	sst s10  }
0x38: {  	s10 =	sld [smem:$0x3FB5]  }
0x39: {  	_ = 	snop;
	(pc) =	sbr.ind lr, $3  }
0x3a: {  	_ = 	snop  }
0x3b: {  	_ = 	snop  }
0x3c: {  	p2 =	seq.s32 s10, $0x1;
	s10 =	sld [smem:$0x3FB4]  }
0x3d: {  	_ =	shalt  }
0x3e: {  	_ =	shalt  }
0x3f: {  	_ =	shalt  }
0x40: {  	_ =	shalt  }
0x41: {  	_ =	shalt  }
0x42: {  	_ =	shalt  }
0x43: {  	_ =	shalt  }
0x44: {  	_ =	shalt  }
0x45: {  	_ =	shalt  }
0x46: {  	_ =	shalt  }
0x47: {  	_ =	shalt  }
0x48: {  	_ =	shalt  }
0x49: {  	_ =	shalt  }
0x4a: {  	_ =	shalt  }
0x4b: {  	_ =	shalt  }
0x4c: {  	_ =	shalt  }
0x4d: {  	_ =	shalt  }
0x4e: {  	_ =	shalt  }
0x4f: {  	_ =	shalt  }
0x50: {  	_ =	shalt  }
0x51: {  	_ =	shalt  }
0x52: {  	_ =	shalt  }
0x53: {  	_ =	shalt  }
0x54: {  	_ =	shalt  }
0x55: {  	_ =	shalt  }
0x56: {  	_ =	shalt  }
0x57: {  	_ =	shalt  }
0x58: {  	_ =	shalt  }
0x59: {  	_ =	shalt  }
0x5a: {  	_ =	shalt  }
0x5b: {  	_ =	shalt  }
0x5c: {  	_ =	shalt  }
0x5d: {  	_ =	shalt  }
0x5e: {  	_ =	shalt  }
0x5f: {  	_ =	shalt  }
0x60: {  	_ =	shalt  }
0x61: {  	_ =	shalt  }
0x62: {  	_ =	shalt  }
0x63: {  	_ =	shalt  }
0x64: {  	_ =	shalt  }
0x65: {  	_ =	shalt  }
0x66: {  	_ =	shalt  }
0x67: {  	_ =	shalt  }
0x68: {  	_ =	shalt  }
0x69: {  	_ =	shalt  }
0x6a: {  	_ =	shalt  }
0x6b: {  	_ =	shalt  }
0x6c: {  	_ =	shalt  }
0x6d: {  	_ =	shalt  }
0x6e: {  	_ =	shalt  }
0x6f: {  	_ =	shalt  }
0x70: {  	_ =	shalt  }
0x71: {  	_ =	shalt  }
0x72: {  	_ =	shalt  }
0x73: {  	_ =	shalt  }
0x74: {  	_ =	shalt  }
0x75: {  	_ =	shalt  }
0x76: {  	_ =	shalt  }
0x77: {  	_ =	shalt  }
0x78: {  	_ =	shalt  }
0x79: {  	_ =	shalt  }
0x7a: {  	_ =	shalt  }
0x7b: {  	_ =	shalt  }
0x7c: {  	_ =	shalt  }
0x7d: {  	_ =	shalt  }
0x7e: {  	_ =	shalt  }
0x7f: {  	_ =	shalt  }
0x80: {  	_ =	shalt  }
0x81: {  	_ =	shalt  }
0x82: {  	_ =	shalt  }
0x83: {  	_ =	shalt  }
0x84: {  	_ =	shalt  }
0x85: {  	_ =	shalt  }
0x86: {  	_ =	shalt  }
0x87: {  	_ =	shalt  }
.Lfunc_end0:
.L_simem_size_0:
called_computation.2_lowered:
.L_overlay_start_0:
0x88: {  	s2 =	sld [smem:$0x3FD9]  }
0x89: {  	s3 =	sld [smem:$0x3FFE];
	_ =	sdelay $0x1  }
0x8a: {  	s1 =	srdreg.scid  }
0x8b: {  	s0 =	sand.u32 $0x1, s1  }
0x8c: {  	s17 =	sshll.u32 s0, $0xA;
	s2 =	sadd.s32 s3, s2  }
0x8d: {  	s2 =	sadd.s32 s2, s17  }
0x8e: {  	[smem:$0x3FC0] =	sst s2  }
0x8f: {  	_ = 	snop  }
0x90: {  	s2 =	sld [smem:$0x3FD0];
	(tm) =	ssettm $0x1  }
0x91: {  	s18 =	sld [smem:$0x3FFB];
	_ =	sdelay $0x3  }
0x92: {  	_ =	strace s18  }
0x93: {  	s3 =	sld [smem:$0x3FFC];
	_ =	sdelay $0x3  }
0x94: {  	_ =	strace s3  }
0x95: {  	s3 =	sld [smem:$0x3FFD];
	_ =	sdelay $0x3  }
0x96: {  	_ =	strace s3  }
0x97: {  	_ =	strace $0x8FFFFFFF  }
0x98: {  	s19 =	sld [smem:$0x3FDB];
	_ =	sdelay $0x1  }
0x99: {  	s4 =	simm.s32 $_scs_section_size  }
0x9a: {  	s5 =	simm.s32 $_size__tile_overlayer_lowered;
	s6 =	simm.s32 $_tile_overlayer_lowered  }
0x9b: {  	s22 =	simm.s32 $0x1BFF;
	s21 =	sshll.u32 s6, $0x1;
	s3 =	sadd.s32 s4, s19  }
0x9c: {  	s7 =	simm.s32 $0x0;
	s20 =	sshll.u32 s5, $0x1;
	s5 =	sadd.s32 s21, s3  }
0x9d: {  	[timem:s7], [sflag:s22] =	dma.local [hbm:s5], s20  }
0x9e: {  	_ =	swait.ge [sflag:s22], s20  }
0x9f: {  	s4 =	ssub.s32 $0x0, s20;
	[sflag:s22] =	ssyncset.done $0x0  }
0xa0: {  	[sflag:s22] =	ssyncadd.s32 s4;
	_ =	sdelay $0x1  }
0xa1: {  	s23 =	simm.s32 $0x1B8B  }
0xa2: {  	_ =	swait.ge [sflag:s23], $0x1  }
0xa3: {  	[sflag:s23] =	ssyncset.done $0x0  }
0xa4: {  	s25 =	simm.s32 $0x1B8E;
	s24 =	sld [smem:$0x3FFE];
	[sflag:s23] =	ssyncadd.s32 $0xFFFFFFFF  }
0xa5: {  	s26 =	simm.s32 $execute0_lowered;
	[smem:$0x3FD2] =	sst s25  }
0xa6: {  	s5 =	sshll.u32 s26, $0x1;
	_ =	strace $0x8000004C;
	[dreg:$0x1] =	wrdreg $0xFFFFFFFF  }
0xa7: {  	s28 =	simm.s32 $_size_execute0_lowered;
	s3 =	sadd.s32 s3, s5;
	[dreg:$0x0] =	wrdreg $0x0  }
0xa8: {  	s5 =	sshll.u32 s28, $0x1;
	[dreg:$0x2] =	wrdreg s3  }
0xa9: {  	[dreg:$0x3] =	wrdreg s5  }
0xaa: {  	[dreg:$0x4] =	wrdreg $0xC0  }
0xab: {  	_ =	task [dreg:s7], $0x5FFFF  }
0xac: {  	[dreg:$0x1] =	wrdreg $0xFFFFFFFF  }
0xad: {  	[dreg:$0x0] =	wrdreg $0x60  }
0xae: {  	[dreg:$0x2] =	wrdreg s2  }
0xaf: {  	[dreg:$0x3] =	wrdreg s24  }
0xb0: {  	[dreg:$0x4] =	wrdreg $0xBC000  }
0xb1: {  	[dreg:$0x5] =	wrdreg $0x9  }
0xb2: {  	_ =	task.clear_ibuf [dreg:s7], $0x6FFFF;
	_ =	strace $0x9000004C  }
0xb3: {  	s29 =	simm.s32 $0x9;
	_ =	strace $0x8000004E  }
0xb4: {  	_ =	swait.ge [sflag:s29], $0x1  }
0xb5: {  	[sflag:s29] =	ssyncadd.s32 $0xFFFFFFFF  }
0xb6: {  	_ =	strace $0x9000004E  }
0xb7: {  	_ =	sfence  }
0xb8: {  	s30 =	sld [smem:$0x0];
	_ =	sdelay $0x2  }
0xb9: {  	s31 =	sshll.u32 s1, $0xD;
	s1 =	sshrl.u32 s1, $0x2  }
0xba: {  	s3 =	sand.u32 $0x4000, s31;
	s1 =	sadd.s32 s1, s30  }
0xbb: {  	s0 =	sor.u32 s3, s0;
	s1 =	sshll.u32 s1, $0x11  }
0xbc: {  	s0 =	sor.u32 s1, s0  }
0xbd: {  	s0 =	sadd.s32 $0x8F2B, s0  }
0xbe: {  	[sflag:s0] =	ssyncadd.remote.s32 $0x1  }
0xbf: {  	_ =	sfence.sel $0xFFFF  }
0xc0: {  	[dreg:$0x0] =	wrdreg $0xFFFFFFFF;
	(pc) =	sbr.abs _section_cstart, $3  }
0xc1: {  	[dreg:$0x1] =	wrdreg $0xFFFFFFFF  }
0xc2: {  	_ =	task.clear_ibuf [dreg:s7], $0x2FFFF;
	_ =	strace $0x9FFFFFFF  }
0xc3: {  	(tm) =	ssettm $0x7FFFFFFF  }
tec
execute0_lowered:
.L_overlay_start_1:
0x0: {  	(tag) =	ssettag $0x1  }
0x1: {  	s1 =	rddreg [dreg:$0x0]  }
0x2: {  	s0 =	rddreg [dreg:$0x1]  }
0x3: {  	s2 =	rddreg [dreg:$0x2]  }
0x4: {  	s4 =	simm.s32 $0x0;
	s3 =	srdreg.scid;
	s10 =	stileid.u32  }
0x5: {  	s29 =	simm.s32 $0x2000;
	s30 =	simm.s32 $0x3;
	s31 =	simm.s32 $0x2  }
0x6: {  	[smem:$0x7FF] =	sst s4;
	s3 =	sand.u32 $0x1, s3;
	s8 =	smul.u32 $0x14000, s10  }
0x7: {  	s5 =	sadd.s32 $0x70800, s0;
	s6 =	sadd.s32 $0x5C800, s0;
	s15 =	smul.u32 $0x50000, s10  }
0x8: {  	s11 =	sadd.s32 $0x84800, s0;
	s7 =	smul.u32 $0x140000, s3;
	_ =	strace $0x8000004D  }
0x9: {  	s9 =	sshll.u32 s3, $0x4;
	[dreg:$0x4] =	wrdreg s11;
	s3 =	ssub.s32 $0x2, s3  }
0xa: {  	s9 =	sor.u32 s10, s9;
	s16 =	sshrl.u32 s3, $0x1;
	s19 =	sshrl.u32 s15, $0x2  }
0xb: {  	s7 =	sadd.s32 s8, s7;
	s8 =	smul.u32 $0x5000, s9;
	s3 =	ssub.s32 s3, s16  }
0xc: {  	s11 =	sadd.s32 s19, s2;
	s9 =	simm.s32 $0x0;
	s7 =	sshrl.u32 s7, $0x3  }
0xd: {  	s3 =	smax.u32 s3, $0x1;
	s13 =	sadd.s32 $0x2800, s11;
	s17 =	sshrl.u32 s8, $0x3  }
0xe: {  	s14 =	sadd.s32 $0x5000, s11;
	[dreg:$0x7] =	wrdreg s3;
	s18 =	sadd.s32 s5, s17  }
0xf: {  	s0 =	sadd.s32 s7, s0;
	s20 =	sadd.s32 s6, s17;
	[dreg:$0x5] =	wrdreg s18  }
0x10: {  	s15 =	sadd.s32 $0x7800, s11;
	s21 =	sadd.s32 $0x2200, s0;
	[dreg:$0x6] =	wrdreg s20  }
0x11: {  	s16 =	sadd.s32 $0xA000, s11;
	s22 =	sadd.s32 $0x2700, s0;
	[dreg:$0x8] =	wrdreg s21  }
0x12: {  	s28 =	sadd.s32 $0x11800, s11;
	s23 =	sadd.s32 $0x2C00, s0;
	[dreg:$0x9] =	wrdreg s22  }
.Ltmp0:
0x13: {  	s24 =	sadd.s32 $0x3100, s0;
	[dreg:$0xa] =	wrdreg s23;
	(pc) =	sbr.rel .LBB2_1-.Ltmp0, $4  }
0x14: {  	s3 =	simm.s32 $0x64;
	s25 =	sadd.s32 $0x3600, s0;
	[dreg:$0xb] =	wrdreg s24  }
0x15: {  	s7 =	simm.s32 $0x1;
	s26 =	sadd.s32 $0x3B00, s0;
	[dreg:$0xc] =	wrdreg s25  }
0x16: {  	s17 =	sadd.s32 $0xC800, s11;
	[dreg:$0xd] =	wrdreg s26;
	s24 =	sadd.s32 $0x4000, s0  }
0x17: {  	s25 =	sadd.s32 $0x4500, s0;
	s26 =	sadd.s32 $0xF000, s11;
	s0 =	simm.s32 $0x5400  }
.LBB2_8:
0x18: {  	_ =	swait.ge [sflag:s31], $0x3200  }
0x19: {  	[sflag:s31] =	ssyncset.done $0x0  }
0x1a: {  	[sflag:s31] =	ssyncadd.s32 $0xFFFFCE00  }
0x1b: {  	[bflag:$0x0] =	sbarrier.arrive $0xFFFF  }
0x1c: {  	[tilespmem:s29], [sflag:$0x1] =	stream.linear.gather [spmem:s11], $0x2800, $0x38;
	[tilespmem:$0x1FC00] =	vst v63  }
0x1d: {  	_ =	swait.ge [sflag:s7], $0x2800  }
0x1e: {  	[sflag:s7] =	ssyncset.done $0x0  }
0x1f: {  	[sflag:s7] =	ssyncadd.s32 $0xFFFFD800  }
0x20: {  	[tilespmem:s0], [sflag:$0x1] =	stream.linear.gather [spmem:s13], $0x2800, $0x38;
	[tilespmem:$0x1FC00] =	vst v63  }
0x21: {  	s10 =	rddreg [dreg:$0x8]  }
0x22: {  	[hbm4b:s10+s4] =	stream.linear.scatter [tilespmem:s29], [sflag:$0x3], $0x2800, $0x38;
	[tilespmem:$0x1FC00] =	vst v63  }
0x23: {  	_ =	swait.ge [sflag:s30], $0x2800  }
0x24: {  	[sflag:s30] =	ssyncset.done $0x0  }
0x25: {  	[sflag:s30] =	ssyncadd.s32 $0xFFFFD800  }
0x26: {  	_ =	swait.ge [sflag:s7], $0x2800  }
0x27: {  	[sflag:s7] =	ssyncset.done $0x0  }
0x28: {  	[sflag:s7] =	ssyncadd.s32 $0xFFFFD800  }
0x29: {  	[tilespmem:s29], [sflag:$0x1] =	stream.linear.gather [spmem:s14], $0x2800, $0x38;
	[tilespmem:$0x1FC00] =	vst v63  }
0x2a: {  	s18 =	rddreg [dreg:$0x9]  }
0x2b: {  	[hbm4b:s18+s4] =	stream.linear.scatter [tilespmem:s0], [sflag:$0x3], $0x2800, $0x38;
	[tilespmem:$0x1FC00] =	vst v63  }
0x2c: {  	_ =	swait.ge [sflag:s30], $0x2800  }
0x2d: {  	[sflag:s30] =	ssyncset.done $0x0  }
0x2e: {  	[sflag:s30] =	ssyncadd.s32 $0xFFFFD800  }
0x2f: {  	_ =	swait.ge [sflag:s7], $0x2800  }
0x30: {  	[sflag:s7] =	ssyncset.done $0x0  }
0x31: {  	[sflag:s7] =	ssyncadd.s32 $0xFFFFD800  }
0x32: {  	[tilespmem:s0], [sflag:$0x1] =	stream.linear.gather [spmem:s15], $0x2800, $0x38;
	[tilespmem:$0x1FC00] =	vst v63  }
0x33: {  	s19 =	rddreg [dreg:$0xa]  }
0x34: {  	[hbm4b:s19+s4] =	stream.linear.scatter [tilespmem:s29], [sflag:$0x3], $0x2800, $0x38;
	[tilespmem:$0x1FC00] =	vst v63  }
0x35: {  	_ =	swait.ge [sflag:s30], $0x2800  }
0x36: {  	[sflag:s30] =	ssyncset.done $0x0  }
0x37: {  	[sflag:s30] =	ssyncadd.s32 $0xFFFFD800  }
0x38: {  	_ =	swait.ge [sflag:s7], $0x2800  }
0x39: {  	[sflag:s7] =	ssyncset.done $0x0  }
0x3a: {  	[sflag:s7] =	ssyncadd.s32 $0xFFFFD800  }
0x3b: {  	[tilespmem:s29], [sflag:$0x1] =	stream.linear.gather [spmem:s16], $0x2800, $0x38;
	[tilespmem:$0x1FC00] =	vst v63  }
0x3c: {  	s20 =	rddreg [dreg:$0xb]  }
0x3d: {  	[hbm4b:s20+s4] =	stream.linear.scatter [tilespmem:s0], [sflag:$0x3], $0x2800, $0x38;
	[tilespmem:$0x1FC00] =	vst v63  }
0x3e: {  	_ =	swait.ge [sflag:s30], $0x2800  }
0x3f: {  	[sflag:s30] =	ssyncset.done $0x0  }
0x40: {  	[sflag:s30] =	ssyncadd.s32 $0xFFFFD800  }
0x41: {  	_ =	swait.ge [sflag:s7], $0x2800  }
0x42: {  	[sflag:s7] =	ssyncset.done $0x0  }
0x43: {  	[sflag:s7] =	ssyncadd.s32 $0xFFFFD800  }
0x44: {  	[tilespmem:s0], [sflag:$0x1] =	stream.linear.gather [spmem:s17], $0x2800, $0x38;
	[tilespmem:$0x1FC00] =	vst v63  }
0x45: {  	s21 =	rddreg [dreg:$0xc]  }
0x46: {  	[hbm4b:s21+s4] =	stream.linear.scatter [tilespmem:s29], [sflag:$0x3], $0x2800, $0x38;
	[tilespmem:$0x1FC00] =	vst v63  }
0x47: {  	_ =	swait.ge [sflag:s30], $0x2800  }
0x48: {  	[sflag:s30] =	ssyncset.done $0x0  }
0x49: {  	[sflag:s30] =	ssyncadd.s32 $0xFFFFD800  }
0x4a: {  	_ =	swait.ge [sflag:s7], $0x2800  }
0x4b: {  	[sflag:s7] =	ssyncset.done $0x0  }
0x4c: {  	[sflag:s7] =	ssyncadd.s32 $0xFFFFD800  }
0x4d: {  	[tilespmem:s29], [sflag:$0x1] =	stream.linear.gather [spmem:s26], $0x2800, $0x38;
	[tilespmem:$0x1FC00] =	vst v63  }
0x4e: {  	s22 =	rddreg [dreg:$0xd]  }
0x4f: {  	[hbm4b:s22+s4] =	stream.linear.scatter [tilespmem:s0], [sflag:$0x3], $0x2800, $0x38;
	[tilespmem:$0x1FC00] =	vst v63  }
0x50: {  	_ =	swait.ge [sflag:s30], $0x2800  }
0x51: {  	[sflag:s30] =	ssyncset.done $0x0  }
0x52: {  	[sflag:s30] =	ssyncadd.s32 $0xFFFFD800  }
0x53: {  	_ =	swait.ge [sflag:s7], $0x2800  }
0x54: {  	[sflag:s7] =	ssyncset.done $0x0  }
0x55: {  	[sflag:s7] =	ssyncadd.s32 $0xFFFFD800  }
0x56: {  	[tilespmem:s0], [sflag:$0x1] =	stream.linear.gather [spmem:s28], $0x2800, $0x38;
	[tilespmem:$0x1FC00] =	vst v63  }
0x57: {  	_ = 	snop  }
0x58: {  	[hbm4b:s24+s4] =	stream.linear.scatter [tilespmem:s29], [sflag:$0x3], $0x2800, $0x38;
	[tilespmem:$0x1FC00] =	vst v63  }
0x59: {  	_ =	swait.ge [sflag:s30], $0x2800  }
0x5a: {  	[sflag:s30] =	ssyncset.done $0x0  }
0x5b: {  	[sflag:s30] =	ssyncadd.s32 $0xFFFFD800  }
0x5c: {  	_ =	swait.ge [sflag:s7], $0x2800  }
0x5d: {  	[sflag:s7] =	ssyncset.done $0x0  }
0x5e: {  	[sflag:s7] =	ssyncadd.s32 $0xFFFFD800  }
0x5f: {  	[hbm4b:s25+s4] =	stream.linear.scatter [tilespmem:s0], [sflag:$0x3], $0x2800, $0x38;
	[tilespmem:$0x1FC00] =	vst v63  }
0x60: {  	_ =	swait.ge [sflag:s30], $0x2800  }
0x61: {  	s9 =	sadd.s32 $0x1, s9;
	s23 =	rddreg [dreg:$0x7]  }
0x62: {  	p0 =	sne.s32 s9, s23  }
.Ltmp1:
0x63: {  	_ = 	snop;
	(pc) =	sbr.rel @!p0 .LBB2_9-.Ltmp1, $3  }
0x64: {  	_ =	sdelay $0x1  }
0x65: {  	[sflag:s30] =	ssyncset.done $0x0  }
0x66: {  	[sflag:s30] =	ssyncadd.s32 $0xFFFFD800  }
.LBB2_1:
0x67: {  	s10 =	rddreg [dreg:$0x4]  }
0x68: {  	[tilespmem:s29], [sflag:$0x3] =	stream.linear.gather [hbm4b:s10+s4], $0x3200, $0x38;
	[tilespmem:$0x1FC00] =	vst v63  }
0x69: {  	_ =	swait.ge [sflag:s30], $0x3200  }
0x6a: {  	[sflag:s30] =	ssyncset.done $0x0  }
0x6b: {  	[sflag:s30] =	ssyncadd.s32 $0xFFFFCE00  }
0x6c: {  	[spmem:s11] =	stream.linear.scatter [tilespmem:s29], [sflag:$0x2], $0x2800, $0x38;
	[tilespmem:$0x1FC00] =	vst v63  }
0x6d: {  	_ = 	snop  }
0x6e: {  	[spmem:s13] =	stream.linear.scatter [tilespmem:s29], [sflag:$0x2], $0x2800, $0x38;
	[tilespmem:$0x1FC00] =	vst v63  }
0x6f: {  	_ = 	snop  }
0x70: {  	[spmem:s14] =	stream.linear.scatter [tilespmem:s29], [sflag:$0x2], $0x2800, $0x38;
	[tilespmem:$0x1FC00] =	vst v63  }
0x71: {  	_ = 	snop  }
0x72: {  	[spmem:s15] =	stream.linear.scatter [tilespmem:s29], [sflag:$0x2], $0x2800, $0x38;
	[tilespmem:$0x1FC00] =	vst v63  }
0x73: {  	_ = 	snop  }
0x74: {  	[spmem:s16] =	stream.linear.scatter [tilespmem:s29], [sflag:$0x2], $0x2800, $0x38;
	[tilespmem:$0x1FC00] =	vst v63  }
0x75: {  	_ = 	snop  }
0x76: {  	[spmem:s17] =	stream.linear.scatter [tilespmem:s29], [sflag:$0x2], $0x2800, $0x38;
	[tilespmem:$0x1FC00] =	vst v63  }
0x77: {  	_ = 	snop  }
0x78: {  	[spmem:s26] =	stream.linear.scatter [tilespmem:s29], [sflag:$0x2], $0x2800, $0x38;
	[tilespmem:$0x1FC00] =	vst v63  }
0x79: {  	_ = 	snop  }
0x7a: {  	[spmem:s28] =	stream.linear.scatter [tilespmem:s29], [sflag:$0x2], $0x2800, $0x38;
	[tilespmem:$0x1FC00] =	vst v63  }
0x7b: {  	_ =	swait.ge [sflag:s31], $0x2800  }
0x7c: {  	[sflag:s31] =	ssyncset.done $0x0  }
0x7d: {  	[sflag:s31] =	ssyncadd.s32 $0xFFFFD800  }
0x7e: {  	_ =	swait.ge [sflag:s31], $0x2800  }
0x7f: {  	[sflag:s31] =	ssyncset.done $0x0  }
0x80: {  	[sflag:s31] =	ssyncadd.s32 $0xFFFFD800  }
0x81: {  	_ =	swait.ge [sflag:s31], $0x2800  }
0x82: {  	[sflag:s31] =	ssyncset.done $0x0  }
0x83: {  	[sflag:s31] =	ssyncadd.s32 $0xFFFFD800  }
0x84: {  	_ =	swait.ge [sflag:s31], $0x2800  }
0x85: {  	[sflag:s31] =	ssyncset.done $0x0  }
0x86: {  	[sflag:s31] =	ssyncadd.s32 $0xFFFFD800  }
0x87: {  	_ =	swait.ge [sflag:s31], $0x2800  }
0x88: {  	[sflag:s31] =	ssyncset.done $0x0  }
0x89: {  	[sflag:s31] =	ssyncadd.s32 $0xFFFFD800  }
0x8a: {  	_ =	swait.ge [sflag:s31], $0x2800  }
0x8b: {  	[sflag:s31] =	ssyncset.done $0x0  }
0x8c: {  	[sflag:s31] =	ssyncadd.s32 $0xFFFFD800  }
0x8d: {  	_ =	swait.ge [sflag:s31], $0x2800  }
0x8e: {  	[sflag:s31] =	ssyncset.done $0x0  }
0x8f: {  	[sflag:s31] =	ssyncadd.s32 $0xFFFFD800  }
0x90: {  	_ =	swait.ge [sflag:s31], $0x2800  }
0x91: {  	[sflag:s31] =	ssyncset.done $0x0  }
0x92: {  	[sflag:s31] =	ssyncadd.s32 $0xFFFFD800  }
0x93: {  	[bflag:$0x0] =	sbarrier.arrive $0xFFFF  }
0x94: {  	s21 =	rddreg [dreg:$0x5]  }
0x95: {  	[tilespmem:s4], [sflag:$0x3] =	stream.linear.gather [hbm4b:s21+s4], $0x500, $0x38;
	[tilespmem:$0x1FC00] =	vst v63  }
0x96: {  	_ =	swait.ge [sflag:s30], $0x500  }
0x97: {  	[sflag:s30] =	ssyncset.done $0x0  }
0x98: {  	s12 =	simm.s32 $0x1000;
	s22 =	rddreg [dreg:$0x6];
	[sflag:s30] =	ssyncadd.s32 $0xFFFFFB00  }
0x99: {  	[tilespmem:s12], [sflag:$0x3] =	stream.linear.gather [hbm4b:s22+s4], $0x500, $0x38;
	[tilespmem:$0x1FC00] =	vst v63  }
0x9a: {  	_ =	swait.ge [sflag:s30], $0x500  }
.Ltmp2:
0x9b: {  	[sflag:s30] =	ssyncset.done $0x0;
	(pc) =	sbr.rel .LBB2_2-.Ltmp2, $4  }
0x9c: {  	[sflag:s30] =	ssyncadd.s32 $0xFFFFFB00  }
0x9d: {  	[tilespmem:s29], [sflag:$0x1] =	stream.indirect.gather [hbm4b:s1+s3], $0x80, s4, s3, $0xb8;
	[tilespmem:$0x1FC00] =	vst v63  }
0x9e: {  	s23 =	simm.s32 $0x80;
	s10 =	simm.s32 $0x0  }
0x9f: {  	[tilespmem:s0], [sflag:$0x1] =	stream.indirect.gather [hbm4b:s1+s3], $0x80, s23, s3, $0xb8;
	[tilespmem:$0x1FC00] =	vst v63  }
.LBB2_3:
0xa0: {  	s12 =	simm.s32 $0x2;
	s19 =	simm.s32 $0x0;
	s18 =	simm.s32 $0x2  }
.LBB2_6:
0xa1: {  	s20 =	sand.u32 $0xFF, s12  }
0xa2: {  	s20 =	smul.u32 $0xAB, s20;
	_ =	sdelay $0x1  }
0xa3: {  	s20 =	sshrl.u32 s20, $0x9  }
0xa4: {  	s20 =	smul.u32 $0x3, s20;
	_ =	sdelay $0x1  }
0xa5: {  	s23 =	ssub.s32 s12, s20  }
0xa6: {  	s12 =	sand.u32 $0xFF, s23  }
0xa7: {  	s12 =	smul.u32 $0xD000, s12;
	_ =	sdelay $0x1  }
0xa8: {  	s19 =	sshll.u32 s19, $0xB;
	s18 =	sshll.u32 s18, $0x7;
	s12 =	sshrl.u32 s12, $0x2  }
0xa9: {  	s18 =	sadd.s32 s18, s19;
	s12 =	sadd.s32 $0x2000, s12  }
0xaa: {  	[tilespmem:s12], [sflag:$0x1] =	stream.indirect.gather [hbm4b:s1+s3], $0x80, s18, s3, $0xb8;
	[tilespmem:$0x1FC00] =	vst v63  }
.LBB2_7:
0xab: {  	s12 =	smul.u32 $0xAB, s10  }
0xac: {  	s18 =	smul.u32 $0xCD, s10  }
0xad: {  	s12 =	sshrl.u32 s12, $0x9  }
0xae: {  	s18 =	sshrl.u32 s18, $0xB;
	s12 =	sand.u32 $0x7F, s12  }
0xaf: {  	s18 =	sand.u32 $0x1F, s18;
	s12 =	smul.u32 $0x3, s12  }
0xb0: {  	s19 =	smul.u32 $0xA, s18  }
0xb1: {  	s12 =	ssub.s32 s10, s12  }
0xb2: {  	s19 =	ssub.s32 s10, s19;
	s10 =	sadd.s32 $0x1, s10;
	s12 =	sand.u32 $0xFF, s12  }
0xb3: {  	p0 =	sne.s32 s10, $0x64;
	s12 =	smul.u32 $0xD000, s12  }
.Ltmp3:
0xb4: {  	s18 =	sshll.u32 s18, $0xB;
	s19 =	sand.u32 $0xFF, s19;
	(pc) =	sbr.rel @!p0 .LBB2_8-.Ltmp3, $4  }
0xb5: {  	_ =	swait.ge [sflag:s7], $0x3200;
	s18 =	sand.u32 $0x800, s18;
	s19 =	sshll.u32 s19, $0x7  }
0xb6: {  	[sflag:s7] =	ssyncset.done $0x0;
	s18 =	sadd.s32 s19, s18;
	s12 =	sshrl.u32 s12, $0x2  }
0xb7: {  	[sflag:s7] =	ssyncadd.s32 $0xFFFFCE00;
	s18 =	sadd.s32 $0x1000, s18;
	s12 =	sadd.s32 $0x2000, s12  }
0xb8: {  	[spmem:s2] =	stream.indirect.scatter.add.f32 [tilespmem:s12], [sflag:$0x2], $0x80, s18, s3, $0xb8;
	[tilespmem:$0x1FC00] =	vst v63  }
.LBB2_2:
0xb9: {  	p0 =	seq.s32 s10, $0x0  }
.Ltmp4:
0xba: {  	_ = 	snop;
	(pc) =	sbr.rel @p0 .LBB2_3-.Ltmp4, $1  }
0xbb: {  	_ =	sdelay $0x3  }
0xbc: {  	p0 =	sgt.u32 s10, $0x61  }
.Ltmp5:
0xbd: {  	_ = 	snop;
	(pc) =	sbr.rel @p0 .LBB2_7-.Ltmp5, $4  }
0xbe: {  	_ = 	snop  }
0xbf: {  	_ =	swait.ge [sflag:s31], $0x3200  }
0xc0: {  	[sflag:s31] =	ssyncset.done $0x0  }
0xc1: {  	[sflag:s31] =	ssyncadd.s32 $0xFFFFCE00  }
0xc2: {  	s12 =	sadd.s32 $0x2, s10  }
0xc3: {  	s18 =	sand.u32 $0xFF, s12  }
0xc4: {  	s18 =	smul.u32 $0xCD, s18;
	_ =	sdelay $0x1  }
0xc5: {  	s19 =	sshrl.u32 s18, $0xB  }
0xc6: {  	s18 =	smul.u32 $0xA, s19;
	_ =	sdelay $0x1  }
0xc7: {  	s18 =	ssub.s32 s12, s18  }
0xc8: {  	s18 =	sand.u32 $0xFF, s18  }
0xc9: {  	p0 =	sne.s32 s18, $0x0  }
0xca: {  	s20 =	sshll.u32 @!p0 s19, $0xB  }
0xcb: {  	s20 =	sadd.s32 @!p0 s8, s20  }
0xcc: {  	s19 =	sand.u32 $0x1, s19;
	s20 =	sshrl.u32 @!p0 s20, $0x3  }
0xcd: {  	s23 =	simm.s32 @!p0 $0x0;
	s21 =	sshll.u32 @!p0 s19, $0xB;
	s22 =	sadd.s32 @!p0 s5, s20  }
0xce: {  	[tilespmem:s21], [sflag:$0x3] =	stream.linear.gather @!p0 [hbm4b:s22+s23], $0x500, $0x38;
	[tilespmem:$0x1FC00] =	vst v63  }
0xcf: {  	s22 =	simm.s32 @!p0 $0x3  }
0xd0: {  	_ =	swait.ge @!p0 [sflag:s22], $0x500  }
0xd1: {  	s20 =	sadd.s32 @!p0 s6, s20;
	[sflag:s22] =	ssyncset.done @!p0 $0x0  }
.Ltmp6:
0xd2: {  	s21 =	sor.u32 @!p0 $0x1000, s21;
	[sflag:s22] =	ssyncadd.s32 @!p0 $0xFFFFFB00;
	(pc) =	sbr.rel .LBB2_6-.Ltmp6, $4  }
0xd3: {  	[tilespmem:s21], [sflag:$0x3] =	stream.linear.gather @!p0 [hbm4b:s20+s23], $0x500, $0x38;
	[tilespmem:$0x1FC00] =	vst v63  }
0xd4: {  	_ =	swait.ge @!p0 [sflag:s22], $0x500  }
0xd5: {  	[sflag:s22] =	ssyncset.done @!p0 $0x0  }
0xd6: {  	s18 =	simm.s32 @!p0 $0x0;
	[sflag:s22] =	ssyncadd.s32 @!p0 $0xFFFFFB00  }
.LBB2_9:
0xd7: {  	_ =	sfence.sel $0x180000  }
0xd8: {  	[bflag:$0x0] =	sbarrier.arrive $0xFFFF  }
0xd9: {  	_ =	strace $0x9000004D  }
0xda: {  	s0 =	stileid.u32;
	[bflag:$0x2] =	sbarrier.arrive $0xFFFF  }
0xdb: {  	p0 =	sne.s32 s0, $0x0;
	s0 =	rddreg [dreg:$0x3]  }
0xdc: {  	s0 =	sadd.s32 @!p0 $0x100000, s0  }
0xdd: {  	[sflag:s0] =	ssyncadd.tile.s32 @!p0 $0x1;
	_ =	shalt  }
.Lfunc_end2:
_tile_overlayer_lowered:
.L_overlay_start_2:
0xde: {  	(tag) =	ssettag $0x2  }
0xdf: {  	s0 =	rddreg [dreg:$0x0];
	s2 =	stileid.u32  }
0xe0: {  	s1 =	rddreg [dreg:$0x1];
	p0 =	sne.s32 s2, $0x0  }
0xe1: {  	s3 =	rddreg [dreg:$0x2];
	[bflag:$0x3] =	sbarrier.arrive $0xFFFF;
	s2 =	simm.s32 @!p0 $0x1C03  }
0xe2: {  	[timem:s3], [sflag:s2] =	dma.local @!p0 [hbm:s0], s1  }
0xe3: {  	s0 =	simm.s32 @!p0 $0x3  }
0xe4: {  	_ =	swait.ge @!p0 [sflag:s0], s1  }
0xe5: {  	s1 =	ssub.s32 @!p0 $0x0, s1;
	[sflag:s0] =	ssyncset.done @!p0 $0x0  }
0xe6: {  	[sflag:s0] =	ssyncadd.s32 @!p0 s1  }
0xe7: {  	[bflag:$0x3] =	sbarrier.arrive $0xFFFF  }
0xe8: {  	_ =	shalt  }

// kernel: kernel.8.cloned.1.call-start
scs
__scs_entry_jumppad:
0x0: {  	(pc) =	sbr.rel $0x88, $3  }
0x1: {  	(tag) =	ssettag $0x0;
	lr =	simm.s32 $0x1  }
0x2: {  	[smem:$0x3F99] =	sst lr;
	_ =	strace $0xD0000000  }
0x3: {  	_ = 	snop  }
0x4: {  	_ = 	snop  }
0x5: {  	_ = 	snop  }
0x6: {  	_ = 	snop  }
0x7: {  	_ = 	snop  }
__scs_overlays_trampoline_lowered:
0x8: {  	[smem:$0x3FA8] =	sst s0  }
0x9: {  	[smem:$0x3FA9] =	sst s1  }
0xa: {  	[smem:$0x3FAA] =	sst s2  }
0xb: {  	[smem:$0x3FAB] =	sst s3  }
0xc: {  	[smem:$0x3FAC] =	sst s4  }
0xd: {  	[smem:$0x3FAD] =	sst s5  }
0xe: {  	[smem:$0x3FAE] =	sst s6  }
0xf: {  	[smem:$0x3FAF] =	sst s7  }
0x10: {  	[smem:$0x3FB0] =	sst s8  }
0x11: {  	[smem:$0x3FB1] =	sst s9;
	s0 =	simm.s32 @!p0 $0x0  }
0x12: {  	s1 =	sld [smem:$0x3F97];
	s0 =	simm.s32 @p0 $0x1  }
0x13: {  	[smem:$0x3FB2] =	sst s0;
	s0 =	simm.s32 @!p1 $0x0  }
0x14: {  	s2 =	sld [smem:$0x3F96];
	s0 =	simm.s32 @p1 $0x1  }
0x15: {  	[smem:$0x3FB3] =	sst s0;
	s0 =	simm.s32 @!p2 $0x0  }
0x16: {  	s3 =	sld [smem:$0x3FDB];
	s0 =	simm.s32 @p2 $0x1  }
0x17: {  	s4 =	simm.s32 $0x1BF5;
	[smem:$0x3FB5] =	sst s0  }
0x18: {  	s0 =	sld [smem:$0x3F98];
	_ =	swait.ge [sflag:s4], $0x0  }
0x19: {  	s7 =	sld [smem:$0x3F99]  }
0x1a: {  	s8 =	sadd.s32 $0xFFFFE003, lr  }
0x1b: {  	s9 =	sadd.s32 $0xFFFFFEF7, lr;
	s5 =	simm.s32 $0xFFFFFFFF;
	p2 =	slt.u32 s8, $0xFFFFF086  }
0x1c: {  	p1 =	slt.u32 s9, $0xF7A;
	s5 =	simm.s32 @!p2 $0x0  }
0x1d: {  	s5 =	simm.s32 @p1 $0x1;
	p0 =	seq.s32 s7, s2  }
0x1e: {  	s7 =	smul.u32 @!p0 $0xF7A, s2;
	p2 =	seq.s32 @!p0 s5, $0x0  }
0x1f: {  	s9 =	smul.u32 $0xF7A, s1;
	s8 =	simm.s32 @!p0 $0x1BF5;
	p2 =	por !p2, p0  }
0x20: {  	[sflag:s8] =	ssyncset.s32 @!p0 $0xFFFFF086;
	s6 =	sadd.s32 @!p0 s3, s7;
	s7 =	simm.s32 @!p0 $0x108  }
0x21: {  	s3 =	sadd.s32 s3, s9;
	s6 =	sadd.s32 @!p0 $0x88, s6;
	s7 =	simm.s32 @p2 $0x1082  }
0x22: {  	[simem:s7], [sflag:s8] =	dma.local @!p0 [hbm:s6], $0xF7A  }
0x23: {  	s9 =	sor.u32 $0xD0000000, s2;
	s6 =	simm.s32 $0x108;
	_ =	swait.ge @!p0 [sflag:s8], $0x0  }
0x24: {  	s3 =	sadd.s32 $0x88, s3;
	s6 =	simm.s32 @!p1 $0x1082;
	[sflag:s4] =	ssyncset.s32 $0xFFFFF086  }
0x25: {  	[simem:s6], [sflag:s4] =	dma.local [hbm:s3], $0xF7A  }
0x26: {  	[smem:$0x3F99] =	sst s1;
	(tag) =	ssettag s2;
	_ =	strace s9  }
0x27: {  	s1 =	sld [smem:$0x3FA9]  }
0x28: {  	s2 =	sld [smem:$0x3FAA]  }
0x29: {  	s4 =	sld [smem:$0x3FAC]  }
0x2a: {  	p0 =	seq.s32 s5, $0x0;
	s5 =	sld [smem:$0x3FAD]  }
0x2b: {  	s6 =	sld [smem:$0x3FAE]  }
0x2c: {  	s7 =	sld [smem:$0x3FAF]  }
0x2d: {  	s3 =	simm.s32 $0x108;
	s8 =	sld [smem:$0x3FB0]  }
0x2e: {  	s3 =	simm.s32 @!p0 $0x1082;
	s9 =	sld [smem:$0x3FB1]  }
0x2f: {  	lr =	sadd.s32 s0, s3;
	s0 =	sld [smem:$0x3FA8]  }
0x30: {  	s3 =	sld [smem:$0x3FAB]  }
0x31: {  	[smem:$0x3FB4] =	sst s10  }
0x32: {  	s10 =	sld [smem:$0x3FB2];
	_ =	sdelay $0x3  }
0x33: {  	p0 =	seq.s32 s10, $0x1;
	s10 =	sld [smem:$0x3FB4];
	_ =	sdelay $0x3  }
0x34: {  	[smem:$0x3FB4] =	sst s10  }
0x35: {  	s10 =	sld [smem:$0x3FB3];
	_ =	sdelay $0x3  }
0x36: {  	p1 =	seq.s32 s10, $0x1;
	s10 =	sld [smem:$0x3FB4];
	_ =	sdelay $0x3  }
0x37: {  	[smem:$0x3FB4] =	sst s10  }
0x38: {  	s10 =	sld [smem:$0x3FB5]  }
0x39: {  	_ = 	snop;
	(pc) =	sbr.ind lr, $3  }
0x3a: {  	_ = 	snop  }
0x3b: {  	_ = 	snop  }
0x3c: {  	p2 =	seq.s32 s10, $0x1;
	s10 =	sld [smem:$0x3FB4]  }
0x3d: {  	_ =	shalt  }
0x3e: {  	_ =	shalt  }
0x3f: {  	_ =	shalt  }
0x40: {  	_ =	shalt  }
0x41: {  	_ =	shalt  }
0x42: {  	_ =	shalt  }
0x43: {  	_ =	shalt  }
0x44: {  	_ =	shalt  }
0x45: {  	_ =	shalt  }
0x46: {  	_ =	shalt  }
0x47: {  	_ =	shalt  }
0x48: {  	_ =	shalt  }
0x49: {  	_ =	shalt  }
0x4a: {  	_ =	shalt  }
0x4b: {  	_ =	shalt  }
0x4c: {  	_ =	shalt  }
0x4d: {  	_ =	shalt  }
0x4e: {  	_ =	shalt  }
0x4f: {  	_ =	shalt  }
0x50: {  	_ =	shalt  }
0x51: {  	_ =	shalt  }
0x52: {  	_ =	shalt  }
0x53: {  	_ =	shalt  }
0x54: {  	_ =	shalt  }
0x55: {  	_ =	shalt  }
0x56: {  	_ =	shalt  }
0x57: {  	_ =	shalt  }
0x58: {  	_ =	shalt  }
0x59: {  	_ =	shalt  }
0x5a: {  	_ =	shalt  }
0x5b: {  	_ =	shalt  }
0x5c: {  	_ =	shalt  }
0x5d: {  	_ =	shalt  }
0x5e: {  	_ =	shalt  }
0x5f: {  	_ =	shalt  }
0x60: {  	_ =	shalt  }
0x61: {  	_ =	shalt  }
0x62: {  	_ =	shalt  }
0x63: {  	_ =	shalt  }
0x64: {  	_ =	shalt  }
0x65: {  	_ =	shalt  }
0x66: {  	_ =	shalt  }
0x67: {  	_ =	shalt  }
0x68: {  	_ =	shalt  }
0x69: {  	_ =	shalt  }
0x6a: {  	_ =	shalt  }
0x6b: {  	_ =	shalt  }
0x6c: {  	_ =	shalt  }
0x6d: {  	_ =	shalt  }
0x6e: {  	_ =	shalt  }
0x6f: {  	_ =	shalt  }
0x70: {  	_ =	shalt  }
0x71: {  	_ =	shalt  }
0x72: {  	_ =	shalt  }
0x73: {  	_ =	shalt  }
0x74: {  	_ =	shalt  }
0x75: {  	_ =	shalt  }
0x76: {  	_ =	shalt  }
0x77: {  	_ =	shalt  }
0x78: {  	_ =	shalt  }
0x79: {  	_ =	shalt  }
0x7a: {  	_ =	shalt  }
0x7b: {  	_ =	shalt  }
0x7c: {  	_ =	shalt  }
0x7d: {  	_ =	shalt  }
0x7e: {  	_ =	shalt  }
0x7f: {  	_ =	shalt  }
0x80: {  	_ =	shalt  }
0x81: {  	_ =	shalt  }
0x82: {  	_ =	shalt  }
0x83: {  	_ =	shalt  }
0x84: {  	_ =	shalt  }
0x85: {  	_ =	shalt  }
0x86: {  	_ =	shalt  }
0x87: {  	_ =	shalt  }
.Lfunc_end0:
.L_simem_size_0:
called_computation_lowered:
.L_overlay_start_0:
0x88: {  	s2 =	sld [smem:$0x3FD9]  }
0x89: {  	s3 =	sld [smem:$0x3FFE];
	_ =	sdelay $0x1  }
0x8a: {  	s1 =	srdreg.scid  }
0x8b: {  	s0 =	sand.u32 $0x1, s1  }
0x8c: {  	s16 =	sshll.u32 s0, $0xA;
	s2 =	sadd.s32 s3, s2  }
0x8d: {  	s2 =	sadd.s32 s2, s16  }
0x8e: {  	[smem:$0x3FC0] =	sst s2  }
0x8f: {  	_ = 	snop  }
0x90: {  	(tm) =	ssettm $0x1  }
0x91: {  	s17 =	sld [smem:$0x3FFB];
	_ =	sdelay $0x3  }
0x92: {  	_ =	strace s17  }
0x93: {  	s2 =	sld [smem:$0x3FFC];
	_ =	sdelay $0x3  }
0x94: {  	_ =	strace s2  }
0x95: {  	s2 =	sld [smem:$0x3FFD];
	_ =	sdelay $0x3  }
0x96: {  	_ =	strace s2  }
0x97: {  	_ =	strace $0x8FFFFFFF  }
0x98: {  	s18 =	sld [smem:$0x3FDB];
	_ =	sdelay $0x1  }
0x99: {  	s19 =	simm.s32 $_scs_section_size  }
0x9a: {  	s4 =	simm.s32 $_size__tile_overlayer_lowered;
	s5 =	simm.s32 $_tile_overlayer_lowered  }
0x9b: {  	s22 =	simm.s32 $0x1BFF;
	s21 =	sshll.u32 s5, $0x1;
	s2 =	sadd.s32 s19, s18  }
0x9c: {  	s6 =	simm.s32 $0x0;
	s20 =	sshll.u32 s4, $0x1;
	s4 =	sadd.s32 s21, s2  }
0x9d: {  	[timem:s6], [sflag:s22] =	dma.local [hbm:s4], s20  }
0x9e: {  	_ =	swait.ge [sflag:s22], s20  }
0x9f: {  	s3 =	ssub.s32 $0x0, s20;
	[sflag:s22] =	ssyncset.done $0x0  }
0xa0: {  	[sflag:s22] =	ssyncadd.s32 s3;
	_ =	sdelay $0x1  }
0xa1: {  	s23 =	simm.s32 $0x1B8B  }
0xa2: {  	_ =	swait.ge [sflag:s23], $0x1  }
0xa3: {  	[sflag:s23] =	ssyncset.done $0x0  }
0xa4: {  	s25 =	simm.s32 $0x1B8E;
	s24 =	sld [smem:$0x3FFE];
	[sflag:s23] =	ssyncadd.s32 $0xFFFFFFFF  }
0xa5: {  	s26 =	simm.s32 $execute0_lowered;
	[smem:$0x3FD2] =	sst s25  }
0xa6: {  	s4 =	sshll.u32 s26, $0x1;
	_ =	strace $0x80000046;
	[dreg:$0x1] =	wrdreg $0xFFFFFFFF  }
0xa7: {  	s28 =	simm.s32 $_size_execute0_lowered;
	s2 =	sadd.s32 s2, s4;
	[dreg:$0x0] =	wrdreg $0x0  }
0xa8: {  	s4 =	sshll.u32 s28, $0x1;
	[dreg:$0x2] =	wrdreg s2  }
0xa9: {  	[dreg:$0x3] =	wrdreg s4  }
0xaa: {  	[dreg:$0x4] =	wrdreg $0xC0  }
0xab: {  	_ =	task [dreg:s6], $0x5FFFF  }
0xac: {  	[dreg:$0x1] =	wrdreg $0xFFFFFFFF  }
0xad: {  	[dreg:$0x0] =	wrdreg $0x60  }
0xae: {  	[dreg:$0x2] =	wrdreg s24  }
0xaf: {  	[dreg:$0x3] =	wrdreg $0x9  }
0xb0: {  	_ =	task.clear_ibuf [dreg:s6], $0x4FFFF;
	_ =	strace $0x90000046  }
0xb1: {  	s29 =	simm.s32 $0x9;
	_ =	strace $0x80000048  }
0xb2: {  	_ =	swait.ge [sflag:s29], $0x1  }
0xb3: {  	[sflag:s29] =	ssyncadd.s32 $0xFFFFFFFF  }
0xb4: {  	_ =	strace $0x90000048  }
0xb5: {  	_ =	sfence  }
0xb6: {  	s30 =	sld [smem:$0x0];
	_ =	sdelay $0x2  }
0xb7: {  	s31 =	sshll.u32 s1, $0xD;
	s1 =	sshrl.u32 s1, $0x2  }
0xb8: {  	s3 =	sand.u32 $0x4000, s31;
	s1 =	sadd.s32 s1, s30  }
0xb9: {  	s0 =	sor.u32 s3, s0;
	s1 =	sshll.u32 s1, $0x11  }
0xba: {  	s0 =	sor.u32 s1, s0  }
0xbb: {  	s0 =	sadd.s32 $0x8F2B, s0  }
0xbc: {  	[sflag:s0] =	ssyncadd.remote.s32 $0x1  }
0xbd: {  	_ =	sfence.sel $0xFFFF  }
0xbe: {  	[dreg:$0x0] =	wrdreg $0xFFFFFFFF;
	(pc) =	sbr.abs _section_cstart, $3  }
0xbf: {  	[dreg:$0x1] =	wrdreg $0xFFFFFFFF  }
0xc0: {  	_ =	task.clear_ibuf [dreg:s6], $0x2FFFF;
	_ =	strace $0x9FFFFFFF  }
0xc1: {  	(tm) =	ssettm $0x7FFFFFFF  }
tec
execute0_lowered:
.L_overlay_start_1:
0x0: {  	(tag) =	ssettag $0x1  }
0x1: {  	s0 =	srdreg.scid  }
0x2: {  	s4 =	rddreg [dreg:$0x0];
	s1 =	stileid.u32  }
0x3: {  	s11 =	simm.s32 $0x4000;
	s12 =	simm.s32 $0x1;
	s13 =	simm.s32 $0x80  }
0x4: {  	s14 =	simm.s32 $0x400;
	s15 =	simm.s32 $0x0;
	s3 =	sand.u32 $0x1, s0  }
0x5: {  	s0 =	rddreg [dreg:$0x1];
	s7 =	sshll.u32 s1, $0x7;
	s2 =	sshll.u32 s3, $0x4  }
0x6: {  	s7 =	sand.u32 $0x380, s7;
	s29 =	ssub.s32 $0x2, s3;
	s5 =	sor.u32 s1, s2  }
0x7: {  	s3 =	sadd.s32 $0x52200, s4;
	s6 =	smul.u32 $0x14000, s5;
	s5 =	sshrl.u32 s5, $0x3  }
0x8: {  	s2 =	simm.s32 $0x0;
	s30 =	sshrl.u32 s29, $0x1;
	s5 =	smul.u32 $0x14000, s5  }
0x9: {  	[smem:$0x7FF] =	sst s2;
	s31 =	ssub.s32 s29, s30;
	s6 =	sshrl.u32 s6, $0x3  }
0xa: {  	_ =	strace $0x80000047;
	s5 =	sor.u32 s7, s5;
	s10 =	sadd.s32 s6, s4  }
0xb: {  	s5 =	sshrl.u32 s5, $0x3;
	s6 =	sadd.s32 $0x2200, s10;
	s7 =	sadd.s32 $0x2A00, s10  }
0xc: {  	s8 =	sadd.s32 $0x3200, s10;
	s9 =	sadd.s32 $0x3A00, s10;
	s4 =	sadd.s32 s5, s4  }
0xd: {  	v0 =	vimm.f32 $1.000000000e+00;
	s10 =	sadd.s32 $0x4200, s10;
	s5 =	smax.u32 s31, $0x1;
	s4 =	sadd.s32 $0x52800, s4  }
.LBB2_1:
0xe: {  	[tilespmem:s11], [sflag:$0x1] =	stream.linear.gather [hbm4b:s3+s2], $0x2800, $0x38;
	[tilespmem:$0x6800] =	vst v63  }
0xf: {  	_ =	swait.ge [sflag:s12], $0x2800  }
0x10: {  	[sflag:s12] =	ssyncset.done $0x0  }
0x11: {  	[sflag:s12] =	ssyncadd.s32 $0xFFFFD800  }
0x12: {  	[tilespmem:s2], [sflag:$0x1] =	stream.linear.gather [hbm4b:s6+s2], $0x3E80, $0x38;
	[tilespmem:$0x6800] =	vst v63  }
0x13: {  	_ =	swait.ge [sflag:s12], $0x3E80  }
0x14: {  	[sflag:s12] =	ssyncset.done $0x0  }
0x15: {  	s17 =	simm.s32 $0x0;
	s16 =	simm.s32 $0x200;
	[sflag:s12] =	ssyncadd.s32 $0xFFFFC180  }
.LBB2_2:
0x16: {  	p0 =	sne.s32 s16, $0xF800;
	v1 =	vld [tilespmem:s17+$0x0];
	_ =	sdelay $0x3  }
.Ltmp0:
0x17: {  	(pc) =	sbr.rel @p0 .LBB2_2-.Ltmp0, $2  }
0x18: {  	_ =	sdelay $0x2  }
0x19: {  	s17 =	sshra.s32 s16, $0x2;
	s16 =	sadd.s32 $0x200, s16;
	[tilespmem:v1+s11+$0x0] =	vst.idx.add.f32.msk $0xffff, v0  }
0x1a: {  	v1 =	vld [tilespmem:s17+$0x0];
	_ =	sdelay $0x7  }
0x1b: {  	s16 =	simm.s32 $0x0;
	[tilespmem:v1+s11+$0x0] =	vst.idx.add.f32.msk $0xffff, v0  }
0x1c: {  	[tilespmem:s16], [sflag:$0x1] =	stream.linear.gather [hbm4b:s7+s16], $0x3E80, $0x38;
	[tilespmem:$0x6800] =	vst v63  }
0x1d: {  	_ =	swait.ge [sflag:s12], $0x3E80  }
0x1e: {  	[sflag:s12] =	ssyncset.done $0x0  }
0x1f: {  	s17 =	simm.s32 $0x0;
	s16 =	simm.s32 $0x200;
	[sflag:s12] =	ssyncadd.s32 $0xFFFFC180  }
.LBB2_4:
0x20: {  	p0 =	sne.s32 s16, $0xF800;
	v1 =	vld [tilespmem:s17+$0x0];
	_ =	sdelay $0x3  }
.Ltmp1:
0x21: {  	(pc) =	sbr.rel @p0 .LBB2_4-.Ltmp1, $2  }
0x22: {  	_ =	sdelay $0x2  }
0x23: {  	s17 =	sshra.s32 s16, $0x2;
	s16 =	sadd.s32 $0x200, s16;
	[tilespmem:v1+s11+$0x0] =	vst.idx.add.f32.msk $0xffff, v0  }
0x24: {  	v1 =	vld [tilespmem:s17+$0x0];
	_ =	sdelay $0x7  }
0x25: {  	s16 =	simm.s32 $0x0;
	[tilespmem:v1+s11+$0x0] =	vst.idx.add.f32.msk $0xffff, v0  }
0x26: {  	[tilespmem:s16], [sflag:$0x1] =	stream.linear.gather [hbm4b:s8+s16], $0x3E80, $0x38;
	[tilespmem:$0x6800] =	vst v63  }
0x27: {  	_ =	swait.ge [sflag:s12], $0x3E80  }
0x28: {  	[sflag:s12] =	ssyncset.done $0x0  }
0x29: {  	s17 =	simm.s32 $0x0;
	s16 =	simm.s32 $0x200;
	[sflag:s12] =	ssyncadd.s32 $0xFFFFC180  }
.LBB2_6:
0x2a: {  	p0 =	sne.s32 s16, $0xF800;
	v1 =	vld [tilespmem:s17+$0x0];
	_ =	sdelay $0x3  }
.Ltmp2:
0x2b: {  	(pc) =	sbr.rel @p0 .LBB2_6-.Ltmp2, $2  }
0x2c: {  	_ =	sdelay $0x2  }
0x2d: {  	s17 =	sshra.s32 s16, $0x2;
	s16 =	sadd.s32 $0x200, s16;
	[tilespmem:v1+s11+$0x0] =	vst.idx.add.f32.msk $0xffff, v0  }
0x2e: {  	v1 =	vld [tilespmem:s17+$0x0];
	_ =	sdelay $0x7  }
0x2f: {  	s16 =	simm.s32 $0x0;
	[tilespmem:v1+s11+$0x0] =	vst.idx.add.f32.msk $0xffff, v0  }
0x30: {  	[tilespmem:s16], [sflag:$0x1] =	stream.linear.gather [hbm4b:s9+s16], $0x3E80, $0x38;
	[tilespmem:$0x6800] =	vst v63  }
0x31: {  	_ =	swait.ge [sflag:s12], $0x3E80  }
0x32: {  	[sflag:s12] =	ssyncset.done $0x0  }
0x33: {  	s17 =	simm.s32 $0x0;
	s16 =	simm.s32 $0x200;
	[sflag:s12] =	ssyncadd.s32 $0xFFFFC180  }
.LBB2_8:
0x34: {  	p0 =	sne.s32 s16, $0xF800;
	v1 =	vld [tilespmem:s17+$0x0];
	_ =	sdelay $0x3  }
.Ltmp3:
0x35: {  	(pc) =	sbr.rel @p0 .LBB2_8-.Ltmp3, $2  }
0x36: {  	_ =	sdelay $0x2  }
0x37: {  	s17 =	sshra.s32 s16, $0x2;
	s16 =	sadd.s32 $0x200, s16;
	[tilespmem:v1+s11+$0x0] =	vst.idx.add.f32.msk $0xffff, v0  }
0x38: {  	v1 =	vld [tilespmem:s17+$0x0];
	_ =	sdelay $0x7  }
0x39: {  	s16 =	simm.s32 $0x0;
	[tilespmem:v1+s11+$0x0] =	vst.idx.add.f32.msk $0xffff, v0  }
0x3a: {  	[tilespmem:s16], [sflag:$0x1] =	stream.linear.gather [hbm4b:s10+s16], $0x3E80, $0x38;
	[tilespmem:$0x6800] =	vst v63  }
0x3b: {  	_ =	swait.ge [sflag:s12], $0x3E80  }
0x3c: {  	[sflag:s12] =	ssyncset.done $0x0  }
0x3d: {  	s17 =	simm.s32 $0x0;
	s16 =	simm.s32 $0x200;
	[sflag:s12] =	ssyncadd.s32 $0xFFFFC180  }
.LBB2_10:
0x3e: {  	p0 =	sne.s32 s16, $0xF800;
	v1 =	vld [tilespmem:s17+$0x0];
	_ =	sdelay $0x3  }
.Ltmp4:
0x3f: {  	(pc) =	sbr.rel @p0 .LBB2_10-.Ltmp4, $2  }
0x40: {  	_ =	sdelay $0x2  }
0x41: {  	s17 =	sshra.s32 s16, $0x2;
	s16 =	sadd.s32 $0x200, s16;
	[tilespmem:v1+s11+$0x0] =	vst.idx.add.f32.msk $0xffff, v0  }
0x42: {  	v1 =	vld [tilespmem:s17+$0x0];
	_ =	sdelay $0x5  }
0x43: {  	s15 =	sadd.s32 $0x1, s15  }
0x44: {  	p0 =	sne.s32 s15, s5  }
.Ltmp5:
0x45: {  	[tilespmem:v1+s11+$0x0] =	vst.idx.add.f32.msk $0xffff, v0;
	(pc) =	sbr.rel @p0 .LBB2_1-.Ltmp5, $4  }
0x46: {  	[hbm4b:s4+s13] =	stream.strided.scatter [tilespmem:s11], [sflag:$0x1], $0x2800, s14, s13, $0x38;
	[tilespmem:$0x6800] =	vst v63  }
0x47: {  	_ =	swait.ge [sflag:s12], $0x2800  }
0x48: {  	[sflag:s12] =	ssyncset.done $0x0  }
0x49: {  	[sflag:s12] =	ssyncadd.s32 $0xFFFFD800  }
0x4a: {  	_ =	sfence.sel $0x180000  }
0x4b: {  	[bflag:$0x0] =	sbarrier.arrive $0xFFFF  }
0x4c: {  	p0 =	sne.s32 s1, $0x0;
	_ =	strace $0x90000047  }
0x4d: {  	s0 =	sadd.s32 @!p0 $0x100000, s0;
	[bflag:$0x2] =	sbarrier.arrive $0xFFFF  }
0x4e: {  	[sflag:s0] =	ssyncadd.tile.s32 @!p0 $0x1;
	_ =	shalt  }
.Lfunc_end2:
_tile_overlayer_lowered:
.L_overlay_start_2:
0x4f: {  	(tag) =	ssettag $0x2  }
0x50: {  	s0 =	rddreg [dreg:$0x0];
	s2 =	stileid.u32  }
0x51: {  	s1 =	rddreg [dreg:$0x1];
	p0 =	sne.s32 s2, $0x0  }
0x52: {  	s3 =	rddreg [dreg:$0x2];
	[bflag:$0x3] =	sbarrier.arrive $0xFFFF;
	s2 =	simm.s32 @!p0 $0x1C01  }
0x53: {  	[timem:s3], [sflag:s2] =	dma.local @!p0 [hbm:s0], s1  }
0x54: {  	s0 =	simm.s32 @!p0 $0x1  }
0x55: {  	_ =	swait.ge @!p0 [sflag:s0], s1  }
0x56: {  	s1 =	ssub.s32 @!p0 $0x0, s1;
	[sflag:s0] =	ssyncset.done @!p0 $0x0  }
0x57: {  	[sflag:s0] =	ssyncadd.s32 @!p0 s1  }
0x58: {  	[bflag:$0x3] =	sbarrier.arrive $0xFFFF  }
0x59: {  	_ =	shalt  }

</sc_bundles>
